<compile_context>
chip_gen: v7x
topology: tpu7x:2x2x1
jax: 0.10.2.dev20260603
libtpu: 0.0.44.dev20260713+nightly
codegen_flags: <defaults>
</compile_context>

<pallas_src>
import jax
import jax.numpy as jnp
from jax import lax
from jax.experimental import pallas as pl
from jax.experimental.pallas import tpu as pltpu
from jax.experimental.pallas import tpu_sc as plsc

VOCAB_SIZE = 100000
MODEL_DIM = 128
CODEBOOK_SIZE = 1000000
NGRAM = 4
MULTIPLIERS = (911382323, 972663749, 97266353, 19260817)

_M1000 = tuple((1000 * m) % CODEBOOK_SIZE for m in MULTIPLIERS)
_M1 = tuple(m % CODEBOOK_SIZE for m in MULTIPLIERS)

_B, _T = 4, 8192
_TOKENS = _B * _T
_NW = 32
_PER_W = _TOKENS // _NW
_CHUNK = 128
_NCHUNK = _PER_W // _CHUNK
_CH_PER_ROW = _T // _PER_W
_HALO = 16
_NBUF = 6
_DIST = 3


def _i32(x):
    return jnp.asarray(x, jnp.int32)


def _splat(v):
    return jnp.full((16,), v, jnp.int32)


def _gather_body(ids_hbm, table_hbm, out_hbm,
                 ids_ext, idx_v, mix_v, rows, gsem, osem):
    wid = lax.axis_index("s") * 2 + lax.axis_index("c")
    base = wid * _PER_W
    halo_src = pl.multiple_of(
        jnp.maximum(base - _HALO, 0).astype(jnp.int32), _HALO)
    pltpu.sync_copy(ids_hbm.at[pl.ds(halo_src, _HALO)],
                    ids_ext.at[pl.ds(0, _HALO)])
    base32 = pl.multiple_of(base.astype(jnp.int32), _PER_W)
    pltpu.sync_copy(ids_hbm.at[pl.ds(base32, _PER_W)],
                    ids_ext.at[pl.ds(_HALO, _PER_W)])
    pltpu.sync_copy(ids_hbm.at[pl.ds(_i32(_TOKENS), _HALO)], mix_v)
    m = lax.bitcast_convert_type(mix_v[...], jnp.float32)
    need_scale = m[0] != jnp.asarray(1.0, jnp.float32)
    edge_i = ((wid % _CH_PER_ROW) == 0).astype(jnp.int32)
    edge_v = jnp.broadcast_to(edge_i, (16,))
    lane = lax.broadcasted_iota(jnp.int32, (16,), 0)

    k1000 = _splat(1000)
    kmod = _splat(CODEBOOK_SIZE)
    km1000 = [_splat(v) for v in _M1000[:NGRAM - 1]]
    km1 = [_splat(v) for v in _M1[:NGRAM - 1]]
    koff = [_splat(o) for o in range(1, NGRAM)]
    inv1000 = jnp.full((16,), 1.0 / 1000.0, jnp.float32)
    inv1e6 = jnp.full((16,), 1.0 / float(CODEBOOK_SIZE), jnp.float32)
    half = jnp.full((16,), 0.5, jnp.float32)
    k31 = jnp.full((16,), 31, jnp.uint32)

    def _mod1e6(x):
        q = (x.astype(jnp.float32) * inv1e6 - half).astype(jnp.int32)
        t = x - q * kmod - kmod
        return t + lax.shift_right_logical(t, k31.astype(jnp.int32)) * kmod

    first_tok = lax.gather(
        ids_ext[pl.ds(_HALO, 16)], jnp.zeros((16, 1), jnp.int32),
        dimension_numbers=lax.GatherDimensionNumbers(
            offset_dims=(), collapsed_slice_dims=(0,),
            start_index_map=(0,)),
        slice_sizes=(1,),
        mode=lax.GatherScatterMode.PROMISE_IN_BOUNDS)
    t13 = lane - _splat(13)
    ge13 = _splat(1) - lax.shift_right_logical(t13, k31.astype(jnp.int32))
    sel = edge_v * ge13
    halo = ids_ext[pl.ds(0, 16)]
    ids_ext[pl.ds(0, 16)] = halo + (first_tok - halo) * sel

    def hash_vreg(cdyn, kdyn, p0):
        x = ids_ext[pl.ds(p0, 16)]
        codes = x
        for o in range(1, NGRAM):
            s = ids_ext[pl.ds(p0 - o, 16)]
            a = ((codes.astype(jnp.float32) + half) * inv1000) \
                .astype(jnp.int32)
            b = codes - a * k1000
            codes = _mod1e6(a * km1000[o - 1] + b * km1[o - 1] + s
                            + koff[o - 1])
        idx_v[cdyn, pl.ds(kdyn * 16, 16)] = codes

    def hash_chunk_dyn(cd, lo):
        def body(k, carry):
            hash_vreg(cd, k, _HALO + _CHUNK * cd + 16 * k)
            return carry

        lax.fori_loop(lo, _i32(_CHUNK // 16), body, _i32(0))

    def start_gather(cd, bd):
        return pltpu.async_copy(
            table_hbm.at[idx_v.at[cd]], rows.at[bd], gsem.at[bd])

    def wait_gather(cd, bd):
        pltpu.make_async_copy(
            table_hbm.at[idx_v.at[cd]], rows.at[bd], gsem.at[bd]).wait()

    def start_write(cd, bd):
        off = (base + cd * _CHUNK).astype(jnp.int32)
        return pltpu.async_copy(
            rows.at[bd], out_hbm.at[pl.ds(off, _CHUNK)], osem.at[bd])

    def wait_write(cd, bd):
        off = (base + cd * _CHUNK).astype(jnp.int32)
        pltpu.make_async_copy(
            rows.at[bd], out_hbm.at[pl.ds(off, _CHUNK)], osem.at[bd]).wait()

    hash_chunk_dyn(_i32(0), _i32(0))
    start_gather(_i32(0), _i32(0))
    hash_chunk_dyn(_i32(1), _i32(0))
    start_gather(_i32(1), _i32(1))
    hash_chunk_dyn(_i32(2), _i32(0))
    start_gather(_i32(2), _i32(2))

    def ring(c, carry):
        b = lax.rem(c, _i32(_NBUF))

        @pl.when(c < _i32(_NCHUNK - _DIST))
        def _advance():
            nb = lax.rem(c + _DIST, _i32(_NBUF))

            @pl.when(c >= _i32(_DIST))
            def _drain():
                wait_write(c - _DIST, nb)

            hash_chunk_dyn(c + _DIST, _i32(0))
            start_gather(c + _DIST, nb)

        wait_gather(c, b)

        @pl.when(need_scale)
        def _scale():
            def body(r, carry2):
                def kbody(k, carry3):
                    sl = pl.ds(k * 16, 16)
                    rows[b, r, sl] = rows[b, r, sl] * m
                    return carry3

                lax.fori_loop(_i32(0), _i32(MODEL_DIM // 16), kbody,
                              _i32(0))
                return carry2

            lax.fori_loop(_i32(0), _i32(_CHUNK), body, _i32(0))

        start_write(c, b)
        return carry

    lax.fori_loop(_i32(0), _i32(_NCHUNK), ring, _i32(0))
    for c in range(_NCHUNK - _NBUF, _NCHUNK):
        wait_write(_i32(c), _i32(c % _NBUF))


_gather_call = pl.kernel(
    _gather_body,
    mesh=plsc.VectorSubcoreMesh(core_axis_name="c", subcore_axis_name="s"),
    out_type=jax.ShapeDtypeStruct((_TOKENS, MODEL_DIM), jnp.float32),
    scratch_types=[
        pltpu.VMEM((_HALO + _PER_W,), jnp.int32),
        pltpu.VMEM((_NCHUNK, _CHUNK), jnp.int32),
        pltpu.VMEM((16,), jnp.int32),
        pltpu.VMEM((_NBUF, _CHUNK, MODEL_DIM), jnp.float32),
        pltpu.SemaphoreType.DMA((_NBUF,)),
        pltpu.SemaphoreType.DMA((_NBUF,)),
    ],
)


def kernel(input_ids, emb_weight, mix):
    ids = input_ids.astype(jnp.int32).reshape(_TOKENS)
    mix_bits = jnp.broadcast_to(
        lax.bitcast_convert_type(mix.astype(jnp.float32), jnp.int32), (16,))
    packed = jnp.concatenate([ids, mix_bits])
    out = _gather_call(packed, emb_weight)
    return out.reshape(_B, _T, MODEL_DIM)

# --- scband reference (transcript-rebuilt; emitter-appended) ---
"""Pipeline reference for scband-local-context-codebook-76862734729547 (READ-ONLY COPY).

The authoritative reference and input builder live on the scoring server;
editing this copy changes nothing except your own understanding.
"""

import jax, jax.numpy as jnp
import numpy as np

jax.config.update("jax_enable_x64", True)

VOCAB_SIZE = 100000
MODEL_DIM = 128
CODEBOOK_SIZE = 1000000
NGRAM = 4
MIX_INIT = 1.0
MULTIPLIERS = (911382323, 972663749, 97266353, 19260817)


def compute_codes(input_ids):
    codes = input_ids.astype(jnp.int64)
    modulus = CODEBOOK_SIZE
    for offset in range(1, NGRAM):
        first = jnp.broadcast_to(input_ids[:, :1], (input_ids.shape[0], offset))
        shifted = jnp.concatenate([first, input_ids[:, :-offset]], axis=1)
        codes = (codes * MULTIPLIERS[(offset - 1) % len(MULTIPLIERS)] + shifted.astype(jnp.int64) + offset) % modulus
    return codes


def setup_inputs(seed: int = 0) -> dict:
    key = jax.random.key(seed)
    k1, k2 = jax.random.split(key)
    input_ids = jax.random.randint(k1, (4, 8192), 0, VOCAB_SIZE, dtype=jnp.int64)
    emb_weight = (jax.random.normal(k2, (CODEBOOK_SIZE, MODEL_DIM), dtype=jnp.float32)
                  * (1.0 / np.sqrt(MODEL_DIM))).astype(jnp.float32)
    mix = jnp.asarray(MIX_INIT, dtype=jnp.float32)
    return {"input_ids": input_ids, "emb_weight": emb_weight, "mix": mix}


def reference(input_ids, emb_weight, mix):
    codes = compute_codes(input_ids)
    gathered = jnp.take(emb_weight, codes, axis=0)
    return mix * gathered

if __name__ == "__main__":
    import jax
    _d = setup_inputs()
    print(jax.jit(kernel)(*tuple(_d.values())))

</pallas_src>

<mosaic_0001>
#map = affine_map<(d0, d1) -> (0)>
#map1 = affine_map<(d0, d1) -> (0, 0)>
module attributes {stable_mosaic.version = 14 : i64} {
  func.func @_gather_body(%arg0: i32, %arg1: i32, %arg2: memref<32784xi32, #tpu.memory_space<hbm>>, %arg3: memref<1000000x128xf32, #tpu.memory_space<hbm>>, %arg4: memref<32768x128xf32, #tpu.memory_space<hbm>>, %arg5: memref<1040xi32, #tpu.memory_space<vmem>>, %arg6: memref<8x128xi32, #tpu.memory_space<vmem>>, %arg7: memref<16xi32, #tpu.memory_space<vmem>>, %arg8: memref<6x128x128xf32, #tpu.memory_space<vmem>>, %arg9: memref<6x!tpu.dma_semaphore, #tpu.memory_space<semaphore_mem>>, %arg10: memref<6x!tpu.dma_semaphore, #tpu.memory_space<semaphore_mem>>) attributes {dimension_semantics = [#tpu.dimension_semantics<core_parallel>, #tpu.dimension_semantics<subcore_parallel>], iteration_bounds = array<i64: 2, 16>, scalar_prefetch = 0 : i64, scratch_operands = 6 : i64, tpu.core_type = #tpu.core_type<sc_vector_subcore>, window_params = [{transform_indices = #map}, {transform_indices = #map1}, {transform_indices = #map1}]} {
    %mul3A = arith.constant 2 : i32
    %mul3A_0 = arith.muli %arg1, %mul3A : i32
    %add3A = arith.addi %mul3A_0, %arg0 : i32
    %mul3A_1 = arith.constant 1024 : i32
    %mul3A_2 = arith.muli %add3A, %mul3A_1 : i32
    %sub3A = arith.constant 16 : i32
    %sub3A_3 = arith.subi %mul3A_2, %sub3A : i32
    %max3A = arith.constant 0 : i32
    %max3A_4 = arith.maxsi %sub3A_3, %max3A : i32
    %multiple_of3A = tpu.assume_multiple %max3A_4, 16 : i32
    "tpu.region"() ({
      %run_scoped3A_283 = tpu.sem_alloc : memref<!tpu.dma_semaphore, #tpu.memory_space<semaphore_mem>>
      %dma_start3A_284 = arith.constant 0 : i32
      %dma_start3A_285 = tpu.memref_slice %arg5[%dma_start3A_284] : memref<1040xi32, #tpu.memory_space<vmem>> -> memref<16xi32, #tpu.memory_space<vmem>>
      %dma_start3A_286 = tpu.memref_slice %arg2[%multiple_of3A] : memref<32784xi32, #tpu.memory_space<hbm>> -> memref<16xi32, #tpu.memory_space<hbm>>
      %dma_start3A_287 = arith.constant 0 : i32
      %dma_start3A_288 = tpu.memref_slice %arg5[%dma_start3A_287] : memref<1040xi32, #tpu.memory_space<vmem>> -> memref<16xi32, #tpu.memory_space<vmem>>
      %dma_start3A_289 = tpu.memref_slice %arg2[%multiple_of3A] : memref<32784xi32, #tpu.memory_space<hbm>> -> memref<16xi32, #tpu.memory_space<hbm>>
      tpu.enqueue_dma source(%dma_start3A_289 : memref<16xi32, #tpu.memory_space<hbm>>) target(%dma_start3A_288 : memref<16xi32, #tpu.memory_space<vmem>>) target_semaphore(%run_scoped3A_283 : memref<!tpu.dma_semaphore, #tpu.memory_space<semaphore_mem>>)
      %dma_wait3A_290 = arith.constant 0 : i32
      %dma_wait3A_291 = tpu.memref_slice %arg5[%dma_wait3A_290] : memref<1040xi32, #tpu.memory_space<vmem>> -> memref<16xi32, #tpu.memory_space<vmem>>
      %dma_wait3A_292 = tpu.memref_slice %arg2[%multiple_of3A] : memref<32784xi32, #tpu.memory_space<hbm>> -> memref<16xi32, #tpu.memory_space<hbm>>
      %dma_wait3A_293 = arith.constant 0 : i32
      %dma_wait3A_294 = tpu.memref_slice %arg5[%dma_wait3A_293] : memref<1040xi32, #tpu.memory_space<vmem>> -> memref<16xi32, #tpu.memory_space<vmem>>
      %dma_wait3A_295 = tpu.memref_slice %arg2[%multiple_of3A] : memref<32784xi32, #tpu.memory_space<hbm>> -> memref<16xi32, #tpu.memory_space<hbm>>
      tpu.wait_dma2 semaphore(%run_scoped3A_283 : memref<!tpu.dma_semaphore, #tpu.memory_space<semaphore_mem>>) src(%dma_wait3A_295 : memref<16xi32, #tpu.memory_space<hbm>>) dst(%dma_wait3A_294 : memref<16xi32, #tpu.memory_space<vmem>>)
      tpu.yield
    }) : () -> ()
    %multiple_of3A_5 = tpu.assume_multiple %mul3A_2, 1024 : i32
    "tpu.region"() ({
      %run_scoped3A_283 = tpu.sem_alloc : memref<!tpu.dma_semaphore, #tpu.memory_space<semaphore_mem>>
      %dma_start3A_284 = arith.constant 16 : i32
      %dma_start3A_285 = tpu.memref_slice %arg5[%dma_start3A_284] : memref<1040xi32, #tpu.memory_space<vmem>> -> memref<1024xi32, #tpu.memory_space<vmem>>
      %dma_start3A_286 = tpu.memref_slice %arg2[%multiple_of3A_5] : memref<32784xi32, #tpu.memory_space<hbm>> -> memref<1024xi32, #tpu.memory_space<hbm>>
      %dma_start3A_287 = arith.constant 16 : i32
      %dma_start3A_288 = tpu.memref_slice %arg5[%dma_start3A_287] : memref<1040xi32, #tpu.memory_space<vmem>> -> memref<1024xi32, #tpu.memory_space<vmem>>
      %dma_start3A_289 = tpu.memref_slice %arg2[%multiple_of3A_5] : memref<32784xi32, #tpu.memory_space<hbm>> -> memref<1024xi32, #tpu.memory_space<hbm>>
      tpu.enqueue_dma source(%dma_start3A_289 : memref<1024xi32, #tpu.memory_space<hbm>>) target(%dma_start3A_288 : memref<1024xi32, #tpu.memory_space<vmem>>) target_semaphore(%run_scoped3A_283 : memref<!tpu.dma_semaphore, #tpu.memory_space<semaphore_mem>>)
      %dma_wait3A_290 = arith.constant 16 : i32
      %dma_wait3A_291 = tpu.memref_slice %arg5[%dma_wait3A_290] : memref<1040xi32, #tpu.memory_space<vmem>> -> memref<1024xi32, #tpu.memory_space<vmem>>
      %dma_wait3A_292 = tpu.memref_slice %arg2[%multiple_of3A_5] : memref<32784xi32, #tpu.memory_space<hbm>> -> memref<1024xi32, #tpu.memory_space<hbm>>
      %dma_wait3A_293 = arith.constant 16 : i32
      %dma_wait3A_294 = tpu.memref_slice %arg5[%dma_wait3A_293] : memref<1040xi32, #tpu.memory_space<vmem>> -> memref<1024xi32, #tpu.memory_space<vmem>>
      %dma_wait3A_295 = tpu.memref_slice %arg2[%multiple_of3A_5] : memref<32784xi32, #tpu.memory_space<hbm>> -> memref<1024xi32, #tpu.memory_space<hbm>>
      tpu.wait_dma2 semaphore(%run_scoped3A_283 : memref<!tpu.dma_semaphore, #tpu.memory_space<semaphore_mem>>) src(%dma_wait3A_295 : memref<1024xi32, #tpu.memory_space<hbm>>) dst(%dma_wait3A_294 : memref<1024xi32, #tpu.memory_space<vmem>>)
      tpu.yield
    }) : () -> ()
    %run_scoped3A = arith.constant 32768 : i32
    "tpu.region"() ({
      %run_scoped3A_283 = tpu.sem_alloc : memref<!tpu.dma_semaphore, #tpu.memory_space<semaphore_mem>>
      %dma_start3A_284 = tpu.memref_slice %arg2[%run_scoped3A] : memref<32784xi32, #tpu.memory_space<hbm>> -> memref<16xi32, #tpu.memory_space<hbm>>
      %dma_start3A_285 = tpu.memref_slice %arg2[%run_scoped3A] : memref<32784xi32, #tpu.memory_space<hbm>> -> memref<16xi32, #tpu.memory_space<hbm>>
      tpu.enqueue_dma source(%dma_start3A_285 : memref<16xi32, #tpu.memory_space<hbm>>) target(%arg7 : memref<16xi32, #tpu.memory_space<vmem>>) target_semaphore(%run_scoped3A_283 : memref<!tpu.dma_semaphore, #tpu.memory_space<semaphore_mem>>)
      %dma_wait3A_286 = tpu.memref_slice %arg2[%run_scoped3A] : memref<32784xi32, #tpu.memory_space<hbm>> -> memref<16xi32, #tpu.memory_space<hbm>>
      %dma_wait3A_287 = tpu.memref_slice %arg2[%run_scoped3A] : memref<32784xi32, #tpu.memory_space<hbm>> -> memref<16xi32, #tpu.memory_space<hbm>>
      tpu.wait_dma2 semaphore(%run_scoped3A_283 : memref<!tpu.dma_semaphore, #tpu.memory_space<semaphore_mem>>) src(%dma_wait3A_287 : memref<16xi32, #tpu.memory_space<hbm>>) dst(%arg7 : memref<16xi32, #tpu.memory_space<vmem>>)
      tpu.yield
    }) : () -> ()
    %get3A = arith.constant 0 : index
    %get3A_6 = tpu.vector_load %arg7[%get3A] {strides = array<i32>} : memref<16xi32, #tpu.memory_space<vmem>>, vector<16xi32>,
    %get3A_7 = vector.shape_cast %get3A_6 : vector<16xi32> to vector<16xi32>
    %bitcast_convert_type3A = tpu.bitcast %get3A_7 : vector<16xi32> -> vector<16xf32>
    %slice3A = vector.extract_strided_slice %bitcast_convert_type3A {offsets = [0], sizes = [1], strides = [1]} : vector<16xf32> to vector<1xf32>
    %squeeze3A = vector.extract %slice3A[0] : f32 from vector<1xf32>
    %ne3A = arith.constant 1.000000e+00 : f32
    %ne3A_8 = arith.cmpf one, %squeeze3A, %ne3A : f32
    %jit3A = arith.constant 8 : i64
    %convert_element_type3A = arith.trunci %jit3A : i64 to i32
    %eq3A = arith.constant 0 : i32
    %eq3A_9 = arith.cmpi eq, %convert_element_type3A, %eq3A : i32
    %jit3A_10 = arith.constant 1 : i32
    %select_n3A = arith.select %eq3A_9, %jit3A_10, %convert_element_type3A : i32
    %rem3A = arith.remsi %add3A, %select_n3A : i32
    %ne3A_11 = arith.constant 0 : i32
    %ne3A_12 = arith.cmpi ne, %rem3A, %ne3A_11 : i32
    %lt3A = arith.constant 0 : i32
    %lt3A_13 = arith.cmpi slt, %rem3A, %lt3A : i32
    %lt3A_14 = arith.constant 0 : i32
    %lt3A_15 = arith.cmpi slt, %select_n3A, %lt3A_14 : i32
    %ne3A_16 = arith.xori %lt3A_13, %lt3A_15 : i1
    %and3A = arith.andi %ne3A_16, %ne3A_12 : i1
    %add3A_17 = arith.addi %rem3A, %select_n3A : i32
    %select_n3A_18 = arith.select %and3A, %add3A_17, %rem3A : i32
    %eq3A_19 = arith.constant 0 : i32
    %eq3A_20 = arith.cmpi eq, %select_n3A_18, %eq3A_19 : i32
    %convert_element_type3A_21 = arith.extui %eq3A_20 : i1 to i32
    %broadcast_in_dim3A = vector.broadcast %convert_element_type3A_21 : i32 to vector<16xi32>
    %iota3A = tpu.iota {dimensions = array<i32: 0>} : vector<16xi32>
    %broadcast_in_dim3A_22 = arith.constant 1000 : i32
    %broadcast_in_dim3A_23 = vector.broadcast %broadcast_in_dim3A_22 : i32 to vector<16xi32>
    %broadcast_in_dim3A_24 = arith.constant 1000000 : i32
    %broadcast_in_dim3A_25 = vector.broadcast %broadcast_in_dim3A_24 : i32 to vector<16xi32>
    %broadcast_in_dim3A_26 = arith.constant 323000 : i32
    %broadcast_in_dim3A_27 = vector.broadcast %broadcast_in_dim3A_26 : i32 to vector<16xi32>
    %broadcast_in_dim3A_28 = arith.constant 749000 : i32
    %broadcast_in_dim3A_29 = vector.broadcast %broadcast_in_dim3A_28 : i32 to vector<16xi32>
    %broadcast_in_dim3A_30 = arith.constant 353000 : i32
    %broadcast_in_dim3A_31 = vector.broadcast %broadcast_in_dim3A_30 : i32 to vector<16xi32>
    %broadcast_in_dim3A_32 = arith.constant 382323 : i32
    %broadcast_in_dim3A_33 = vector.broadcast %broadcast_in_dim3A_32 : i32 to vector<16xi32>
    %broadcast_in_dim3A_34 = arith.constant 663749 : i32
    %broadcast_in_dim3A_35 = vector.broadcast %broadcast_in_dim3A_34 : i32 to vector<16xi32>
    %broadcast_in_dim3A_36 = arith.constant 266353 : i32
    %broadcast_in_dim3A_37 = vector.broadcast %broadcast_in_dim3A_36 : i32 to vector<16xi32>
    %broadcast_in_dim3A_38 = arith.constant 1 : i32
    %broadcast_in_dim3A_39 = vector.broadcast %broadcast_in_dim3A_38 : i32 to vector<16xi32>
    %broadcast_in_dim3A_40 = arith.constant 2 : i32
    %broadcast_in_dim3A_41 = vector.broadcast %broadcast_in_dim3A_40 : i32 to vector<16xi32>
    %broadcast_in_dim3A_42 = arith.constant 3 : i32
    %broadcast_in_dim3A_43 = vector.broadcast %broadcast_in_dim3A_42 : i32 to vector<16xi32>
    %broadcast_in_dim3A_44 = arith.constant 1.000000e-03 : f32
    %broadcast_in_dim3A_45 = vector.broadcast %broadcast_in_dim3A_44 : f32 to vector<16xf32>
    %broadcast_in_dim3A_46 = arith.constant 9.99999997E-7 : f32
    %broadcast_in_dim3A_47 = vector.broadcast %broadcast_in_dim3A_46 : f32 to vector<16xf32>
    %broadcast_in_dim3A_48 = arith.constant 5.000000e-01 : f32
    %broadcast_in_dim3A_49 = vector.broadcast %broadcast_in_dim3A_48 : f32 to vector<16xf32>
    %broadcast_in_dim3A_50 = arith.constant 31 : i32
    %broadcast_in_dim3A_51 = vector.broadcast %broadcast_in_dim3A_50 : i32 to vector<16xi32>
    %get3A_52 = arith.constant 16 : index
    %get3A_53 = tpu.vector_load %arg5[%get3A_52] {strides = array<i32>} : memref<1040xi32, #tpu.memory_space<vmem>>, vector<16xi32>,
    %get3A_54 = vector.shape_cast %get3A_53 : vector<16xi32> to vector<16xi32>
    %broadcast_in_dim3A_55 = arith.constant 0 : i32
    %broadcast_in_dim3A_56 = vector.broadcast %broadcast_in_dim3A_55 : i32 to vector<16x1xi32>
    %gather3A = vector.shape_cast %broadcast_in_dim3A_56 : vector<16x1xi32> to vector<16xi32>
    %gather3A_57 = tpu.dynamic_gather %get3A_54[%gather3A] in [0] : vector<16xi32>, vector<16xi32> -> vector<16xi32>
    %broadcast_in_dim3A_58 = arith.constant 13 : i32
    %broadcast_in_dim3A_59 = vector.broadcast %broadcast_in_dim3A_58 : i32 to vector<16xi32>
    %sub3A_60 = arith.subi %iota3A, %broadcast_in_dim3A_59 : vector<16xi32>
    %broadcast_in_dim3A_61 = arith.constant 1 : i32
    %broadcast_in_dim3A_62 = vector.broadcast %broadcast_in_dim3A_61 : i32 to vector<16xi32>
    %shift_right_logical3A = arith.shrui %sub3A_60, %broadcast_in_dim3A_51 : vector<16xi32>
    %sub3A_63 = arith.subi %broadcast_in_dim3A_62, %shift_right_logical3A : vector<16xi32>
    %mul3A_64 = arith.muli %broadcast_in_dim3A, %sub3A_63 : vector<16xi32>
    %get3A_65 = arith.constant 0 : index
    %get3A_66 = tpu.vector_load %arg5[%get3A_65] {strides = array<i32>} : memref<1040xi32, #tpu.memory_space<vmem>>, vector<16xi32>,
    %get3A_67 = vector.shape_cast %get3A_66 : vector<16xi32> to vector<16xi32>
    %sub3A_68 = arith.subi %gather3A_57, %get3A_67 : vector<16xi32>
    %mul3A_69 = arith.muli %sub3A_68, %mul3A_64 : vector<16xi32>
    %add3A_70 = arith.addi %get3A_67, %mul3A_69 : vector<16xi32>
    %swap3A = arith.constant 0 : index
    %swap3A_71 = tpu.vector_load %arg5[%swap3A] {strides = array<i32>} : memref<1040xi32, #tpu.memory_space<vmem>>, vector<16xi32>,
    %swap3A_72 = vector.shape_cast %swap3A_71 : vector<16xi32> to vector<16xi32>
    %swap3A_73 = vector.shape_cast %add3A_70 : vector<16xi32> to vector<16xi32>
    tpu.vector_store %arg5[%swap3A], %swap3A_73 {strides = array<i32>} : memref<1040xi32, #tpu.memory_space<vmem>>, vector<16xi32>,
    %while3A = arith.constant 0 : i32
    %while3A_74 = arith.constant 0 : i32
    %while3A_75 = arith.constant 0 : i32
    %while3A_76 = arith.constant 8 : i32
    %while3A_77 = arith.subi %while3A_76, %while3A_75 : i32
    %while3A_78 = arith.addi %while3A_75, %while3A_77 : i32
    %while3A_79 = arith.constant 1 : i32
    %while3A_80 = arith.divsi %while3A_77, %while3A_79 : i32
    %while3A_81 = arith.muli %while3A_80, %while3A_79 : i32
    %while3A_82 = arith.addi %while3A_75, %while3A_81 : i32
    %while3A_83 = arith.constant 1 : i32
    scf.for %while3A_283 = %while3A_75 to %while3A_82 step %while3A_83  : i32 {
      %mul3A_284 = arith.constant 128 : i32
      %mul3A_285 = arith.muli %mul3A_284, %while3A_74 : i32
      %add3A_286 = arith.constant 16 : i32
      %add3A_287 = arith.addi %add3A_286, %mul3A_285 : i32
      %mul3A_288 = arith.constant 16 : i32
      %mul3A_289 = arith.muli %mul3A_288, %while3A_283 : i32
      %add3A_290 = arith.addi %add3A_287, %mul3A_289 : i32
      %get3A_291 = arith.index_cast %add3A_290 : i32 to index
      %get3A_292 = tpu.vector_load %arg5[%get3A_291] {strides = array<i32>} : memref<1040xi32, #tpu.memory_space<vmem>>, vector<16xi32>,
      %get3A_293 = vector.shape_cast %get3A_292 : vector<16xi32> to vector<16xi32>
      %sub3A_294 = arith.constant 1 : i32
      %sub3A_295 = arith.subi %add3A_290, %sub3A_294 : i32
      %get3A_296 = arith.index_cast %sub3A_295 : i32 to index
      %get3A_297 = tpu.vector_load %arg5[%get3A_296] {strides = array<i32>} : memref<1040xi32, #tpu.memory_space<vmem>>, vector<16xi32>,
      %get3A_298 = vector.shape_cast %get3A_297 : vector<16xi32> to vector<16xi32>
      %convert_element_type3A_299 = arith.sitofp %get3A_293 : vector<16xi32> to vector<16xf32>
      %add3A_300 = arith.addf %convert_element_type3A_299, %broadcast_in_dim3A_49 : vector<16xf32>
      %mul3A_301 = arith.mulf %add3A_300, %broadcast_in_dim3A_45 : vector<16xf32>
      %convert_element_type3A_302 = arith.fptosi %mul3A_301 : vector<16xf32> to vector<16xi32>
      %mul3A_303 = arith.muli %convert_element_type3A_302, %broadcast_in_dim3A_23 : vector<16xi32>
      %sub3A_304 = arith.subi %get3A_293, %mul3A_303 : vector<16xi32>
      %mul3A_305 = arith.muli %convert_element_type3A_302, %broadcast_in_dim3A_27 : vector<16xi32>
      %mul3A_306 = arith.muli %sub3A_304, %broadcast_in_dim3A_33 : vector<16xi32>
      %add3A_307 = arith.addi %mul3A_305, %mul3A_306 : vector<16xi32>
      %add3A_308 = arith.addi %add3A_307, %get3A_298 : vector<16xi32>
      %add3A_309 = arith.addi %add3A_308, %broadcast_in_dim3A_39 : vector<16xi32>
      %convert_element_type3A_310 = arith.sitofp %add3A_309 : vector<16xi32> to vector<16xf32>
      %mul3A_311 = arith.mulf %convert_element_type3A_310, %broadcast_in_dim3A_47 : vector<16xf32>
      %sub3A_312 = arith.subf %mul3A_311, %broadcast_in_dim3A_49 : vector<16xf32>
      %convert_element_type3A_313 = arith.fptosi %sub3A_312 : vector<16xf32> to vector<16xi32>
      %mul3A_314 = arith.muli %convert_element_type3A_313, %broadcast_in_dim3A_25 : vector<16xi32>
      %sub3A_315 = arith.subi %add3A_309, %mul3A_314 : vector<16xi32>
      %sub3A_316 = arith.subi %sub3A_315, %broadcast_in_dim3A_25 : vector<16xi32>
      %shift_right_logical3A_317 = arith.shrui %sub3A_316, %broadcast_in_dim3A_51 : vector<16xi32>
      %mul3A_318 = arith.muli %shift_right_logical3A_317, %broadcast_in_dim3A_25 : vector<16xi32>
      %add3A_319 = arith.addi %sub3A_316, %mul3A_318 : vector<16xi32>
      %sub3A_320 = arith.constant 2 : i32
      %sub3A_321 = arith.subi %add3A_290, %sub3A_320 : i32
      %get3A_322 = arith.index_cast %sub3A_321 : i32 to index
      %get3A_323 = tpu.vector_load %arg5[%get3A_322] {strides = array<i32>} : memref<1040xi32, #tpu.memory_space<vmem>>, vector<16xi32>,
      %get3A_324 = vector.shape_cast %get3A_323 : vector<16xi32> to vector<16xi32>
      %convert_element_type3A_325 = arith.sitofp %add3A_319 : vector<16xi32> to vector<16xf32>
      %add3A_326 = arith.addf %convert_element_type3A_325, %broadcast_in_dim3A_49 : vector<16xf32>
      %mul3A_327 = arith.mulf %add3A_326, %broadcast_in_dim3A_45 : vector<16xf32>
      %convert_element_type3A_328 = arith.fptosi %mul3A_327 : vector<16xf32> to vector<16xi32>
      %mul3A_329 = arith.muli %convert_element_type3A_328, %broadcast_in_dim3A_23 : vector<16xi32>
      %sub3A_330 = arith.subi %add3A_319, %mul3A_329 : vector<16xi32>
      %mul3A_331 = arith.muli %convert_element_type3A_328, %broadcast_in_dim3A_29 : vector<16xi32>
      %mul3A_332 = arith.muli %sub3A_330, %broadcast_in_dim3A_35 : vector<16xi32>
      %add3A_333 = arith.addi %mul3A_331, %mul3A_332 : vector<16xi32>
      %add3A_334 = arith.addi %add3A_333, %get3A_324 : vector<16xi32>
      %add3A_335 = arith.addi %add3A_334, %broadcast_in_dim3A_41 : vector<16xi32>
      %convert_element_type3A_336 = arith.sitofp %add3A_335 : vector<16xi32> to vector<16xf32>
      %mul3A_337 = arith.mulf %convert_element_type3A_336, %broadcast_in_dim3A_47 : vector<16xf32>
      %sub3A_338 = arith.subf %mul3A_337, %broadcast_in_dim3A_49 : vector<16xf32>
      %convert_element_type3A_339 = arith.fptosi %sub3A_338 : vector<16xf32> to vector<16xi32>
      %mul3A_340 = arith.muli %convert_element_type3A_339, %broadcast_in_dim3A_25 : vector<16xi32>
      %sub3A_341 = arith.subi %add3A_335, %mul3A_340 : vector<16xi32>
      %sub3A_342 = arith.subi %sub3A_341, %broadcast_in_dim3A_25 : vector<16xi32>
      %shift_right_logical3A_343 = arith.shrui %sub3A_342, %broadcast_in_dim3A_51 : vector<16xi32>
      %mul3A_344 = arith.muli %shift_right_logical3A_343, %broadcast_in_dim3A_25 : vector<16xi32>
      %add3A_345 = arith.addi %sub3A_342, %mul3A_344 : vector<16xi32>
      %sub3A_346 = arith.constant 3 : i32
      %sub3A_347 = arith.subi %add3A_290, %sub3A_346 : i32
      %get3A_348 = arith.index_cast %sub3A_347 : i32 to index
      %get3A_349 = tpu.vector_load %arg5[%get3A_348] {strides = array<i32>} : memref<1040xi32, #tpu.memory_space<vmem>>, vector<16xi32>,
      %get3A_350 = vector.shape_cast %get3A_349 : vector<16xi32> to vector<16xi32>
      %convert_element_type3A_351 = arith.sitofp %add3A_345 : vector<16xi32> to vector<16xf32>
      %add3A_352 = arith.addf %convert_element_type3A_351, %broadcast_in_dim3A_49 : vector<16xf32>
      %mul3A_353 = arith.mulf %add3A_352, %broadcast_in_dim3A_45 : vector<16xf32>
      %convert_element_type3A_354 = arith.fptosi %mul3A_353 : vector<16xf32> to vector<16xi32>
      %mul3A_355 = arith.muli %convert_element_type3A_354, %broadcast_in_dim3A_23 : vector<16xi32>
      %sub3A_356 = arith.subi %add3A_345, %mul3A_355 : vector<16xi32>
      %mul3A_357 = arith.muli %convert_element_type3A_354, %broadcast_in_dim3A_31 : vector<16xi32>
      %mul3A_358 = arith.muli %sub3A_356, %broadcast_in_dim3A_37 : vector<16xi32>
      %add3A_359 = arith.addi %mul3A_357, %mul3A_358 : vector<16xi32>
      %add3A_360 = arith.addi %add3A_359, %get3A_350 : vector<16xi32>
      %add3A_361 = arith.addi %add3A_360, %broadcast_in_dim3A_43 : vector<16xi32>
      %convert_element_type3A_362 = arith.sitofp %add3A_361 : vector<16xi32> to vector<16xf32>
      %mul3A_363 = arith.mulf %convert_element_type3A_362, %broadcast_in_dim3A_47 : vector<16xf32>
      %sub3A_364 = arith.subf %mul3A_363, %broadcast_in_dim3A_49 : vector<16xf32>
      %convert_element_type3A_365 = arith.fptosi %sub3A_364 : vector<16xf32> to vector<16xi32>
      %mul3A_366 = arith.muli %convert_element_type3A_365, %broadcast_in_dim3A_25 : vector<16xi32>
      %sub3A_367 = arith.subi %add3A_361, %mul3A_366 : vector<16xi32>
      %sub3A_368 = arith.subi %sub3A_367, %broadcast_in_dim3A_25 : vector<16xi32>
      %shift_right_logical3A_369 = arith.shrui %sub3A_368, %broadcast_in_dim3A_51 : vector<16xi32>
      %mul3A_370 = arith.muli %shift_right_logical3A_369, %broadcast_in_dim3A_25 : vector<16xi32>
      %add3A_371 = arith.addi %sub3A_368, %mul3A_370 : vector<16xi32>
      %mul3A_372 = arith.constant 16 : i32
      %mul3A_373 = arith.muli %while3A_283, %mul3A_372 : i32
      %swap3A_374 = arith.index_cast %while3A_74 : i32 to index
      %swap3A_375 = arith.index_cast %mul3A_373 : i32 to index
      %swap3A_376 = tpu.vector_load %arg6[%swap3A_374, %swap3A_375] {strides = array<i32>} : memref<8x128xi32, #tpu.memory_space<vmem>>, vector<1x16xi32>,
      %swap3A_377 = vector.shape_cast %swap3A_376 : vector<1x16xi32> to vector<16xi32>
      %swap3A_378 = vector.shape_cast %add3A_371 : vector<16xi32> to vector<1x16xi32>
      tpu.vector_store %arg6[%swap3A_374, %swap3A_375], %swap3A_378 {strides = array<i32>} : memref<8x128xi32, #tpu.memory_space<vmem>>, vector<1x16xi32>,
    }
    %while3A_84 = arith.constant 1 : i32
    scf.for %while3A_283 = %while3A_82 to %while3A_78 step %while3A_84  : i32 {
      %mul3A_284 = arith.constant 128 : i32
      %mul3A_285 = arith.muli %mul3A_284, %while3A_74 : i32
      %add3A_286 = arith.constant 16 : i32
      %add3A_287 = arith.addi %add3A_286, %mul3A_285 : i32
      %mul3A_288 = arith.constant 16 : i32
      %mul3A_289 = arith.muli %mul3A_288, %while3A_283 : i32
      %add3A_290 = arith.addi %add3A_287, %mul3A_289 : i32
      %get3A_291 = arith.index_cast %add3A_290 : i32 to index
      %get3A_292 = tpu.vector_load %arg5[%get3A_291] {strides = array<i32>} : memref<1040xi32, #tpu.memory_space<vmem>>, vector<16xi32>,
      %get3A_293 = vector.shape_cast %get3A_292 : vector<16xi32> to vector<16xi32>
      %sub3A_294 = arith.constant 1 : i32
      %sub3A_295 = arith.subi %add3A_290, %sub3A_294 : i32
      %get3A_296 = arith.index_cast %sub3A_295 : i32 to index
      %get3A_297 = tpu.vector_load %arg5[%get3A_296] {strides = array<i32>} : memref<1040xi32, #tpu.memory_space<vmem>>, vector<16xi32>,
      %get3A_298 = vector.shape_cast %get3A_297 : vector<16xi32> to vector<16xi32>
      %convert_element_type3A_299 = arith.sitofp %get3A_293 : vector<16xi32> to vector<16xf32>
      %add3A_300 = arith.addf %convert_element_type3A_299, %broadcast_in_dim3A_49 : vector<16xf32>
      %mul3A_301 = arith.mulf %add3A_300, %broadcast_in_dim3A_45 : vector<16xf32>
      %convert_element_type3A_302 = arith.fptosi %mul3A_301 : vector<16xf32> to vector<16xi32>
      %mul3A_303 = arith.muli %convert_element_type3A_302, %broadcast_in_dim3A_23 : vector<16xi32>
      %sub3A_304 = arith.subi %get3A_293, %mul3A_303 : vector<16xi32>
      %mul3A_305 = arith.muli %convert_element_type3A_302, %broadcast_in_dim3A_27 : vector<16xi32>
      %mul3A_306 = arith.muli %sub3A_304, %broadcast_in_dim3A_33 : vector<16xi32>
      %add3A_307 = arith.addi %mul3A_305, %mul3A_306 : vector<16xi32>
      %add3A_308 = arith.addi %add3A_307, %get3A_298 : vector<16xi32>
      %add3A_309 = arith.addi %add3A_308, %broadcast_in_dim3A_39 : vector<16xi32>
      %convert_element_type3A_310 = arith.sitofp %add3A_309 : vector<16xi32> to vector<16xf32>
      %mul3A_311 = arith.mulf %convert_element_type3A_310, %broadcast_in_dim3A_47 : vector<16xf32>
      %sub3A_312 = arith.subf %mul3A_311, %broadcast_in_dim3A_49 : vector<16xf32>
      %convert_element_type3A_313 = arith.fptosi %sub3A_312 : vector<16xf32> to vector<16xi32>
      %mul3A_314 = arith.muli %convert_element_type3A_313, %broadcast_in_dim3A_25 : vector<16xi32>
      %sub3A_315 = arith.subi %add3A_309, %mul3A_314 : vector<16xi32>
      %sub3A_316 = arith.subi %sub3A_315, %broadcast_in_dim3A_25 : vector<16xi32>
      %shift_right_logical3A_317 = arith.shrui %sub3A_316, %broadcast_in_dim3A_51 : vector<16xi32>
      %mul3A_318 = arith.muli %shift_right_logical3A_317, %broadcast_in_dim3A_25 : vector<16xi32>
      %add3A_319 = arith.addi %sub3A_316, %mul3A_318 : vector<16xi32>
      %sub3A_320 = arith.constant 2 : i32
      %sub3A_321 = arith.subi %add3A_290, %sub3A_320 : i32
      %get3A_322 = arith.index_cast %sub3A_321 : i32 to index
      %get3A_323 = tpu.vector_load %arg5[%get3A_322] {strides = array<i32>} : memref<1040xi32, #tpu.memory_space<vmem>>, vector<16xi32>,
      %get3A_324 = vector.shape_cast %get3A_323 : vector<16xi32> to vector<16xi32>
      %convert_element_type3A_325 = arith.sitofp %add3A_319 : vector<16xi32> to vector<16xf32>
      %add3A_326 = arith.addf %convert_element_type3A_325, %broadcast_in_dim3A_49 : vector<16xf32>
      %mul3A_327 = arith.mulf %add3A_326, %broadcast_in_dim3A_45 : vector<16xf32>
      %convert_element_type3A_328 = arith.fptosi %mul3A_327 : vector<16xf32> to vector<16xi32>
      %mul3A_329 = arith.muli %convert_element_type3A_328, %broadcast_in_dim3A_23 : vector<16xi32>
      %sub3A_330 = arith.subi %add3A_319, %mul3A_329 : vector<16xi32>
      %mul3A_331 = arith.muli %convert_element_type3A_328, %broadcast_in_dim3A_29 : vector<16xi32>
      %mul3A_332 = arith.muli %sub3A_330, %broadcast_in_dim3A_35 : vector<16xi32>
      %add3A_333 = arith.addi %mul3A_331, %mul3A_332 : vector<16xi32>
      %add3A_334 = arith.addi %add3A_333, %get3A_324 : vector<16xi32>
      %add3A_335 = arith.addi %add3A_334, %broadcast_in_dim3A_41 : vector<16xi32>
      %convert_element_type3A_336 = arith.sitofp %add3A_335 : vector<16xi32> to vector<16xf32>
      %mul3A_337 = arith.mulf %convert_element_type3A_336, %broadcast_in_dim3A_47 : vector<16xf32>
      %sub3A_338 = arith.subf %mul3A_337, %broadcast_in_dim3A_49 : vector<16xf32>
      %convert_element_type3A_339 = arith.fptosi %sub3A_338 : vector<16xf32> to vector<16xi32>
      %mul3A_340 = arith.muli %convert_element_type3A_339, %broadcast_in_dim3A_25 : vector<16xi32>
      %sub3A_341 = arith.subi %add3A_335, %mul3A_340 : vector<16xi32>
      %sub3A_342 = arith.subi %sub3A_341, %broadcast_in_dim3A_25 : vector<16xi32>
      %shift_right_logical3A_343 = arith.shrui %sub3A_342, %broadcast_in_dim3A_51 : vector<16xi32>
      %mul3A_344 = arith.muli %shift_right_logical3A_343, %broadcast_in_dim3A_25 : vector<16xi32>
      %add3A_345 = arith.addi %sub3A_342, %mul3A_344 : vector<16xi32>
      %sub3A_346 = arith.constant 3 : i32
      %sub3A_347 = arith.subi %add3A_290, %sub3A_346 : i32
      %get3A_348 = arith.index_cast %sub3A_347 : i32 to index
      %get3A_349 = tpu.vector_load %arg5[%get3A_348] {strides = array<i32>} : memref<1040xi32, #tpu.memory_space<vmem>>, vector<16xi32>,
      %get3A_350 = vector.shape_cast %get3A_349 : vector<16xi32> to vector<16xi32>
      %convert_element_type3A_351 = arith.sitofp %add3A_345 : vector<16xi32> to vector<16xf32>
      %add3A_352 = arith.addf %convert_element_type3A_351, %broadcast_in_dim3A_49 : vector<16xf32>
      %mul3A_353 = arith.mulf %add3A_352, %broadcast_in_dim3A_45 : vector<16xf32>
      %convert_element_type3A_354 = arith.fptosi %mul3A_353 : vector<16xf32> to vector<16xi32>
      %mul3A_355 = arith.muli %convert_element_type3A_354, %broadcast_in_dim3A_23 : vector<16xi32>
      %sub3A_356 = arith.subi %add3A_345, %mul3A_355 : vector<16xi32>
      %mul3A_357 = arith.muli %convert_element_type3A_354, %broadcast_in_dim3A_31 : vector<16xi32>
      %mul3A_358 = arith.muli %sub3A_356, %broadcast_in_dim3A_37 : vector<16xi32>
      %add3A_359 = arith.addi %mul3A_357, %mul3A_358 : vector<16xi32>
      %add3A_360 = arith.addi %add3A_359, %get3A_350 : vector<16xi32>
      %add3A_361 = arith.addi %add3A_360, %broadcast_in_dim3A_43 : vector<16xi32>
      %convert_element_type3A_362 = arith.sitofp %add3A_361 : vector<16xi32> to vector<16xf32>
      %mul3A_363 = arith.mulf %convert_element_type3A_362, %broadcast_in_dim3A_47 : vector<16xf32>
      %sub3A_364 = arith.subf %mul3A_363, %broadcast_in_dim3A_49 : vector<16xf32>
      %convert_element_type3A_365 = arith.fptosi %sub3A_364 : vector<16xf32> to vector<16xi32>
      %mul3A_366 = arith.muli %convert_element_type3A_365, %broadcast_in_dim3A_25 : vector<16xi32>
      %sub3A_367 = arith.subi %add3A_361, %mul3A_366 : vector<16xi32>
      %sub3A_368 = arith.subi %sub3A_367, %broadcast_in_dim3A_25 : vector<16xi32>
      %shift_right_logical3A_369 = arith.shrui %sub3A_368, %broadcast_in_dim3A_51 : vector<16xi32>
      %mul3A_370 = arith.muli %shift_right_logical3A_369, %broadcast_in_dim3A_25 : vector<16xi32>
      %add3A_371 = arith.addi %sub3A_368, %mul3A_370 : vector<16xi32>
      %mul3A_372 = arith.constant 16 : i32
      %mul3A_373 = arith.muli %while3A_283, %mul3A_372 : i32
      %swap3A_374 = arith.index_cast %while3A_74 : i32 to index
      %swap3A_375 = arith.index_cast %mul3A_373 : i32 to index
      %swap3A_376 = tpu.vector_load %arg6[%swap3A_374, %swap3A_375] {strides = array<i32>} : memref<8x128xi32, #tpu.memory_space<vmem>>, vector<1x16xi32>,
      %swap3A_377 = vector.shape_cast %swap3A_376 : vector<1x16xi32> to vector<16xi32>
      %swap3A_378 = vector.shape_cast %add3A_371 : vector<16xi32> to vector<1x16xi32>
      tpu.vector_store %arg6[%swap3A_374, %swap3A_375], %swap3A_378 {strides = array<i32>} : memref<8x128xi32, #tpu.memory_space<vmem>>, vector<1x16xi32>,
    }
    %dma_start3A = arith.constant 0 : i32
    %dma_start3A_85 = arith.constant 0 : i32
    %dma_start3A_86 = arith.constant 0 : i32
    %dma_start3A_87 = arith.constant 0 : i32
    %dma_start3A_88 = arith.constant 0 : i32
    %dma_start3A_89 = tpu.memref_slice %arg8[%dma_start3A_85, %dma_start3A_87, %dma_start3A_88] : memref<6x128x128xf32, #tpu.memory_space<vmem>> -> memref<1x128x128xf32, #tpu.memory_space<vmem>>
    %dma_start3A_90 = tpu.memref_squeeze %dma_start3A_89 : memref<1x128x128xf32, #tpu.memory_space<vmem>> -> memref<128x128xf32, #tpu.memory_space<vmem>>
    %dma_start3A_91 = arith.constant 0 : i32
    %dma_start3A_92 = tpu.memref_slice %arg6[%dma_start3A, %dma_start3A_91] : memref<8x128xi32, #tpu.memory_space<vmem>> -> memref<1x128xi32, #tpu.memory_space<vmem>>
    %dma_start3A_93 = tpu.memref_squeeze %dma_start3A_92 : memref<1x128xi32, #tpu.memory_space<vmem>> -> memref<128xi32, #tpu.memory_space<vmem>>
    %dma_start3A_94 = arith.constant 0 : i32
    %dma_start3A_95 = arith.constant 0 : i32
    %dma_start3A_96 = tpu.memref_slice %arg3[%dma_start3A_94, %dma_start3A_95] : memref<1000000x128xf32, #tpu.memory_space<hbm>> -> memref<1000000x128xf32, #tpu.memory_space<hbm>>
    %dma_start3A_97 = tpu.memref_slice %arg9[%dma_start3A_86] : memref<6x!tpu.dma_semaphore, #tpu.memory_space<semaphore_mem>> -> memref<1x!tpu.dma_semaphore, #tpu.memory_space<semaphore_mem>>
    %dma_start3A_98 = tpu.memref_squeeze %dma_start3A_97 : memref<1x!tpu.dma_semaphore, #tpu.memory_space<semaphore_mem>> -> memref<!tpu.dma_semaphore, #tpu.memory_space<semaphore_mem>>
    tpu.enqueue_indirect_dma source(%dma_start3A_96 : memref<1000000x128xf32, #tpu.memory_space<hbm>>) target(%dma_start3A_90 : memref<128x128xf32, #tpu.memory_space<vmem>>) offsets(%dma_start3A_93 : memref<128xi32, #tpu.memory_space<vmem>>) semaphore(%dma_start3A_98 : memref<!tpu.dma_semaphore, #tpu.memory_space<semaphore_mem>>)
    %while3A_99 = arith.constant 0 : i32
    %while3A_100 = arith.constant 1 : i32
    %while3A_101 = arith.constant 0 : i32
    %while3A_102 = arith.constant 8 : i32
    %while3A_103 = arith.subi %while3A_102, %while3A_101 : i32
    %while3A_104 = arith.addi %while3A_101, %while3A_103 : i32
    %while3A_105 = arith.constant 1 : i32
    %while3A_106 = arith.divsi %while3A_103, %while3A_105 : i32
    %while3A_107 = arith.muli %while3A_106, %while3A_105 : i32
    %while3A_108 = arith.addi %while3A_101, %while3A_107 : i32
    %while3A_109 = arith.constant 1 : i32
    scf.for %while3A_283 = %while3A_101 to %while3A_108 step %while3A_109  : i32 {
      %mul3A_284 = arith.constant 128 : i32
      %mul3A_285 = arith.muli %mul3A_284, %while3A_100 : i32
      %add3A_286 = arith.constant 16 : i32
      %add3A_287 = arith.addi %add3A_286, %mul3A_285 : i32
      %mul3A_288 = arith.constant 16 : i32
      %mul3A_289 = arith.muli %mul3A_288, %while3A_283 : i32
      %add3A_290 = arith.addi %add3A_287, %mul3A_289 : i32
      %get3A_291 = arith.index_cast %add3A_290 : i32 to index
      %get3A_292 = tpu.vector_load %arg5[%get3A_291] {strides = array<i32>} : memref<1040xi32, #tpu.memory_space<vmem>>, vector<16xi32>,
      %get3A_293 = vector.shape_cast %get3A_292 : vector<16xi32> to vector<16xi32>
      %sub3A_294 = arith.constant 1 : i32
      %sub3A_295 = arith.subi %add3A_290, %sub3A_294 : i32
      %get3A_296 = arith.index_cast %sub3A_295 : i32 to index
      %get3A_297 = tpu.vector_load %arg5[%get3A_296] {strides = array<i32>} : memref<1040xi32, #tpu.memory_space<vmem>>, vector<16xi32>,
      %get3A_298 = vector.shape_cast %get3A_297 : vector<16xi32> to vector<16xi32>
      %convert_element_type3A_299 = arith.sitofp %get3A_293 : vector<16xi32> to vector<16xf32>
      %add3A_300 = arith.addf %convert_element_type3A_299, %broadcast_in_dim3A_49 : vector<16xf32>
      %mul3A_301 = arith.mulf %add3A_300, %broadcast_in_dim3A_45 : vector<16xf32>
      %convert_element_type3A_302 = arith.fptosi %mul3A_301 : vector<16xf32> to vector<16xi32>
      %mul3A_303 = arith.muli %convert_element_type3A_302, %broadcast_in_dim3A_23 : vector<16xi32>
      %sub3A_304 = arith.subi %get3A_293, %mul3A_303 : vector<16xi32>
      %mul3A_305 = arith.muli %convert_element_type3A_302, %broadcast_in_dim3A_27 : vector<16xi32>
      %mul3A_306 = arith.muli %sub3A_304, %broadcast_in_dim3A_33 : vector<16xi32>
      %add3A_307 = arith.addi %mul3A_305, %mul3A_306 : vector<16xi32>
      %add3A_308 = arith.addi %add3A_307, %get3A_298 : vector<16xi32>
      %add3A_309 = arith.addi %add3A_308, %broadcast_in_dim3A_39 : vector<16xi32>
      %convert_element_type3A_310 = arith.sitofp %add3A_309 : vector<16xi32> to vector<16xf32>
      %mul3A_311 = arith.mulf %convert_element_type3A_310, %broadcast_in_dim3A_47 : vector<16xf32>
      %sub3A_312 = arith.subf %mul3A_311, %broadcast_in_dim3A_49 : vector<16xf32>
      %convert_element_type3A_313 = arith.fptosi %sub3A_312 : vector<16xf32> to vector<16xi32>
      %mul3A_314 = arith.muli %convert_element_type3A_313, %broadcast_in_dim3A_25 : vector<16xi32>
      %sub3A_315 = arith.subi %add3A_309, %mul3A_314 : vector<16xi32>
      %sub3A_316 = arith.subi %sub3A_315, %broadcast_in_dim3A_25 : vector<16xi32>
      %shift_right_logical3A_317 = arith.shrui %sub3A_316, %broadcast_in_dim3A_51 : vector<16xi32>
      %mul3A_318 = arith.muli %shift_right_logical3A_317, %broadcast_in_dim3A_25 : vector<16xi32>
      %add3A_319 = arith.addi %sub3A_316, %mul3A_318 : vector<16xi32>
      %sub3A_320 = arith.constant 2 : i32
      %sub3A_321 = arith.subi %add3A_290, %sub3A_320 : i32
      %get3A_322 = arith.index_cast %sub3A_321 : i32 to index
      %get3A_323 = tpu.vector_load %arg5[%get3A_322] {strides = array<i32>} : memref<1040xi32, #tpu.memory_space<vmem>>, vector<16xi32>,
      %get3A_324 = vector.shape_cast %get3A_323 : vector<16xi32> to vector<16xi32>
      %convert_element_type3A_325 = arith.sitofp %add3A_319 : vector<16xi32> to vector<16xf32>
      %add3A_326 = arith.addf %convert_element_type3A_325, %broadcast_in_dim3A_49 : vector<16xf32>
      %mul3A_327 = arith.mulf %add3A_326, %broadcast_in_dim3A_45 : vector<16xf32>
      %convert_element_type3A_328 = arith.fptosi %mul3A_327 : vector<16xf32> to vector<16xi32>
      %mul3A_329 = arith.muli %convert_element_type3A_328, %broadcast_in_dim3A_23 : vector<16xi32>
      %sub3A_330 = arith.subi %add3A_319, %mul3A_329 : vector<16xi32>
      %mul3A_331 = arith.muli %convert_element_type3A_328, %broadcast_in_dim3A_29 : vector<16xi32>
      %mul3A_332 = arith.muli %sub3A_330, %broadcast_in_dim3A_35 : vector<16xi32>
      %add3A_333 = arith.addi %mul3A_331, %mul3A_332 : vector<16xi32>
      %add3A_334 = arith.addi %add3A_333, %get3A_324 : vector<16xi32>
      %add3A_335 = arith.addi %add3A_334, %broadcast_in_dim3A_41 : vector<16xi32>
      %convert_element_type3A_336 = arith.sitofp %add3A_335 : vector<16xi32> to vector<16xf32>
      %mul3A_337 = arith.mulf %convert_element_type3A_336, %broadcast_in_dim3A_47 : vector<16xf32>
      %sub3A_338 = arith.subf %mul3A_337, %broadcast_in_dim3A_49 : vector<16xf32>
      %convert_element_type3A_339 = arith.fptosi %sub3A_338 : vector<16xf32> to vector<16xi32>
      %mul3A_340 = arith.muli %convert_element_type3A_339, %broadcast_in_dim3A_25 : vector<16xi32>
      %sub3A_341 = arith.subi %add3A_335, %mul3A_340 : vector<16xi32>
      %sub3A_342 = arith.subi %sub3A_341, %broadcast_in_dim3A_25 : vector<16xi32>
      %shift_right_logical3A_343 = arith.shrui %sub3A_342, %broadcast_in_dim3A_51 : vector<16xi32>
      %mul3A_344 = arith.muli %shift_right_logical3A_343, %broadcast_in_dim3A_25 : vector<16xi32>
      %add3A_345 = arith.addi %sub3A_342, %mul3A_344 : vector<16xi32>
      %sub3A_346 = arith.constant 3 : i32
      %sub3A_347 = arith.subi %add3A_290, %sub3A_346 : i32
      %get3A_348 = arith.index_cast %sub3A_347 : i32 to index
      %get3A_349 = tpu.vector_load %arg5[%get3A_348] {strides = array<i32>} : memref<1040xi32, #tpu.memory_space<vmem>>, vector<16xi32>,
      %get3A_350 = vector.shape_cast %get3A_349 : vector<16xi32> to vector<16xi32>
      %convert_element_type3A_351 = arith.sitofp %add3A_345 : vector<16xi32> to vector<16xf32>
      %add3A_352 = arith.addf %convert_element_type3A_351, %broadcast_in_dim3A_49 : vector<16xf32>
      %mul3A_353 = arith.mulf %add3A_352, %broadcast_in_dim3A_45 : vector<16xf32>
      %convert_element_type3A_354 = arith.fptosi %mul3A_353 : vector<16xf32> to vector<16xi32>
      %mul3A_355 = arith.muli %convert_element_type3A_354, %broadcast_in_dim3A_23 : vector<16xi32>
      %sub3A_356 = arith.subi %add3A_345, %mul3A_355 : vector<16xi32>
      %mul3A_357 = arith.muli %convert_element_type3A_354, %broadcast_in_dim3A_31 : vector<16xi32>
      %mul3A_358 = arith.muli %sub3A_356, %broadcast_in_dim3A_37 : vector<16xi32>
      %add3A_359 = arith.addi %mul3A_357, %mul3A_358 : vector<16xi32>
      %add3A_360 = arith.addi %add3A_359, %get3A_350 : vector<16xi32>
      %add3A_361 = arith.addi %add3A_360, %broadcast_in_dim3A_43 : vector<16xi32>
      %convert_element_type3A_362 = arith.sitofp %add3A_361 : vector<16xi32> to vector<16xf32>
      %mul3A_363 = arith.mulf %convert_element_type3A_362, %broadcast_in_dim3A_47 : vector<16xf32>
      %sub3A_364 = arith.subf %mul3A_363, %broadcast_in_dim3A_49 : vector<16xf32>
      %convert_element_type3A_365 = arith.fptosi %sub3A_364 : vector<16xf32> to vector<16xi32>
      %mul3A_366 = arith.muli %convert_element_type3A_365, %broadcast_in_dim3A_25 : vector<16xi32>
      %sub3A_367 = arith.subi %add3A_361, %mul3A_366 : vector<16xi32>
      %sub3A_368 = arith.subi %sub3A_367, %broadcast_in_dim3A_25 : vector<16xi32>
      %shift_right_logical3A_369 = arith.shrui %sub3A_368, %broadcast_in_dim3A_51 : vector<16xi32>
      %mul3A_370 = arith.muli %shift_right_logical3A_369, %broadcast_in_dim3A_25 : vector<16xi32>
      %add3A_371 = arith.addi %sub3A_368, %mul3A_370 : vector<16xi32>
      %mul3A_372 = arith.constant 16 : i32
      %mul3A_373 = arith.muli %while3A_283, %mul3A_372 : i32
      %swap3A_374 = arith.index_cast %while3A_100 : i32 to index
      %swap3A_375 = arith.index_cast %mul3A_373 : i32 to index
      %swap3A_376 = tpu.vector_load %arg6[%swap3A_374, %swap3A_375] {strides = array<i32>} : memref<8x128xi32, #tpu.memory_space<vmem>>, vector<1x16xi32>,
      %swap3A_377 = vector.shape_cast %swap3A_376 : vector<1x16xi32> to vector<16xi32>
      %swap3A_378 = vector.shape_cast %add3A_371 : vector<16xi32> to vector<1x16xi32>
      tpu.vector_store %arg6[%swap3A_374, %swap3A_375], %swap3A_378 {strides = array<i32>} : memref<8x128xi32, #tpu.memory_space<vmem>>, vector<1x16xi32>,
    }
    %while3A_110 = arith.constant 1 : i32
    scf.for %while3A_283 = %while3A_108 to %while3A_104 step %while3A_110  : i32 {
      %mul3A_284 = arith.constant 128 : i32
      %mul3A_285 = arith.muli %mul3A_284, %while3A_100 : i32
      %add3A_286 = arith.constant 16 : i32
      %add3A_287 = arith.addi %add3A_286, %mul3A_285 : i32
      %mul3A_288 = arith.constant 16 : i32
      %mul3A_289 = arith.muli %mul3A_288, %while3A_283 : i32
      %add3A_290 = arith.addi %add3A_287, %mul3A_289 : i32
      %get3A_291 = arith.index_cast %add3A_290 : i32 to index
      %get3A_292 = tpu.vector_load %arg5[%get3A_291] {strides = array<i32>} : memref<1040xi32, #tpu.memory_space<vmem>>, vector<16xi32>,
      %get3A_293 = vector.shape_cast %get3A_292 : vector<16xi32> to vector<16xi32>
      %sub3A_294 = arith.constant 1 : i32
      %sub3A_295 = arith.subi %add3A_290, %sub3A_294 : i32
      %get3A_296 = arith.index_cast %sub3A_295 : i32 to index
      %get3A_297 = tpu.vector_load %arg5[%get3A_296] {strides = array<i32>} : memref<1040xi32, #tpu.memory_space<vmem>>, vector<16xi32>,
      %get3A_298 = vector.shape_cast %get3A_297 : vector<16xi32> to vector<16xi32>
      %convert_element_type3A_299 = arith.sitofp %get3A_293 : vector<16xi32> to vector<16xf32>
      %add3A_300 = arith.addf %convert_element_type3A_299, %broadcast_in_dim3A_49 : vector<16xf32>
      %mul3A_301 = arith.mulf %add3A_300, %broadcast_in_dim3A_45 : vector<16xf32>
      %convert_element_type3A_302 = arith.fptosi %mul3A_301 : vector<16xf32> to vector<16xi32>
      %mul3A_303 = arith.muli %convert_element_type3A_302, %broadcast_in_dim3A_23 : vector<16xi32>
      %sub3A_304 = arith.subi %get3A_293, %mul3A_303 : vector<16xi32>
      %mul3A_305 = arith.muli %convert_element_type3A_302, %broadcast_in_dim3A_27 : vector<16xi32>
      %mul3A_306 = arith.muli %sub3A_304, %broadcast_in_dim3A_33 : vector<16xi32>
      %add3A_307 = arith.addi %mul3A_305, %mul3A_306 : vector<16xi32>
      %add3A_308 = arith.addi %add3A_307, %get3A_298 : vector<16xi32>
      %add3A_309 = arith.addi %add3A_308, %broadcast_in_dim3A_39 : vector<16xi32>
      %convert_element_type3A_310 = arith.sitofp %add3A_309 : vector<16xi32> to vector<16xf32>
      %mul3A_311 = arith.mulf %convert_element_type3A_310, %broadcast_in_dim3A_47 : vector<16xf32>
      %sub3A_312 = arith.subf %mul3A_311, %broadcast_in_dim3A_49 : vector<16xf32>
      %convert_element_type3A_313 = arith.fptosi %sub3A_312 : vector<16xf32> to vector<16xi32>
      %mul3A_314 = arith.muli %convert_element_type3A_313, %broadcast_in_dim3A_25 : vector<16xi32>
      %sub3A_315 = arith.subi %add3A_309, %mul3A_314 : vector<16xi32>
      %sub3A_316 = arith.subi %sub3A_315, %broadcast_in_dim3A_25 : vector<16xi32>
      %shift_right_logical3A_317 = arith.shrui %sub3A_316, %broadcast_in_dim3A_51 : vector<16xi32>
      %mul3A_318 = arith.muli %shift_right_logical3A_317, %broadcast_in_dim3A_25 : vector<16xi32>
      %add3A_319 = arith.addi %sub3A_316, %mul3A_318 : vector<16xi32>
      %sub3A_320 = arith.constant 2 : i32
      %sub3A_321 = arith.subi %add3A_290, %sub3A_320 : i32
      %get3A_322 = arith.index_cast %sub3A_321 : i32 to index
      %get3A_323 = tpu.vector_load %arg5[%get3A_322] {strides = array<i32>} : memref<1040xi32, #tpu.memory_space<vmem>>, vector<16xi32>,
      %get3A_324 = vector.shape_cast %get3A_323 : vector<16xi32> to vector<16xi32>
      %convert_element_type3A_325 = arith.sitofp %add3A_319 : vector<16xi32> to vector<16xf32>
      %add3A_326 = arith.addf %convert_element_type3A_325, %broadcast_in_dim3A_49 : vector<16xf32>
      %mul3A_327 = arith.mulf %add3A_326, %broadcast_in_dim3A_45 : vector<16xf32>
      %convert_element_type3A_328 = arith.fptosi %mul3A_327 : vector<16xf32> to vector<16xi32>
      %mul3A_329 = arith.muli %convert_element_type3A_328, %broadcast_in_dim3A_23 : vector<16xi32>
      %sub3A_330 = arith.subi %add3A_319, %mul3A_329 : vector<16xi32>
      %mul3A_331 = arith.muli %convert_element_type3A_328, %broadcast_in_dim3A_29 : vector<16xi32>
      %mul3A_332 = arith.muli %sub3A_330, %broadcast_in_dim3A_35 : vector<16xi32>
      %add3A_333 = arith.addi %mul3A_331, %mul3A_332 : vector<16xi32>
      %add3A_334 = arith.addi %add3A_333, %get3A_324 : vector<16xi32>
      %add3A_335 = arith.addi %add3A_334, %broadcast_in_dim3A_41 : vector<16xi32>
      %convert_element_type3A_336 = arith.sitofp %add3A_335 : vector<16xi32> to vector<16xf32>
      %mul3A_337 = arith.mulf %convert_element_type3A_336, %broadcast_in_dim3A_47 : vector<16xf32>
      %sub3A_338 = arith.subf %mul3A_337, %broadcast_in_dim3A_49 : vector<16xf32>
      %convert_element_type3A_339 = arith.fptosi %sub3A_338 : vector<16xf32> to vector<16xi32>
      %mul3A_340 = arith.muli %convert_element_type3A_339, %broadcast_in_dim3A_25 : vector<16xi32>
      %sub3A_341 = arith.subi %add3A_335, %mul3A_340 : vector<16xi32>
      %sub3A_342 = arith.subi %sub3A_341, %broadcast_in_dim3A_25 : vector<16xi32>
      %shift_right_logical3A_343 = arith.shrui %sub3A_342, %broadcast_in_dim3A_51 : vector<16xi32>
      %mul3A_344 = arith.muli %shift_right_logical3A_343, %broadcast_in_dim3A_25 : vector<16xi32>
      %add3A_345 = arith.addi %sub3A_342, %mul3A_344 : vector<16xi32>
      %sub3A_346 = arith.constant 3 : i32
      %sub3A_347 = arith.subi %add3A_290, %sub3A_346 : i32
      %get3A_348 = arith.index_cast %sub3A_347 : i32 to index
      %get3A_349 = tpu.vector_load %arg5[%get3A_348] {strides = array<i32>} : memref<1040xi32, #tpu.memory_space<vmem>>, vector<16xi32>,
      %get3A_350 = vector.shape_cast %get3A_349 : vector<16xi32> to vector<16xi32>
      %convert_element_type3A_351 = arith.sitofp %add3A_345 : vector<16xi32> to vector<16xf32>
      %add3A_352 = arith.addf %convert_element_type3A_351, %broadcast_in_dim3A_49 : vector<16xf32>
      %mul3A_353 = arith.mulf %add3A_352, %broadcast_in_dim3A_45 : vector<16xf32>
      %convert_element_type3A_354 = arith.fptosi %mul3A_353 : vector<16xf32> to vector<16xi32>
      %mul3A_355 = arith.muli %convert_element_type3A_354, %broadcast_in_dim3A_23 : vector<16xi32>
      %sub3A_356 = arith.subi %add3A_345, %mul3A_355 : vector<16xi32>
      %mul3A_357 = arith.muli %convert_element_type3A_354, %broadcast_in_dim3A_31 : vector<16xi32>
      %mul3A_358 = arith.muli %sub3A_356, %broadcast_in_dim3A_37 : vector<16xi32>
      %add3A_359 = arith.addi %mul3A_357, %mul3A_358 : vector<16xi32>
      %add3A_360 = arith.addi %add3A_359, %get3A_350 : vector<16xi32>
      %add3A_361 = arith.addi %add3A_360, %broadcast_in_dim3A_43 : vector<16xi32>
      %convert_element_type3A_362 = arith.sitofp %add3A_361 : vector<16xi32> to vector<16xf32>
      %mul3A_363 = arith.mulf %convert_element_type3A_362, %broadcast_in_dim3A_47 : vector<16xf32>
      %sub3A_364 = arith.subf %mul3A_363, %broadcast_in_dim3A_49 : vector<16xf32>
      %convert_element_type3A_365 = arith.fptosi %sub3A_364 : vector<16xf32> to vector<16xi32>
      %mul3A_366 = arith.muli %convert_element_type3A_365, %broadcast_in_dim3A_25 : vector<16xi32>
      %sub3A_367 = arith.subi %add3A_361, %mul3A_366 : vector<16xi32>
      %sub3A_368 = arith.subi %sub3A_367, %broadcast_in_dim3A_25 : vector<16xi32>
      %shift_right_logical3A_369 = arith.shrui %sub3A_368, %broadcast_in_dim3A_51 : vector<16xi32>
      %mul3A_370 = arith.muli %shift_right_logical3A_369, %broadcast_in_dim3A_25 : vector<16xi32>
      %add3A_371 = arith.addi %sub3A_368, %mul3A_370 : vector<16xi32>
      %mul3A_372 = arith.constant 16 : i32
      %mul3A_373 = arith.muli %while3A_283, %mul3A_372 : i32
      %swap3A_374 = arith.index_cast %while3A_100 : i32 to index
      %swap3A_375 = arith.index_cast %mul3A_373 : i32 to index
      %swap3A_376 = tpu.vector_load %arg6[%swap3A_374, %swap3A_375] {strides = array<i32>} : memref<8x128xi32, #tpu.memory_space<vmem>>, vector<1x16xi32>,
      %swap3A_377 = vector.shape_cast %swap3A_376 : vector<1x16xi32> to vector<16xi32>
      %swap3A_378 = vector.shape_cast %add3A_371 : vector<16xi32> to vector<1x16xi32>
      tpu.vector_store %arg6[%swap3A_374, %swap3A_375], %swap3A_378 {strides = array<i32>} : memref<8x128xi32, #tpu.memory_space<vmem>>, vector<1x16xi32>,
    }
    %dma_start3A_111 = arith.constant 1 : i32
    %dma_start3A_112 = arith.constant 1 : i32
    %dma_start3A_113 = arith.constant 1 : i32
    %dma_start3A_114 = arith.constant 0 : i32
    %dma_start3A_115 = arith.constant 0 : i32
    %dma_start3A_116 = tpu.memref_slice %arg8[%dma_start3A_112, %dma_start3A_114, %dma_start3A_115] : memref<6x128x128xf32, #tpu.memory_space<vmem>> -> memref<1x128x128xf32, #tpu.memory_space<vmem>>
    %dma_start3A_117 = tpu.memref_squeeze %dma_start3A_116 : memref<1x128x128xf32, #tpu.memory_space<vmem>> -> memref<128x128xf32, #tpu.memory_space<vmem>>
    %dma_start3A_118 = arith.constant 0 : i32
    %dma_start3A_119 = tpu.memref_slice %arg6[%dma_start3A_111, %dma_start3A_118] : memref<8x128xi32, #tpu.memory_space<vmem>> -> memref<1x128xi32, #tpu.memory_space<vmem>>
    %dma_start3A_120 = tpu.memref_squeeze %dma_start3A_119 : memref<1x128xi32, #tpu.memory_space<vmem>> -> memref<128xi32, #tpu.memory_space<vmem>>
    %dma_start3A_121 = arith.constant 0 : i32
    %dma_start3A_122 = arith.constant 0 : i32
    %dma_start3A_123 = tpu.memref_slice %arg3[%dma_start3A_121, %dma_start3A_122] : memref<1000000x128xf32, #tpu.memory_space<hbm>> -> memref<1000000x128xf32, #tpu.memory_space<hbm>>
    %dma_start3A_124 = tpu.memref_slice %arg9[%dma_start3A_113] : memref<6x!tpu.dma_semaphore, #tpu.memory_space<semaphore_mem>> -> memref<1x!tpu.dma_semaphore, #tpu.memory_space<semaphore_mem>>
    %dma_start3A_125 = tpu.memref_squeeze %dma_start3A_124 : memref<1x!tpu.dma_semaphore, #tpu.memory_space<semaphore_mem>> -> memref<!tpu.dma_semaphore, #tpu.memory_space<semaphore_mem>>
    tpu.enqueue_indirect_dma source(%dma_start3A_123 : memref<1000000x128xf32, #tpu.memory_space<hbm>>) target(%dma_start3A_117 : memref<128x128xf32, #tpu.memory_space<vmem>>) offsets(%dma_start3A_120 : memref<128xi32, #tpu.memory_space<vmem>>) semaphore(%dma_start3A_125 : memref<!tpu.dma_semaphore, #tpu.memory_space<semaphore_mem>>)
    %while3A_126 = arith.constant 0 : i32
    %while3A_127 = arith.constant 2 : i32
    %while3A_128 = arith.constant 0 : i32
    %while3A_129 = arith.constant 8 : i32
    %while3A_130 = arith.subi %while3A_129, %while3A_128 : i32
    %while3A_131 = arith.addi %while3A_128, %while3A_130 : i32
    %while3A_132 = arith.constant 1 : i32
    %while3A_133 = arith.divsi %while3A_130, %while3A_132 : i32
    %while3A_134 = arith.muli %while3A_133, %while3A_132 : i32
    %while3A_135 = arith.addi %while3A_128, %while3A_134 : i32
    %while3A_136 = arith.constant 1 : i32
    scf.for %while3A_283 = %while3A_128 to %while3A_135 step %while3A_136  : i32 {
      %mul3A_284 = arith.constant 128 : i32
      %mul3A_285 = arith.muli %mul3A_284, %while3A_127 : i32
      %add3A_286 = arith.constant 16 : i32
      %add3A_287 = arith.addi %add3A_286, %mul3A_285 : i32
      %mul3A_288 = arith.constant 16 : i32
      %mul3A_289 = arith.muli %mul3A_288, %while3A_283 : i32
      %add3A_290 = arith.addi %add3A_287, %mul3A_289 : i32
      %get3A_291 = arith.index_cast %add3A_290 : i32 to index
      %get3A_292 = tpu.vector_load %arg5[%get3A_291] {strides = array<i32>} : memref<1040xi32, #tpu.memory_space<vmem>>, vector<16xi32>,
      %get3A_293 = vector.shape_cast %get3A_292 : vector<16xi32> to vector<16xi32>
      %sub3A_294 = arith.constant 1 : i32
      %sub3A_295 = arith.subi %add3A_290, %sub3A_294 : i32
      %get3A_296 = arith.index_cast %sub3A_295 : i32 to index
      %get3A_297 = tpu.vector_load %arg5[%get3A_296] {strides = array<i32>} : memref<1040xi32, #tpu.memory_space<vmem>>, vector<16xi32>,
      %get3A_298 = vector.shape_cast %get3A_297 : vector<16xi32> to vector<16xi32>
      %convert_element_type3A_299 = arith.sitofp %get3A_293 : vector<16xi32> to vector<16xf32>
      %add3A_300 = arith.addf %convert_element_type3A_299, %broadcast_in_dim3A_49 : vector<16xf32>
      %mul3A_301 = arith.mulf %add3A_300, %broadcast_in_dim3A_45 : vector<16xf32>
      %convert_element_type3A_302 = arith.fptosi %mul3A_301 : vector<16xf32> to vector<16xi32>
      %mul3A_303 = arith.muli %convert_element_type3A_302, %broadcast_in_dim3A_23 : vector<16xi32>
      %sub3A_304 = arith.subi %get3A_293, %mul3A_303 : vector<16xi32>
      %mul3A_305 = arith.muli %convert_element_type3A_302, %broadcast_in_dim3A_27 : vector<16xi32>
      %mul3A_306 = arith.muli %sub3A_304, %broadcast_in_dim3A_33 : vector<16xi32>
      %add3A_307 = arith.addi %mul3A_305, %mul3A_306 : vector<16xi32>
      %add3A_308 = arith.addi %add3A_307, %get3A_298 : vector<16xi32>
      %add3A_309 = arith.addi %add3A_308, %broadcast_in_dim3A_39 : vector<16xi32>
      %convert_element_type3A_310 = arith.sitofp %add3A_309 : vector<16xi32> to vector<16xf32>
      %mul3A_311 = arith.mulf %convert_element_type3A_310, %broadcast_in_dim3A_47 : vector<16xf32>
      %sub3A_312 = arith.subf %mul3A_311, %broadcast_in_dim3A_49 : vector<16xf32>
      %convert_element_type3A_313 = arith.fptosi %sub3A_312 : vector<16xf32> to vector<16xi32>
      %mul3A_314 = arith.muli %convert_element_type3A_313, %broadcast_in_dim3A_25 : vector<16xi32>
      %sub3A_315 = arith.subi %add3A_309, %mul3A_314 : vector<16xi32>
      %sub3A_316 = arith.subi %sub3A_315, %broadcast_in_dim3A_25 : vector<16xi32>
      %shift_right_logical3A_317 = arith.shrui %sub3A_316, %broadcast_in_dim3A_51 : vector<16xi32>
      %mul3A_318 = arith.muli %shift_right_logical3A_317, %broadcast_in_dim3A_25 : vector<16xi32>
      %add3A_319 = arith.addi %sub3A_316, %mul3A_318 : vector<16xi32>
      %sub3A_320 = arith.constant 2 : i32
      %sub3A_321 = arith.subi %add3A_290, %sub3A_320 : i32
      %get3A_322 = arith.index_cast %sub3A_321 : i32 to index
      %get3A_323 = tpu.vector_load %arg5[%get3A_322] {strides = array<i32>} : memref<1040xi32, #tpu.memory_space<vmem>>, vector<16xi32>,
      %get3A_324 = vector.shape_cast %get3A_323 : vector<16xi32> to vector<16xi32>
      %convert_element_type3A_325 = arith.sitofp %add3A_319 : vector<16xi32> to vector<16xf32>
      %add3A_326 = arith.addf %convert_element_type3A_325, %broadcast_in_dim3A_49 : vector<16xf32>
      %mul3A_327 = arith.mulf %add3A_326, %broadcast_in_dim3A_45 : vector<16xf32>
      %convert_element_type3A_328 = arith.fptosi %mul3A_327 : vector<16xf32> to vector<16xi32>
      %mul3A_329 = arith.muli %convert_element_type3A_328, %broadcast_in_dim3A_23 : vector<16xi32>
      %sub3A_330 = arith.subi %add3A_319, %mul3A_329 : vector<16xi32>
      %mul3A_331 = arith.muli %convert_element_type3A_328, %broadcast_in_dim3A_29 : vector<16xi32>
      %mul3A_332 = arith.muli %sub3A_330, %broadcast_in_dim3A_35 : vector<16xi32>
      %add3A_333 = arith.addi %mul3A_331, %mul3A_332 : vector<16xi32>
      %add3A_334 = arith.addi %add3A_333, %get3A_324 : vector<16xi32>
      %add3A_335 = arith.addi %add3A_334, %broadcast_in_dim3A_41 : vector<16xi32>
      %convert_element_type3A_336 = arith.sitofp %add3A_335 : vector<16xi32> to vector<16xf32>
      %mul3A_337 = arith.mulf %convert_element_type3A_336, %broadcast_in_dim3A_47 : vector<16xf32>
      %sub3A_338 = arith.subf %mul3A_337, %broadcast_in_dim3A_49 : vector<16xf32>
      %convert_element_type3A_339 = arith.fptosi %sub3A_338 : vector<16xf32> to vector<16xi32>
      %mul3A_340 = arith.muli %convert_element_type3A_339, %broadcast_in_dim3A_25 : vector<16xi32>
      %sub3A_341 = arith.subi %add3A_335, %mul3A_340 : vector<16xi32>
      %sub3A_342 = arith.subi %sub3A_341, %broadcast_in_dim3A_25 : vector<16xi32>
      %shift_right_logical3A_343 = arith.shrui %sub3A_342, %broadcast_in_dim3A_51 : vector<16xi32>
      %mul3A_344 = arith.muli %shift_right_logical3A_343, %broadcast_in_dim3A_25 : vector<16xi32>
      %add3A_345 = arith.addi %sub3A_342, %mul3A_344 : vector<16xi32>
      %sub3A_346 = arith.constant 3 : i32
      %sub3A_347 = arith.subi %add3A_290, %sub3A_346 : i32
      %get3A_348 = arith.index_cast %sub3A_347 : i32 to index
      %get3A_349 = tpu.vector_load %arg5[%get3A_348] {strides = array<i32>} : memref<1040xi32, #tpu.memory_space<vmem>>, vector<16xi32>,
      %get3A_350 = vector.shape_cast %get3A_349 : vector<16xi32> to vector<16xi32>
      %convert_element_type3A_351 = arith.sitofp %add3A_345 : vector<16xi32> to vector<16xf32>
      %add3A_352 = arith.addf %convert_element_type3A_351, %broadcast_in_dim3A_49 : vector<16xf32>
      %mul3A_353 = arith.mulf %add3A_352, %broadcast_in_dim3A_45 : vector<16xf32>
      %convert_element_type3A_354 = arith.fptosi %mul3A_353 : vector<16xf32> to vector<16xi32>
      %mul3A_355 = arith.muli %convert_element_type3A_354, %broadcast_in_dim3A_23 : vector<16xi32>
      %sub3A_356 = arith.subi %add3A_345, %mul3A_355 : vector<16xi32>
      %mul3A_357 = arith.muli %convert_element_type3A_354, %broadcast_in_dim3A_31 : vector<16xi32>
      %mul3A_358 = arith.muli %sub3A_356, %broadcast_in_dim3A_37 : vector<16xi32>
      %add3A_359 = arith.addi %mul3A_357, %mul3A_358 : vector<16xi32>
      %add3A_360 = arith.addi %add3A_359, %get3A_350 : vector<16xi32>
      %add3A_361 = arith.addi %add3A_360, %broadcast_in_dim3A_43 : vector<16xi32>
      %convert_element_type3A_362 = arith.sitofp %add3A_361 : vector<16xi32> to vector<16xf32>
      %mul3A_363 = arith.mulf %convert_element_type3A_362, %broadcast_in_dim3A_47 : vector<16xf32>
      %sub3A_364 = arith.subf %mul3A_363, %broadcast_in_dim3A_49 : vector<16xf32>
      %convert_element_type3A_365 = arith.fptosi %sub3A_364 : vector<16xf32> to vector<16xi32>
      %mul3A_366 = arith.muli %convert_element_type3A_365, %broadcast_in_dim3A_25 : vector<16xi32>
      %sub3A_367 = arith.subi %add3A_361, %mul3A_366 : vector<16xi32>
      %sub3A_368 = arith.subi %sub3A_367, %broadcast_in_dim3A_25 : vector<16xi32>
      %shift_right_logical3A_369 = arith.shrui %sub3A_368, %broadcast_in_dim3A_51 : vector<16xi32>
      %mul3A_370 = arith.muli %shift_right_logical3A_369, %broadcast_in_dim3A_25 : vector<16xi32>
      %add3A_371 = arith.addi %sub3A_368, %mul3A_370 : vector<16xi32>
      %mul3A_372 = arith.constant 16 : i32
      %mul3A_373 = arith.muli %while3A_283, %mul3A_372 : i32
      %swap3A_374 = arith.index_cast %while3A_127 : i32 to index
      %swap3A_375 = arith.index_cast %mul3A_373 : i32 to index
      %swap3A_376 = tpu.vector_load %arg6[%swap3A_374, %swap3A_375] {strides = array<i32>} : memref<8x128xi32, #tpu.memory_space<vmem>>, vector<1x16xi32>,
      %swap3A_377 = vector.shape_cast %swap3A_376 : vector<1x16xi32> to vector<16xi32>
      %swap3A_378 = vector.shape_cast %add3A_371 : vector<16xi32> to vector<1x16xi32>
      tpu.vector_store %arg6[%swap3A_374, %swap3A_375], %swap3A_378 {strides = array<i32>} : memref<8x128xi32, #tpu.memory_space<vmem>>, vector<1x16xi32>,
    }
    %while3A_137 = arith.constant 1 : i32
    scf.for %while3A_283 = %while3A_135 to %while3A_131 step %while3A_137  : i32 {
      %mul3A_284 = arith.constant 128 : i32
      %mul3A_285 = arith.muli %mul3A_284, %while3A_127 : i32
      %add3A_286 = arith.constant 16 : i32
      %add3A_287 = arith.addi %add3A_286, %mul3A_285 : i32
      %mul3A_288 = arith.constant 16 : i32
      %mul3A_289 = arith.muli %mul3A_288, %while3A_283 : i32
      %add3A_290 = arith.addi %add3A_287, %mul3A_289 : i32
      %get3A_291 = arith.index_cast %add3A_290 : i32 to index
      %get3A_292 = tpu.vector_load %arg5[%get3A_291] {strides = array<i32>} : memref<1040xi32, #tpu.memory_space<vmem>>, vector<16xi32>,
      %get3A_293 = vector.shape_cast %get3A_292 : vector<16xi32> to vector<16xi32>
      %sub3A_294 = arith.constant 1 : i32
      %sub3A_295 = arith.subi %add3A_290, %sub3A_294 : i32
      %get3A_296 = arith.index_cast %sub3A_295 : i32 to index
      %get3A_297 = tpu.vector_load %arg5[%get3A_296] {strides = array<i32>} : memref<1040xi32, #tpu.memory_space<vmem>>, vector<16xi32>,
      %get3A_298 = vector.shape_cast %get3A_297 : vector<16xi32> to vector<16xi32>
      %convert_element_type3A_299 = arith.sitofp %get3A_293 : vector<16xi32> to vector<16xf32>
      %add3A_300 = arith.addf %convert_element_type3A_299, %broadcast_in_dim3A_49 : vector<16xf32>
      %mul3A_301 = arith.mulf %add3A_300, %broadcast_in_dim3A_45 : vector<16xf32>
      %convert_element_type3A_302 = arith.fptosi %mul3A_301 : vector<16xf32> to vector<16xi32>
      %mul3A_303 = arith.muli %convert_element_type3A_302, %broadcast_in_dim3A_23 : vector<16xi32>
      %sub3A_304 = arith.subi %get3A_293, %mul3A_303 : vector<16xi32>
      %mul3A_305 = arith.muli %convert_element_type3A_302, %broadcast_in_dim3A_27 : vector<16xi32>
      %mul3A_306 = arith.muli %sub3A_304, %broadcast_in_dim3A_33 : vector<16xi32>
      %add3A_307 = arith.addi %mul3A_305, %mul3A_306 : vector<16xi32>
      %add3A_308 = arith.addi %add3A_307, %get3A_298 : vector<16xi32>
      %add3A_309 = arith.addi %add3A_308, %broadcast_in_dim3A_39 : vector<16xi32>
      %convert_element_type3A_310 = arith.sitofp %add3A_309 : vector<16xi32> to vector<16xf32>
      %mul3A_311 = arith.mulf %convert_element_type3A_310, %broadcast_in_dim3A_47 : vector<16xf32>
      %sub3A_312 = arith.subf %mul3A_311, %broadcast_in_dim3A_49 : vector<16xf32>
      %convert_element_type3A_313 = arith.fptosi %sub3A_312 : vector<16xf32> to vector<16xi32>
      %mul3A_314 = arith.muli %convert_element_type3A_313, %broadcast_in_dim3A_25 : vector<16xi32>
      %sub3A_315 = arith.subi %add3A_309, %mul3A_314 : vector<16xi32>
      %sub3A_316 = arith.subi %sub3A_315, %broadcast_in_dim3A_25 : vector<16xi32>
      %shift_right_logical3A_317 = arith.shrui %sub3A_316, %broadcast_in_dim3A_51 : vector<16xi32>
      %mul3A_318 = arith.muli %shift_right_logical3A_317, %broadcast_in_dim3A_25 : vector<16xi32>
      %add3A_319 = arith.addi %sub3A_316, %mul3A_318 : vector<16xi32>
      %sub3A_320 = arith.constant 2 : i32
      %sub3A_321 = arith.subi %add3A_290, %sub3A_320 : i32
      %get3A_322 = arith.index_cast %sub3A_321 : i32 to index
      %get3A_323 = tpu.vector_load %arg5[%get3A_322] {strides = array<i32>} : memref<1040xi32, #tpu.memory_space<vmem>>, vector<16xi32>,
      %get3A_324 = vector.shape_cast %get3A_323 : vector<16xi32> to vector<16xi32>
      %convert_element_type3A_325 = arith.sitofp %add3A_319 : vector<16xi32> to vector<16xf32>
      %add3A_326 = arith.addf %convert_element_type3A_325, %broadcast_in_dim3A_49 : vector<16xf32>
      %mul3A_327 = arith.mulf %add3A_326, %broadcast_in_dim3A_45 : vector<16xf32>
      %convert_element_type3A_328 = arith.fptosi %mul3A_327 : vector<16xf32> to vector<16xi32>
      %mul3A_329 = arith.muli %convert_element_type3A_328, %broadcast_in_dim3A_23 : vector<16xi32>
      %sub3A_330 = arith.subi %add3A_319, %mul3A_329 : vector<16xi32>
      %mul3A_331 = arith.muli %convert_element_type3A_328, %broadcast_in_dim3A_29 : vector<16xi32>
      %mul3A_332 = arith.muli %sub3A_330, %broadcast_in_dim3A_35 : vector<16xi32>
      %add3A_333 = arith.addi %mul3A_331, %mul3A_332 : vector<16xi32>
      %add3A_334 = arith.addi %add3A_333, %get3A_324 : vector<16xi32>
      %add3A_335 = arith.addi %add3A_334, %broadcast_in_dim3A_41 : vector<16xi32>
      %convert_element_type3A_336 = arith.sitofp %add3A_335 : vector<16xi32> to vector<16xf32>
      %mul3A_337 = arith.mulf %convert_element_type3A_336, %broadcast_in_dim3A_47 : vector<16xf32>
      %sub3A_338 = arith.subf %mul3A_337, %broadcast_in_dim3A_49 : vector<16xf32>
      %convert_element_type3A_339 = arith.fptosi %sub3A_338 : vector<16xf32> to vector<16xi32>
      %mul3A_340 = arith.muli %convert_element_type3A_339, %broadcast_in_dim3A_25 : vector<16xi32>
      %sub3A_341 = arith.subi %add3A_335, %mul3A_340 : vector<16xi32>
      %sub3A_342 = arith.subi %sub3A_341, %broadcast_in_dim3A_25 : vector<16xi32>
      %shift_right_logical3A_343 = arith.shrui %sub3A_342, %broadcast_in_dim3A_51 : vector<16xi32>
      %mul3A_344 = arith.muli %shift_right_logical3A_343, %broadcast_in_dim3A_25 : vector<16xi32>
      %add3A_345 = arith.addi %sub3A_342, %mul3A_344 : vector<16xi32>
      %sub3A_346 = arith.constant 3 : i32
      %sub3A_347 = arith.subi %add3A_290, %sub3A_346 : i32
      %get3A_348 = arith.index_cast %sub3A_347 : i32 to index
      %get3A_349 = tpu.vector_load %arg5[%get3A_348] {strides = array<i32>} : memref<1040xi32, #tpu.memory_space<vmem>>, vector<16xi32>,
      %get3A_350 = vector.shape_cast %get3A_349 : vector<16xi32> to vector<16xi32>
      %convert_element_type3A_351 = arith.sitofp %add3A_345 : vector<16xi32> to vector<16xf32>
      %add3A_352 = arith.addf %convert_element_type3A_351, %broadcast_in_dim3A_49 : vector<16xf32>
      %mul3A_353 = arith.mulf %add3A_352, %broadcast_in_dim3A_45 : vector<16xf32>
      %convert_element_type3A_354 = arith.fptosi %mul3A_353 : vector<16xf32> to vector<16xi32>
      %mul3A_355 = arith.muli %convert_element_type3A_354, %broadcast_in_dim3A_23 : vector<16xi32>
      %sub3A_356 = arith.subi %add3A_345, %mul3A_355 : vector<16xi32>
      %mul3A_357 = arith.muli %convert_element_type3A_354, %broadcast_in_dim3A_31 : vector<16xi32>
      %mul3A_358 = arith.muli %sub3A_356, %broadcast_in_dim3A_37 : vector<16xi32>
      %add3A_359 = arith.addi %mul3A_357, %mul3A_358 : vector<16xi32>
      %add3A_360 = arith.addi %add3A_359, %get3A_350 : vector<16xi32>
      %add3A_361 = arith.addi %add3A_360, %broadcast_in_dim3A_43 : vector<16xi32>
      %convert_element_type3A_362 = arith.sitofp %add3A_361 : vector<16xi32> to vector<16xf32>
      %mul3A_363 = arith.mulf %convert_element_type3A_362, %broadcast_in_dim3A_47 : vector<16xf32>
      %sub3A_364 = arith.subf %mul3A_363, %broadcast_in_dim3A_49 : vector<16xf32>
      %convert_element_type3A_365 = arith.fptosi %sub3A_364 : vector<16xf32> to vector<16xi32>
      %mul3A_366 = arith.muli %convert_element_type3A_365, %broadcast_in_dim3A_25 : vector<16xi32>
      %sub3A_367 = arith.subi %add3A_361, %mul3A_366 : vector<16xi32>
      %sub3A_368 = arith.subi %sub3A_367, %broadcast_in_dim3A_25 : vector<16xi32>
      %shift_right_logical3A_369 = arith.shrui %sub3A_368, %broadcast_in_dim3A_51 : vector<16xi32>
      %mul3A_370 = arith.muli %shift_right_logical3A_369, %broadcast_in_dim3A_25 : vector<16xi32>
      %add3A_371 = arith.addi %sub3A_368, %mul3A_370 : vector<16xi32>
      %mul3A_372 = arith.constant 16 : i32
      %mul3A_373 = arith.muli %while3A_283, %mul3A_372 : i32
      %swap3A_374 = arith.index_cast %while3A_127 : i32 to index
      %swap3A_375 = arith.index_cast %mul3A_373 : i32 to index
      %swap3A_376 = tpu.vector_load %arg6[%swap3A_374, %swap3A_375] {strides = array<i32>} : memref<8x128xi32, #tpu.memory_space<vmem>>, vector<1x16xi32>,
      %swap3A_377 = vector.shape_cast %swap3A_376 : vector<1x16xi32> to vector<16xi32>
      %swap3A_378 = vector.shape_cast %add3A_371 : vector<16xi32> to vector<1x16xi32>
      tpu.vector_store %arg6[%swap3A_374, %swap3A_375], %swap3A_378 {strides = array<i32>} : memref<8x128xi32, #tpu.memory_space<vmem>>, vector<1x16xi32>,
    }
    %dma_start3A_138 = arith.constant 2 : i32
    %dma_start3A_139 = arith.constant 2 : i32
    %dma_start3A_140 = arith.constant 2 : i32
    %dma_start3A_141 = arith.constant 0 : i32
    %dma_start3A_142 = arith.constant 0 : i32
    %dma_start3A_143 = tpu.memref_slice %arg8[%dma_start3A_139, %dma_start3A_141, %dma_start3A_142] : memref<6x128x128xf32, #tpu.memory_space<vmem>> -> memref<1x128x128xf32, #tpu.memory_space<vmem>>
    %dma_start3A_144 = tpu.memref_squeeze %dma_start3A_143 : memref<1x128x128xf32, #tpu.memory_space<vmem>> -> memref<128x128xf32, #tpu.memory_space<vmem>>
    %dma_start3A_145 = arith.constant 0 : i32
    %dma_start3A_146 = tpu.memref_slice %arg6[%dma_start3A_138, %dma_start3A_145] : memref<8x128xi32, #tpu.memory_space<vmem>> -> memref<1x128xi32, #tpu.memory_space<vmem>>
    %dma_start3A_147 = tpu.memref_squeeze %dma_start3A_146 : memref<1x128xi32, #tpu.memory_space<vmem>> -> memref<128xi32, #tpu.memory_space<vmem>>
    %dma_start3A_148 = arith.constant 0 : i32
    %dma_start3A_149 = arith.constant 0 : i32
    %dma_start3A_150 = tpu.memref_slice %arg3[%dma_start3A_148, %dma_start3A_149] : memref<1000000x128xf32, #tpu.memory_space<hbm>> -> memref<1000000x128xf32, #tpu.memory_space<hbm>>
    %dma_start3A_151 = tpu.memref_slice %arg9[%dma_start3A_140] : memref<6x!tpu.dma_semaphore, #tpu.memory_space<semaphore_mem>> -> memref<1x!tpu.dma_semaphore, #tpu.memory_space<semaphore_mem>>
    %dma_start3A_152 = tpu.memref_squeeze %dma_start3A_151 : memref<1x!tpu.dma_semaphore, #tpu.memory_space<semaphore_mem>> -> memref<!tpu.dma_semaphore, #tpu.memory_space<semaphore_mem>>
    tpu.enqueue_indirect_dma source(%dma_start3A_150 : memref<1000000x128xf32, #tpu.memory_space<hbm>>) target(%dma_start3A_144 : memref<128x128xf32, #tpu.memory_space<vmem>>) offsets(%dma_start3A_147 : memref<128xi32, #tpu.memory_space<vmem>>) semaphore(%dma_start3A_152 : memref<!tpu.dma_semaphore, #tpu.memory_space<semaphore_mem>>)
    %while3A_153 = arith.constant 0 : i32
    %while3A_154 = arith.constant 0 : i32
    %while3A_155 = arith.constant 8 : i32
    %while3A_156 = arith.subi %while3A_155, %while3A_154 : i32
    %while3A_157 = arith.addi %while3A_154, %while3A_156 : i32
    %while3A_158 = arith.constant 1 : i32
    %while3A_159 = arith.divsi %while3A_156, %while3A_158 : i32
    %while3A_160 = arith.muli %while3A_159, %while3A_158 : i32
    %while3A_161 = arith.addi %while3A_154, %while3A_160 : i32
    %while3A_162 = arith.constant 1 : i32
    scf.for %while3A_283 = %while3A_154 to %while3A_161 step %while3A_162  : i32 {
      %rem3A_284 = arith.constant 6 : i32
      %rem3A_285 = arith.remsi %while3A_283, %rem3A_284 : i32
      %lt3A_286 = arith.constant 5 : i32
      %lt3A_287 = arith.cmpi slt, %while3A_283, %lt3A_286 : i32
      %convert_element_type3A_288 = arith.extui %lt3A_287 : i1 to i32
      %cond3A = arith.constant 0 : i32
      %cond3A_289 = arith.cmpi ne, %convert_element_type3A_288, %cond3A : i32
      scf.if %cond3A_289 {
        %add3A_322 = arith.constant 3 : i32
        %add3A_323 = arith.addi %while3A_283, %add3A_322 : i32
        %rem3A_324 = arith.constant 6 : i32
        %rem3A_325 = arith.remsi %add3A_323, %rem3A_324 : i32
        %ge3A = arith.constant 3 : i32
        %ge3A_326 = arith.cmpi sge, %while3A_283, %ge3A : i32
        %convert_element_type3A_327 = arith.extui %ge3A_326 : i1 to i32
        %cond3A_328 = arith.constant 0 : i32
        %cond3A_329 = arith.cmpi ne, %convert_element_type3A_327, %cond3A_328 : i32
        scf.if %cond3A_329 {
          %sub3A_357 = arith.constant 3 : i32
          %sub3A_358 = arith.subi %while3A_283, %sub3A_357 : i32
          %mul3A_359 = arith.constant 128 : i32
          %mul3A_360 = arith.muli %sub3A_358, %mul3A_359 : i32
          %add3A_361 = arith.addi %mul3A_2, %mul3A_360 : i32
          %dma_wait3A_362 = arith.constant 0 : i32
          %dma_wait3A_363 = arith.constant 0 : i32
          %dma_wait3A_364 = tpu.memref_slice %arg8[%rem3A_325, %dma_wait3A_362, %dma_wait3A_363] : memref<6x128x128xf32, #tpu.memory_space<vmem>> -> memref<1x128x128xf32, #tpu.memory_space<vmem>>
          %dma_wait3A_365 = tpu.memref_squeeze %dma_wait3A_364 : memref<1x128x128xf32, #tpu.memory_space<vmem>> -> memref<128x128xf32, #tpu.memory_space<vmem>>
          %dma_wait3A_366 = arith.constant 0 : i32
          %dma_wait3A_367 = tpu.memref_slice %arg4[%add3A_361, %dma_wait3A_366] : memref<32768x128xf32, #tpu.memory_space<hbm>> -> memref<128x128xf32, #tpu.memory_space<hbm>>
          %dma_wait3A_368 = tpu.memref_slice %arg10[%rem3A_325] : memref<6x!tpu.dma_semaphore, #tpu.memory_space<semaphore_mem>> -> memref<1x!tpu.dma_semaphore, #tpu.memory_space<semaphore_mem>>
          %dma_wait3A_369 = tpu.memref_squeeze %dma_wait3A_368 : memref<1x!tpu.dma_semaphore, #tpu.memory_space<semaphore_mem>> -> memref<!tpu.dma_semaphore, #tpu.memory_space<semaphore_mem>>
          %dma_wait3A_370 = arith.constant 0 : i32
          %dma_wait3A_371 = tpu.memref_slice %arg4[%add3A_361, %dma_wait3A_370] : memref<32768x128xf32, #tpu.memory_space<hbm>> -> memref<128x128xf32, #tpu.memory_space<hbm>>
          %dma_wait3A_372 = arith.constant 0 : i32
          %dma_wait3A_373 = arith.constant 0 : i32
          %dma_wait3A_374 = tpu.memref_slice %arg8[%rem3A_325, %dma_wait3A_372, %dma_wait3A_373] : memref<6x128x128xf32, #tpu.memory_space<vmem>> -> memref<1x128x128xf32, #tpu.memory_space<vmem>>
          %dma_wait3A_375 = tpu.memref_squeeze %dma_wait3A_374 : memref<1x128x128xf32, #tpu.memory_space<vmem>> -> memref<128x128xf32, #tpu.memory_space<vmem>>
          tpu.wait_dma2 semaphore(%dma_wait3A_369 : memref<!tpu.dma_semaphore, #tpu.memory_space<semaphore_mem>>) src(%dma_wait3A_375 : memref<128x128xf32, #tpu.memory_space<vmem>>) dst(%dma_wait3A_371 : memref<128x128xf32, #tpu.memory_space<hbm>>)
        } else {
        }
        %add3A_330 = arith.constant 3 : i32
        %add3A_331 = arith.addi %while3A_283, %add3A_330 : i32
        %while3A_332 = arith.constant 0 : i32
        %while3A_333 = arith.constant 0 : i32
        %while3A_334 = arith.constant 8 : i32
        %while3A_335 = arith.subi %while3A_334, %while3A_333 : i32
        %while3A_336 = arith.addi %while3A_333, %while3A_335 : i32
        %while3A_337 = arith.constant 1 : i32
        %while3A_338 = arith.divsi %while3A_335, %while3A_337 : i32
        %while3A_339 = arith.muli %while3A_338, %while3A_337 : i32
        %while3A_340 = arith.addi %while3A_333, %while3A_339 : i32
        %while3A_341 = arith.constant 1 : i32
        scf.for %while3A_357 = %while3A_333 to %while3A_340 step %while3A_341  : i32 {
          %mul3A_358 = arith.constant 128 : i32
          %mul3A_359 = arith.muli %mul3A_358, %add3A_331 : i32
          %add3A_360 = arith.constant 16 : i32
          %add3A_361 = arith.addi %add3A_360, %mul3A_359 : i32
          %mul3A_362 = arith.constant 16 : i32
          %mul3A_363 = arith.muli %mul3A_362, %while3A_357 : i32
          %add3A_364 = arith.addi %add3A_361, %mul3A_363 : i32
          %get3A_365 = arith.index_cast %add3A_364 : i32 to index
          %get3A_366 = tpu.vector_load %arg5[%get3A_365] {strides = array<i32>} : memref<1040xi32, #tpu.memory_space<vmem>>, vector<16xi32>,
          %get3A_367 = vector.shape_cast %get3A_366 : vector<16xi32> to vector<16xi32>
          %sub3A_368 = arith.constant 1 : i32
          %sub3A_369 = arith.subi %add3A_364, %sub3A_368 : i32
          %get3A_370 = arith.index_cast %sub3A_369 : i32 to index
          %get3A_371 = tpu.vector_load %arg5[%get3A_370] {strides = array<i32>} : memref<1040xi32, #tpu.memory_space<vmem>>, vector<16xi32>,
          %get3A_372 = vector.shape_cast %get3A_371 : vector<16xi32> to vector<16xi32>
          %convert_element_type3A_373 = arith.sitofp %get3A_367 : vector<16xi32> to vector<16xf32>
          %add3A_374 = arith.addf %convert_element_type3A_373, %broadcast_in_dim3A_49 : vector<16xf32>
          %mul3A_375 = arith.mulf %add3A_374, %broadcast_in_dim3A_45 : vector<16xf32>
          %convert_element_type3A_376 = arith.fptosi %mul3A_375 : vector<16xf32> to vector<16xi32>
          %mul3A_377 = arith.muli %convert_element_type3A_376, %broadcast_in_dim3A_23 : vector<16xi32>
          %sub3A_378 = arith.subi %get3A_367, %mul3A_377 : vector<16xi32>
          %mul3A_379 = arith.muli %convert_element_type3A_376, %broadcast_in_dim3A_27 : vector<16xi32>
          %mul3A_380 = arith.muli %sub3A_378, %broadcast_in_dim3A_33 : vector<16xi32>
          %add3A_381 = arith.addi %mul3A_379, %mul3A_380 : vector<16xi32>
          %add3A_382 = arith.addi %add3A_381, %get3A_372 : vector<16xi32>
          %add3A_383 = arith.addi %add3A_382, %broadcast_in_dim3A_39 : vector<16xi32>
          %convert_element_type3A_384 = arith.sitofp %add3A_383 : vector<16xi32> to vector<16xf32>
          %mul3A_385 = arith.mulf %convert_element_type3A_384, %broadcast_in_dim3A_47 : vector<16xf32>
          %sub3A_386 = arith.subf %mul3A_385, %broadcast_in_dim3A_49 : vector<16xf32>
          %convert_element_type3A_387 = arith.fptosi %sub3A_386 : vector<16xf32> to vector<16xi32>
          %mul3A_388 = arith.muli %convert_element_type3A_387, %broadcast_in_dim3A_25 : vector<16xi32>
          %sub3A_389 = arith.subi %add3A_383, %mul3A_388 : vector<16xi32>
          %sub3A_390 = arith.subi %sub3A_389, %broadcast_in_dim3A_25 : vector<16xi32>
          %shift_right_logical3A_391 = arith.shrui %sub3A_390, %broadcast_in_dim3A_51 : vector<16xi32>
          %mul3A_392 = arith.muli %shift_right_logical3A_391, %broadcast_in_dim3A_25 : vector<16xi32>
          %add3A_393 = arith.addi %sub3A_390, %mul3A_392 : vector<16xi32>
          %sub3A_394 = arith.constant 2 : i32
          %sub3A_395 = arith.subi %add3A_364, %sub3A_394 : i32
          %get3A_396 = arith.index_cast %sub3A_395 : i32 to index
          %get3A_397 = tpu.vector_load %arg5[%get3A_396] {strides = array<i32>} : memref<1040xi32, #tpu.memory_space<vmem>>, vector<16xi32>,
          %get3A_398 = vector.shape_cast %get3A_397 : vector<16xi32> to vector<16xi32>
          %convert_element_type3A_399 = arith.sitofp %add3A_393 : vector<16xi32> to vector<16xf32>
          %add3A_400 = arith.addf %convert_element_type3A_399, %broadcast_in_dim3A_49 : vector<16xf32>
          %mul3A_401 = arith.mulf %add3A_400, %broadcast_in_dim3A_45 : vector<16xf32>
          %convert_element_type3A_402 = arith.fptosi %mul3A_401 : vector<16xf32> to vector<16xi32>
          %mul3A_403 = arith.muli %convert_element_type3A_402, %broadcast_in_dim3A_23 : vector<16xi32>
          %sub3A_404 = arith.subi %add3A_393, %mul3A_403 : vector<16xi32>
          %mul3A_405 = arith.muli %convert_element_type3A_402, %broadcast_in_dim3A_29 : vector<16xi32>
          %mul3A_406 = arith.muli %sub3A_404, %broadcast_in_dim3A_35 : vector<16xi32>
          %add3A_407 = arith.addi %mul3A_405, %mul3A_406 : vector<16xi32>
          %add3A_408 = arith.addi %add3A_407, %get3A_398 : vector<16xi32>
          %add3A_409 = arith.addi %add3A_408, %broadcast_in_dim3A_41 : vector<16xi32>
          %convert_element_type3A_410 = arith.sitofp %add3A_409 : vector<16xi32> to vector<16xf32>
          %mul3A_411 = arith.mulf %convert_element_type3A_410, %broadcast_in_dim3A_47 : vector<16xf32>
          %sub3A_412 = arith.subf %mul3A_411, %broadcast_in_dim3A_49 : vector<16xf32>
          %convert_element_type3A_413 = arith.fptosi %sub3A_412 : vector<16xf32> to vector<16xi32>
          %mul3A_414 = arith.muli %convert_element_type3A_413, %broadcast_in_dim3A_25 : vector<16xi32>
          %sub3A_415 = arith.subi %add3A_409, %mul3A_414 : vector<16xi32>
          %sub3A_416 = arith.subi %sub3A_415, %broadcast_in_dim3A_25 : vector<16xi32>
          %shift_right_logical3A_417 = arith.shrui %sub3A_416, %broadcast_in_dim3A_51 : vector<16xi32>
          %mul3A_418 = arith.muli %shift_right_logical3A_417, %broadcast_in_dim3A_25 : vector<16xi32>
          %add3A_419 = arith.addi %sub3A_416, %mul3A_418 : vector<16xi32>
          %sub3A_420 = arith.constant 3 : i32
          %sub3A_421 = arith.subi %add3A_364, %sub3A_420 : i32
          %get3A_422 = arith.index_cast %sub3A_421 : i32 to index
          %get3A_423 = tpu.vector_load %arg5[%get3A_422] {strides = array<i32>} : memref<1040xi32, #tpu.memory_space<vmem>>, vector<16xi32>,
          %get3A_424 = vector.shape_cast %get3A_423 : vector<16xi32> to vector<16xi32>
          %convert_element_type3A_425 = arith.sitofp %add3A_419 : vector<16xi32> to vector<16xf32>
          %add3A_426 = arith.addf %convert_element_type3A_425, %broadcast_in_dim3A_49 : vector<16xf32>
          %mul3A_427 = arith.mulf %add3A_426, %broadcast_in_dim3A_45 : vector<16xf32>
          %convert_element_type3A_428 = arith.fptosi %mul3A_427 : vector<16xf32> to vector<16xi32>
          %mul3A_429 = arith.muli %convert_element_type3A_428, %broadcast_in_dim3A_23 : vector<16xi32>
          %sub3A_430 = arith.subi %add3A_419, %mul3A_429 : vector<16xi32>
          %mul3A_431 = arith.muli %convert_element_type3A_428, %broadcast_in_dim3A_31 : vector<16xi32>
          %mul3A_432 = arith.muli %sub3A_430, %broadcast_in_dim3A_37 : vector<16xi32>
          %add3A_433 = arith.addi %mul3A_431, %mul3A_432 : vector<16xi32>
          %add3A_434 = arith.addi %add3A_433, %get3A_424 : vector<16xi32>
          %add3A_435 = arith.addi %add3A_434, %broadcast_in_dim3A_43 : vector<16xi32>
          %convert_element_type3A_436 = arith.sitofp %add3A_435 : vector<16xi32> to vector<16xf32>
          %mul3A_437 = arith.mulf %convert_element_type3A_436, %broadcast_in_dim3A_47 : vector<16xf32>
          %sub3A_438 = arith.subf %mul3A_437, %broadcast_in_dim3A_49 : vector<16xf32>
          %convert_element_type3A_439 = arith.fptosi %sub3A_438 : vector<16xf32> to vector<16xi32>
          %mul3A_440 = arith.muli %convert_element_type3A_439, %broadcast_in_dim3A_25 : vector<16xi32>
          %sub3A_441 = arith.subi %add3A_435, %mul3A_440 : vector<16xi32>
          %sub3A_442 = arith.subi %sub3A_441, %broadcast_in_dim3A_25 : vector<16xi32>
          %shift_right_logical3A_443 = arith.shrui %sub3A_442, %broadcast_in_dim3A_51 : vector<16xi32>
          %mul3A_444 = arith.muli %shift_right_logical3A_443, %broadcast_in_dim3A_25 : vector<16xi32>
          %add3A_445 = arith.addi %sub3A_442, %mul3A_444 : vector<16xi32>
          %mul3A_446 = arith.constant 16 : i32
          %mul3A_447 = arith.muli %while3A_357, %mul3A_446 : i32
          %swap3A_448 = arith.index_cast %add3A_331 : i32 to index
          %swap3A_449 = arith.index_cast %mul3A_447 : i32 to index
          %swap3A_450 = tpu.vector_load %arg6[%swap3A_448, %swap3A_449] {strides = array<i32>} : memref<8x128xi32, #tpu.memory_space<vmem>>, vector<1x16xi32>,
          %swap3A_451 = vector.shape_cast %swap3A_450 : vector<1x16xi32> to vector<16xi32>
          %swap3A_452 = vector.shape_cast %add3A_445 : vector<16xi32> to vector<1x16xi32>
          tpu.vector_store %arg6[%swap3A_448, %swap3A_449], %swap3A_452 {strides = array<i32>} : memref<8x128xi32, #tpu.memory_space<vmem>>, vector<1x16xi32>,
        }
        %while3A_342 = arith.constant 1 : i32
        scf.for %while3A_357 = %while3A_340 to %while3A_336 step %while3A_342  : i32 {
          %mul3A_358 = arith.constant 128 : i32
          %mul3A_359 = arith.muli %mul3A_358, %add3A_331 : i32
          %add3A_360 = arith.constant 16 : i32
          %add3A_361 = arith.addi %add3A_360, %mul3A_359 : i32
          %mul3A_362 = arith.constant 16 : i32
          %mul3A_363 = arith.muli %mul3A_362, %while3A_357 : i32
          %add3A_364 = arith.addi %add3A_361, %mul3A_363 : i32
          %get3A_365 = arith.index_cast %add3A_364 : i32 to index
          %get3A_366 = tpu.vector_load %arg5[%get3A_365] {strides = array<i32>} : memref<1040xi32, #tpu.memory_space<vmem>>, vector<16xi32>,
          %get3A_367 = vector.shape_cast %get3A_366 : vector<16xi32> to vector<16xi32>
          %sub3A_368 = arith.constant 1 : i32
          %sub3A_369 = arith.subi %add3A_364, %sub3A_368 : i32
          %get3A_370 = arith.index_cast %sub3A_369 : i32 to index
          %get3A_371 = tpu.vector_load %arg5[%get3A_370] {strides = array<i32>} : memref<1040xi32, #tpu.memory_space<vmem>>, vector<16xi32>,
          %get3A_372 = vector.shape_cast %get3A_371 : vector<16xi32> to vector<16xi32>
          %convert_element_type3A_373 = arith.sitofp %get3A_367 : vector<16xi32> to vector<16xf32>
          %add3A_374 = arith.addf %convert_element_type3A_373, %broadcast_in_dim3A_49 : vector<16xf32>
          %mul3A_375 = arith.mulf %add3A_374, %broadcast_in_dim3A_45 : vector<16xf32>
          %convert_element_type3A_376 = arith.fptosi %mul3A_375 : vector<16xf32> to vector<16xi32>
          %mul3A_377 = arith.muli %convert_element_type3A_376, %broadcast_in_dim3A_23 : vector<16xi32>
          %sub3A_378 = arith.subi %get3A_367, %mul3A_377 : vector<16xi32>
          %mul3A_379 = arith.muli %convert_element_type3A_376, %broadcast_in_dim3A_27 : vector<16xi32>
          %mul3A_380 = arith.muli %sub3A_378, %broadcast_in_dim3A_33 : vector<16xi32>
          %add3A_381 = arith.addi %mul3A_379, %mul3A_380 : vector<16xi32>
          %add3A_382 = arith.addi %add3A_381, %get3A_372 : vector<16xi32>
          %add3A_383 = arith.addi %add3A_382, %broadcast_in_dim3A_39 : vector<16xi32>
          %convert_element_type3A_384 = arith.sitofp %add3A_383 : vector<16xi32> to vector<16xf32>
          %mul3A_385 = arith.mulf %convert_element_type3A_384, %broadcast_in_dim3A_47 : vector<16xf32>
          %sub3A_386 = arith.subf %mul3A_385, %broadcast_in_dim3A_49 : vector<16xf32>
          %convert_element_type3A_387 = arith.fptosi %sub3A_386 : vector<16xf32> to vector<16xi32>
          %mul3A_388 = arith.muli %convert_element_type3A_387, %broadcast_in_dim3A_25 : vector<16xi32>
          %sub3A_389 = arith.subi %add3A_383, %mul3A_388 : vector<16xi32>
          %sub3A_390 = arith.subi %sub3A_389, %broadcast_in_dim3A_25 : vector<16xi32>
          %shift_right_logical3A_391 = arith.shrui %sub3A_390, %broadcast_in_dim3A_51 : vector<16xi32>
          %mul3A_392 = arith.muli %shift_right_logical3A_391, %broadcast_in_dim3A_25 : vector<16xi32>
          %add3A_393 = arith.addi %sub3A_390, %mul3A_392 : vector<16xi32>
          %sub3A_394 = arith.constant 2 : i32
          %sub3A_395 = arith.subi %add3A_364, %sub3A_394 : i32
          %get3A_396 = arith.index_cast %sub3A_395 : i32 to index
          %get3A_397 = tpu.vector_load %arg5[%get3A_396] {strides = array<i32>} : memref<1040xi32, #tpu.memory_space<vmem>>, vector<16xi32>,
          %get3A_398 = vector.shape_cast %get3A_397 : vector<16xi32> to vector<16xi32>
          %convert_element_type3A_399 = arith.sitofp %add3A_393 : vector<16xi32> to vector<16xf32>
          %add3A_400 = arith.addf %convert_element_type3A_399, %broadcast_in_dim3A_49 : vector<16xf32>
          %mul3A_401 = arith.mulf %add3A_400, %broadcast_in_dim3A_45 : vector<16xf32>
          %convert_element_type3A_402 = arith.fptosi %mul3A_401 : vector<16xf32> to vector<16xi32>
          %mul3A_403 = arith.muli %convert_element_type3A_402, %broadcast_in_dim3A_23 : vector<16xi32>
          %sub3A_404 = arith.subi %add3A_393, %mul3A_403 : vector<16xi32>
          %mul3A_405 = arith.muli %convert_element_type3A_402, %broadcast_in_dim3A_29 : vector<16xi32>
          %mul3A_406 = arith.muli %sub3A_404, %broadcast_in_dim3A_35 : vector<16xi32>
          %add3A_407 = arith.addi %mul3A_405, %mul3A_406 : vector<16xi32>
          %add3A_408 = arith.addi %add3A_407, %get3A_398 : vector<16xi32>
          %add3A_409 = arith.addi %add3A_408, %broadcast_in_dim3A_41 : vector<16xi32>
          %convert_element_type3A_410 = arith.sitofp %add3A_409 : vector<16xi32> to vector<16xf32>
          %mul3A_411 = arith.mulf %convert_element_type3A_410, %broadcast_in_dim3A_47 : vector<16xf32>
          %sub3A_412 = arith.subf %mul3A_411, %broadcast_in_dim3A_49 : vector<16xf32>
          %convert_element_type3A_413 = arith.fptosi %sub3A_412 : vector<16xf32> to vector<16xi32>
          %mul3A_414 = arith.muli %convert_element_type3A_413, %broadcast_in_dim3A_25 : vector<16xi32>
          %sub3A_415 = arith.subi %add3A_409, %mul3A_414 : vector<16xi32>
          %sub3A_416 = arith.subi %sub3A_415, %broadcast_in_dim3A_25 : vector<16xi32>
          %shift_right_logical3A_417 = arith.shrui %sub3A_416, %broadcast_in_dim3A_51 : vector<16xi32>
          %mul3A_418 = arith.muli %shift_right_logical3A_417, %broadcast_in_dim3A_25 : vector<16xi32>
          %add3A_419 = arith.addi %sub3A_416, %mul3A_418 : vector<16xi32>
          %sub3A_420 = arith.constant 3 : i32
          %sub3A_421 = arith.subi %add3A_364, %sub3A_420 : i32
          %get3A_422 = arith.index_cast %sub3A_421 : i32 to index
          %get3A_423 = tpu.vector_load %arg5[%get3A_422] {strides = array<i32>} : memref<1040xi32, #tpu.memory_space<vmem>>, vector<16xi32>,
          %get3A_424 = vector.shape_cast %get3A_423 : vector<16xi32> to vector<16xi32>
          %convert_element_type3A_425 = arith.sitofp %add3A_419 : vector<16xi32> to vector<16xf32>
          %add3A_426 = arith.addf %convert_element_type3A_425, %broadcast_in_dim3A_49 : vector<16xf32>
          %mul3A_427 = arith.mulf %add3A_426, %broadcast_in_dim3A_45 : vector<16xf32>
          %convert_element_type3A_428 = arith.fptosi %mul3A_427 : vector<16xf32> to vector<16xi32>
          %mul3A_429 = arith.muli %convert_element_type3A_428, %broadcast_in_dim3A_23 : vector<16xi32>
          %sub3A_430 = arith.subi %add3A_419, %mul3A_429 : vector<16xi32>
          %mul3A_431 = arith.muli %convert_element_type3A_428, %broadcast_in_dim3A_31 : vector<16xi32>
          %mul3A_432 = arith.muli %sub3A_430, %broadcast_in_dim3A_37 : vector<16xi32>
          %add3A_433 = arith.addi %mul3A_431, %mul3A_432 : vector<16xi32>
          %add3A_434 = arith.addi %add3A_433, %get3A_424 : vector<16xi32>
          %add3A_435 = arith.addi %add3A_434, %broadcast_in_dim3A_43 : vector<16xi32>
          %convert_element_type3A_436 = arith.sitofp %add3A_435 : vector<16xi32> to vector<16xf32>
          %mul3A_437 = arith.mulf %convert_element_type3A_436, %broadcast_in_dim3A_47 : vector<16xf32>
          %sub3A_438 = arith.subf %mul3A_437, %broadcast_in_dim3A_49 : vector<16xf32>
          %convert_element_type3A_439 = arith.fptosi %sub3A_438 : vector<16xf32> to vector<16xi32>
          %mul3A_440 = arith.muli %convert_element_type3A_439, %broadcast_in_dim3A_25 : vector<16xi32>
          %sub3A_441 = arith.subi %add3A_435, %mul3A_440 : vector<16xi32>
          %sub3A_442 = arith.subi %sub3A_441, %broadcast_in_dim3A_25 : vector<16xi32>
          %shift_right_logical3A_443 = arith.shrui %sub3A_442, %broadcast_in_dim3A_51 : vector<16xi32>
          %mul3A_444 = arith.muli %shift_right_logical3A_443, %broadcast_in_dim3A_25 : vector<16xi32>
          %add3A_445 = arith.addi %sub3A_442, %mul3A_444 : vector<16xi32>
          %mul3A_446 = arith.constant 16 : i32
          %mul3A_447 = arith.muli %while3A_357, %mul3A_446 : i32
          %swap3A_448 = arith.index_cast %add3A_331 : i32 to index
          %swap3A_449 = arith.index_cast %mul3A_447 : i32 to index
          %swap3A_450 = tpu.vector_load %arg6[%swap3A_448, %swap3A_449] {strides = array<i32>} : memref<8x128xi32, #tpu.memory_space<vmem>>, vector<1x16xi32>,
          %swap3A_451 = vector.shape_cast %swap3A_450 : vector<1x16xi32> to vector<16xi32>
          %swap3A_452 = vector.shape_cast %add3A_445 : vector<16xi32> to vector<1x16xi32>
          tpu.vector_store %arg6[%swap3A_448, %swap3A_449], %swap3A_452 {strides = array<i32>} : memref<8x128xi32, #tpu.memory_space<vmem>>, vector<1x16xi32>,
        }
        %add3A_343 = arith.constant 3 : i32
        %add3A_344 = arith.addi %while3A_283, %add3A_343 : i32
        %dma_start3A_345 = arith.constant 0 : i32
        %dma_start3A_346 = arith.constant 0 : i32
        %dma_start3A_347 = tpu.memref_slice %arg8[%rem3A_325, %dma_start3A_345, %dma_start3A_346] : memref<6x128x128xf32, #tpu.memory_space<vmem>> -> memref<1x128x128xf32, #tpu.memory_space<vmem>>
        %dma_start3A_348 = tpu.memref_squeeze %dma_start3A_347 : memref<1x128x128xf32, #tpu.memory_space<vmem>> -> memref<128x128xf32, #tpu.memory_space<vmem>>
        %dma_start3A_349 = arith.constant 0 : i32
        %dma_start3A_350 = tpu.memref_slice %arg6[%add3A_344, %dma_start3A_349] : memref<8x128xi32, #tpu.memory_space<vmem>> -> memref<1x128xi32, #tpu.memory_space<vmem>>
        %dma_start3A_351 = tpu.memref_squeeze %dma_start3A_350 : memref<1x128xi32, #tpu.memory_space<vmem>> -> memref<128xi32, #tpu.memory_space<vmem>>
        %dma_start3A_352 = arith.constant 0 : i32
        %dma_start3A_353 = arith.constant 0 : i32
        %dma_start3A_354 = tpu.memref_slice %arg3[%dma_start3A_352, %dma_start3A_353] : memref<1000000x128xf32, #tpu.memory_space<hbm>> -> memref<1000000x128xf32, #tpu.memory_space<hbm>>
        %dma_start3A_355 = tpu.memref_slice %arg9[%rem3A_325] : memref<6x!tpu.dma_semaphore, #tpu.memory_space<semaphore_mem>> -> memref<1x!tpu.dma_semaphore, #tpu.memory_space<semaphore_mem>>
        %dma_start3A_356 = tpu.memref_squeeze %dma_start3A_355 : memref<1x!tpu.dma_semaphore, #tpu.memory_space<semaphore_mem>> -> memref<!tpu.dma_semaphore, #tpu.memory_space<semaphore_mem>>
        tpu.enqueue_indirect_dma source(%dma_start3A_354 : memref<1000000x128xf32, #tpu.memory_space<hbm>>) target(%dma_start3A_348 : memref<128x128xf32, #tpu.memory_space<vmem>>) offsets(%dma_start3A_351 : memref<128xi32, #tpu.memory_space<vmem>>) semaphore(%dma_start3A_356 : memref<!tpu.dma_semaphore, #tpu.memory_space<semaphore_mem>>)
      } else {
      }
      %dma_wait3A_290 = arith.constant 0 : i32
      %dma_wait3A_291 = arith.constant 0 : i32
      %dma_wait3A_292 = tpu.memref_slice %arg8[%rem3A_285, %dma_wait3A_290, %dma_wait3A_291] : memref<6x128x128xf32, #tpu.memory_space<vmem>> -> memref<1x128x128xf32, #tpu.memory_space<vmem>>
      %dma_wait3A_293 = tpu.memref_squeeze %dma_wait3A_292 : memref<1x128x128xf32, #tpu.memory_space<vmem>> -> memref<128x128xf32, #tpu.memory_space<vmem>>
      %dma_wait3A_294 = arith.constant 0 : i32
      %dma_wait3A_295 = tpu.memref_slice %arg6[%while3A_283, %dma_wait3A_294] : memref<8x128xi32, #tpu.memory_space<vmem>> -> memref<1x128xi32, #tpu.memory_space<vmem>>
      %dma_wait3A_296 = tpu.memref_squeeze %dma_wait3A_295 : memref<1x128xi32, #tpu.memory_space<vmem>> -> memref<128xi32, #tpu.memory_space<vmem>>
      %dma_wait3A_297 = arith.constant 0 : i32
      %dma_wait3A_298 = arith.constant 0 : i32
      %dma_wait3A_299 = tpu.memref_slice %arg3[%dma_wait3A_297, %dma_wait3A_298] : memref<1000000x128xf32, #tpu.memory_space<hbm>> -> memref<1000000x128xf32, #tpu.memory_space<hbm>>
      %dma_wait3A_300 = tpu.memref_slice %arg9[%rem3A_285] : memref<6x!tpu.dma_semaphore, #tpu.memory_space<semaphore_mem>> -> memref<1x!tpu.dma_semaphore, #tpu.memory_space<semaphore_mem>>
      %dma_wait3A_301 = tpu.memref_squeeze %dma_wait3A_300 : memref<1x!tpu.dma_semaphore, #tpu.memory_space<semaphore_mem>> -> memref<!tpu.dma_semaphore, #tpu.memory_space<semaphore_mem>>
      tpu.wait_indirect_dma semaphore(%dma_wait3A_301 : memref<!tpu.dma_semaphore, #tpu.memory_space<semaphore_mem>>) src(%dma_wait3A_299 : memref<1000000x128xf32, #tpu.memory_space<hbm>>) dst(%dma_wait3A_293 : memref<128x128xf32, #tpu.memory_space<vmem>>)
      %convert_element_type3A_302 = arith.extui %ne3A_8 : i1 to i32
      %cond3A_303 = arith.constant 0 : i32
      %cond3A_304 = arith.cmpi ne, %convert_element_type3A_302, %cond3A_303 : i32
      scf.if %cond3A_304 {
        %while3A_322 = arith.constant 0 : i32
        %while3A_323 = arith.constant 0 : i32
        %while3A_324 = arith.constant 128 : i32
        %while3A_325 = arith.subi %while3A_324, %while3A_323 : i32
        %while3A_326 = arith.addi %while3A_323, %while3A_325 : i32
        %while3A_327 = arith.constant 1 : i32
        %while3A_328 = arith.divsi %while3A_325, %while3A_327 : i32
        %while3A_329 = arith.muli %while3A_328, %while3A_327 : i32
        %while3A_330 = arith.addi %while3A_323, %while3A_329 : i32
        %while3A_331 = arith.constant 1 : i32
        scf.for %while3A_333 = %while3A_323 to %while3A_330 step %while3A_331  : i32 {
          %while3A_334 = arith.constant 0 : i32
          %while3A_335 = arith.constant 0 : i32
          %while3A_336 = arith.constant 8 : i32
          %while3A_337 = arith.subi %while3A_336, %while3A_335 : i32
          %while3A_338 = arith.addi %while3A_335, %while3A_337 : i32
          %while3A_339 = arith.constant 1 : i32
          %while3A_340 = arith.divsi %while3A_337, %while3A_339 : i32
          %while3A_341 = arith.muli %while3A_340, %while3A_339 : i32
          %while3A_342 = arith.addi %while3A_335, %while3A_341 : i32
          %while3A_343 = arith.constant 1 : i32
          scf.for %while3A_345 = %while3A_335 to %while3A_342 step %while3A_343  : i32 {
            %mul3A_346 = arith.constant 16 : i32
            %mul3A_347 = arith.muli %while3A_345, %mul3A_346 : i32
            %get3A_348 = arith.index_cast %rem3A_285 : i32 to index
            %get3A_349 = arith.index_cast %while3A_333 : i32 to index
            %get3A_350 = arith.index_cast %mul3A_347 : i32 to index
            %get3A_351 = tpu.vector_load %arg8[%get3A_348, %get3A_349, %get3A_350] {strides = array<i32>} : memref<6x128x128xf32, #tpu.memory_space<vmem>>, vector<1x1x16xf32>,
            %get3A_352 = vector.shape_cast %get3A_351 : vector<1x1x16xf32> to vector<16xf32>
            %mul3A_353 = arith.mulf %get3A_352, %bitcast_convert_type3A : vector<16xf32>
            %swap3A_354 = arith.index_cast %rem3A_285 : i32 to index
            %swap3A_355 = arith.index_cast %while3A_333 : i32 to index
            %swap3A_356 = arith.index_cast %mul3A_347 : i32 to index
            %swap3A_357 = tpu.vector_load %arg8[%swap3A_354, %swap3A_355, %swap3A_356] {strides = array<i32>} : memref<6x128x128xf32, #tpu.memory_space<vmem>>, vector<1x1x16xf32>,
            %swap3A_358 = vector.shape_cast %swap3A_357 : vector<1x1x16xf32> to vector<16xf32>
            %swap3A_359 = vector.shape_cast %mul3A_353 : vector<16xf32> to vector<1x1x16xf32>
            tpu.vector_store %arg8[%swap3A_354, %swap3A_355, %swap3A_356], %swap3A_359 {strides = array<i32>} : memref<6x128x128xf32, #tpu.memory_space<vmem>>, vector<1x1x16xf32>,
          }
          %while3A_344 = arith.constant 1 : i32
          scf.for %while3A_345 = %while3A_342 to %while3A_338 step %while3A_344  : i32 {
            %mul3A_346 = arith.constant 16 : i32
            %mul3A_347 = arith.muli %while3A_345, %mul3A_346 : i32
            %get3A_348 = arith.index_cast %rem3A_285 : i32 to index
            %get3A_349 = arith.index_cast %while3A_333 : i32 to index
            %get3A_350 = arith.index_cast %mul3A_347 : i32 to index
            %get3A_351 = tpu.vector_load %arg8[%get3A_348, %get3A_349, %get3A_350] {strides = array<i32>} : memref<6x128x128xf32, #tpu.memory_space<vmem>>, vector<1x1x16xf32>,
            %get3A_352 = vector.shape_cast %get3A_351 : vector<1x1x16xf32> to vector<16xf32>
            %mul3A_353 = arith.mulf %get3A_352, %bitcast_convert_type3A : vector<16xf32>
            %swap3A_354 = arith.index_cast %rem3A_285 : i32 to index
            %swap3A_355 = arith.index_cast %while3A_333 : i32 to index
            %swap3A_356 = arith.index_cast %mul3A_347 : i32 to index
            %swap3A_357 = tpu.vector_load %arg8[%swap3A_354, %swap3A_355, %swap3A_356] {strides = array<i32>} : memref<6x128x128xf32, #tpu.memory_space<vmem>>, vector<1x1x16xf32>,
            %swap3A_358 = vector.shape_cast %swap3A_357 : vector<1x1x16xf32> to vector<16xf32>
            %swap3A_359 = vector.shape_cast %mul3A_353 : vector<16xf32> to vector<1x1x16xf32>
            tpu.vector_store %arg8[%swap3A_354, %swap3A_355, %swap3A_356], %swap3A_359 {strides = array<i32>} : memref<6x128x128xf32, #tpu.memory_space<vmem>>, vector<1x1x16xf32>,
          }
        }
        %while3A_332 = arith.constant 1 : i32
        scf.for %while3A_333 = %while3A_330 to %while3A_326 step %while3A_332  : i32 {
          %while3A_334 = arith.constant 0 : i32
          %while3A_335 = arith.constant 0 : i32
          %while3A_336 = arith.constant 8 : i32
          %while3A_337 = arith.subi %while3A_336, %while3A_335 : i32
          %while3A_338 = arith.addi %while3A_335, %while3A_337 : i32
          %while3A_339 = arith.constant 1 : i32
          %while3A_340 = arith.divsi %while3A_337, %while3A_339 : i32
          %while3A_341 = arith.muli %while3A_340, %while3A_339 : i32
          %while3A_342 = arith.addi %while3A_335, %while3A_341 : i32
          %while3A_343 = arith.constant 1 : i32
          scf.for %while3A_345 = %while3A_335 to %while3A_342 step %while3A_343  : i32 {
            %mul3A_346 = arith.constant 16 : i32
            %mul3A_347 = arith.muli %while3A_345, %mul3A_346 : i32
            %get3A_348 = arith.index_cast %rem3A_285 : i32 to index
            %get3A_349 = arith.index_cast %while3A_333 : i32 to index
            %get3A_350 = arith.index_cast %mul3A_347 : i32 to index
            %get3A_351 = tpu.vector_load %arg8[%get3A_348, %get3A_349, %get3A_350] {strides = array<i32>} : memref<6x128x128xf32, #tpu.memory_space<vmem>>, vector<1x1x16xf32>,
            %get3A_352 = vector.shape_cast %get3A_351 : vector<1x1x16xf32> to vector<16xf32>
            %mul3A_353 = arith.mulf %get3A_352, %bitcast_convert_type3A : vector<16xf32>
            %swap3A_354 = arith.index_cast %rem3A_285 : i32 to index
            %swap3A_355 = arith.index_cast %while3A_333 : i32 to index
            %swap3A_356 = arith.index_cast %mul3A_347 : i32 to index
            %swap3A_357 = tpu.vector_load %arg8[%swap3A_354, %swap3A_355, %swap3A_356] {strides = array<i32>} : memref<6x128x128xf32, #tpu.memory_space<vmem>>, vector<1x1x16xf32>,
            %swap3A_358 = vector.shape_cast %swap3A_357 : vector<1x1x16xf32> to vector<16xf32>
            %swap3A_359 = vector.shape_cast %mul3A_353 : vector<16xf32> to vector<1x1x16xf32>
            tpu.vector_store %arg8[%swap3A_354, %swap3A_355, %swap3A_356], %swap3A_359 {strides = array<i32>} : memref<6x128x128xf32, #tpu.memory_space<vmem>>, vector<1x1x16xf32>,
          }
          %while3A_344 = arith.constant 1 : i32
          scf.for %while3A_345 = %while3A_342 to %while3A_338 step %while3A_344  : i32 {
            %mul3A_346 = arith.constant 16 : i32
            %mul3A_347 = arith.muli %while3A_345, %mul3A_346 : i32
            %get3A_348 = arith.index_cast %rem3A_285 : i32 to index
            %get3A_349 = arith.index_cast %while3A_333 : i32 to index
            %get3A_350 = arith.index_cast %mul3A_347 : i32 to index
            %get3A_351 = tpu.vector_load %arg8[%get3A_348, %get3A_349, %get3A_350] {strides = array<i32>} : memref<6x128x128xf32, #tpu.memory_space<vmem>>, vector<1x1x16xf32>,
            %get3A_352 = vector.shape_cast %get3A_351 : vector<1x1x16xf32> to vector<16xf32>
            %mul3A_353 = arith.mulf %get3A_352, %bitcast_convert_type3A : vector<16xf32>
            %swap3A_354 = arith.index_cast %rem3A_285 : i32 to index
            %swap3A_355 = arith.index_cast %while3A_333 : i32 to index
            %swap3A_356 = arith.index_cast %mul3A_347 : i32 to index
            %swap3A_357 = tpu.vector_load %arg8[%swap3A_354, %swap3A_355, %swap3A_356] {strides = array<i32>} : memref<6x128x128xf32, #tpu.memory_space<vmem>>, vector<1x1x16xf32>,
            %swap3A_358 = vector.shape_cast %swap3A_357 : vector<1x1x16xf32> to vector<16xf32>
            %swap3A_359 = vector.shape_cast %mul3A_353 : vector<16xf32> to vector<1x1x16xf32>
            tpu.vector_store %arg8[%swap3A_354, %swap3A_355, %swap3A_356], %swap3A_359 {strides = array<i32>} : memref<6x128x128xf32, #tpu.memory_space<vmem>>, vector<1x1x16xf32>,
          }
        }
      } else {
      }
      %mul3A_305 = arith.constant 128 : i32
      %mul3A_306 = arith.muli %while3A_283, %mul3A_305 : i32
      %add3A_307 = arith.addi %mul3A_2, %mul3A_306 : i32
      %dma_start3A_308 = arith.constant 0 : i32
      %dma_start3A_309 = arith.constant 0 : i32
      %dma_start3A_310 = tpu.memref_slice %arg8[%rem3A_285, %dma_start3A_308, %dma_start3A_309] : memref<6x128x128xf32, #tpu.memory_space<vmem>> -> memref<1x128x128xf32, #tpu.memory_space<vmem>>
      %dma_start3A_311 = tpu.memref_squeeze %dma_start3A_310 : memref<1x128x128xf32, #tpu.memory_space<vmem>> -> memref<128x128xf32, #tpu.memory_space<vmem>>
      %dma_start3A_312 = arith.constant 0 : i32
      %dma_start3A_313 = tpu.memref_slice %arg4[%add3A_307, %dma_start3A_312] : memref<32768x128xf32, #tpu.memory_space<hbm>> -> memref<128x128xf32, #tpu.memory_space<hbm>>
      %dma_start3A_314 = tpu.memref_slice %arg10[%rem3A_285] : memref<6x!tpu.dma_semaphore, #tpu.memory_space<semaphore_mem>> -> memref<1x!tpu.dma_semaphore, #tpu.memory_space<semaphore_mem>>
      %dma_start3A_315 = tpu.memref_squeeze %dma_start3A_314 : memref<1x!tpu.dma_semaphore, #tpu.memory_space<semaphore_mem>> -> memref<!tpu.dma_semaphore, #tpu.memory_space<semaphore_mem>>
      %dma_start3A_316 = arith.constant 0 : i32
      %dma_start3A_317 = tpu.memref_slice %arg4[%add3A_307, %dma_start3A_316] : memref<32768x128xf32, #tpu.memory_space<hbm>> -> memref<128x128xf32, #tpu.memory_space<hbm>>
      %dma_start3A_318 = arith.constant 0 : i32
      %dma_start3A_319 = arith.constant 0 : i32
      %dma_start3A_320 = tpu.memref_slice %arg8[%rem3A_285, %dma_start3A_318, %dma_start3A_319] : memref<6x128x128xf32, #tpu.memory_space<vmem>> -> memref<1x128x128xf32, #tpu.memory_space<vmem>>
      %dma_start3A_321 = tpu.memref_squeeze %dma_start3A_320 : memref<1x128x128xf32, #tpu.memory_space<vmem>> -> memref<128x128xf32, #tpu.memory_space<vmem>>
      tpu.enqueue_dma source(%dma_start3A_321 : memref<128x128xf32, #tpu.memory_space<vmem>>) target(%dma_start3A_317 : memref<128x128xf32, #tpu.memory_space<hbm>>) target_semaphore(%dma_start3A_315 : memref<!tpu.dma_semaphore, #tpu.memory_space<semaphore_mem>>)
    }
    %while3A_163 = arith.constant 1 : i32
    scf.for %while3A_283 = %while3A_161 to %while3A_157 step %while3A_163  : i32 {
      %rem3A_284 = arith.constant 6 : i32
      %rem3A_285 = arith.remsi %while3A_283, %rem3A_284 : i32
      %lt3A_286 = arith.constant 5 : i32
      %lt3A_287 = arith.cmpi slt, %while3A_283, %lt3A_286 : i32
      %convert_element_type3A_288 = arith.extui %lt3A_287 : i1 to i32
      %cond3A = arith.constant 0 : i32
      %cond3A_289 = arith.cmpi ne, %convert_element_type3A_288, %cond3A : i32
      scf.if %cond3A_289 {
        %add3A_322 = arith.constant 3 : i32
        %add3A_323 = arith.addi %while3A_283, %add3A_322 : i32
        %rem3A_324 = arith.constant 6 : i32
        %rem3A_325 = arith.remsi %add3A_323, %rem3A_324 : i32
        %ge3A = arith.constant 3 : i32
        %ge3A_326 = arith.cmpi sge, %while3A_283, %ge3A : i32
        %convert_element_type3A_327 = arith.extui %ge3A_326 : i1 to i32
        %cond3A_328 = arith.constant 0 : i32
        %cond3A_329 = arith.cmpi ne, %convert_element_type3A_327, %cond3A_328 : i32
        scf.if %cond3A_329 {
          %sub3A_357 = arith.constant 3 : i32
          %sub3A_358 = arith.subi %while3A_283, %sub3A_357 : i32
          %mul3A_359 = arith.constant 128 : i32
          %mul3A_360 = arith.muli %sub3A_358, %mul3A_359 : i32
          %add3A_361 = arith.addi %mul3A_2, %mul3A_360 : i32
          %dma_wait3A_362 = arith.constant 0 : i32
          %dma_wait3A_363 = arith.constant 0 : i32
          %dma_wait3A_364 = tpu.memref_slice %arg8[%rem3A_325, %dma_wait3A_362, %dma_wait3A_363] : memref<6x128x128xf32, #tpu.memory_space<vmem>> -> memref<1x128x128xf32, #tpu.memory_space<vmem>>
          %dma_wait3A_365 = tpu.memref_squeeze %dma_wait3A_364 : memref<1x128x128xf32, #tpu.memory_space<vmem>> -> memref<128x128xf32, #tpu.memory_space<vmem>>
          %dma_wait3A_366 = arith.constant 0 : i32
          %dma_wait3A_367 = tpu.memref_slice %arg4[%add3A_361, %dma_wait3A_366] : memref<32768x128xf32, #tpu.memory_space<hbm>> -> memref<128x128xf32, #tpu.memory_space<hbm>>
          %dma_wait3A_368 = tpu.memref_slice %arg10[%rem3A_325] : memref<6x!tpu.dma_semaphore, #tpu.memory_space<semaphore_mem>> -> memref<1x!tpu.dma_semaphore, #tpu.memory_space<semaphore_mem>>
          %dma_wait3A_369 = tpu.memref_squeeze %dma_wait3A_368 : memref<1x!tpu.dma_semaphore, #tpu.memory_space<semaphore_mem>> -> memref<!tpu.dma_semaphore, #tpu.memory_space<semaphore_mem>>
          %dma_wait3A_370 = arith.constant 0 : i32
          %dma_wait3A_371 = tpu.memref_slice %arg4[%add3A_361, %dma_wait3A_370] : memref<32768x128xf32, #tpu.memory_space<hbm>> -> memref<128x128xf32, #tpu.memory_space<hbm>>
          %dma_wait3A_372 = arith.constant 0 : i32
          %dma_wait3A_373 = arith.constant 0 : i32
          %dma_wait3A_374 = tpu.memref_slice %arg8[%rem3A_325, %dma_wait3A_372, %dma_wait3A_373] : memref<6x128x128xf32, #tpu.memory_space<vmem>> -> memref<1x128x128xf32, #tpu.memory_space<vmem>>
          %dma_wait3A_375 = tpu.memref_squeeze %dma_wait3A_374 : memref<1x128x128xf32, #tpu.memory_space<vmem>> -> memref<128x128xf32, #tpu.memory_space<vmem>>
          tpu.wait_dma2 semaphore(%dma_wait3A_369 : memref<!tpu.dma_semaphore, #tpu.memory_space<semaphore_mem>>) src(%dma_wait3A_375 : memref<128x128xf32, #tpu.memory_space<vmem>>) dst(%dma_wait3A_371 : memref<128x128xf32, #tpu.memory_space<hbm>>)
        } else {
        }
        %add3A_330 = arith.constant 3 : i32
        %add3A_331 = arith.addi %while3A_283, %add3A_330 : i32
        %while3A_332 = arith.constant 0 : i32
        %while3A_333 = arith.constant 0 : i32
        %while3A_334 = arith.constant 8 : i32
        %while3A_335 = arith.subi %while3A_334, %while3A_333 : i32
        %while3A_336 = arith.addi %while3A_333, %while3A_335 : i32
        %while3A_337 = arith.constant 1 : i32
        %while3A_338 = arith.divsi %while3A_335, %while3A_337 : i32
        %while3A_339 = arith.muli %while3A_338, %while3A_337 : i32
        %while3A_340 = arith.addi %while3A_333, %while3A_339 : i32
        %while3A_341 = arith.constant 1 : i32
        scf.for %while3A_357 = %while3A_333 to %while3A_340 step %while3A_341  : i32 {
          %mul3A_358 = arith.constant 128 : i32
          %mul3A_359 = arith.muli %mul3A_358, %add3A_331 : i32
          %add3A_360 = arith.constant 16 : i32
          %add3A_361 = arith.addi %add3A_360, %mul3A_359 : i32
          %mul3A_362 = arith.constant 16 : i32
          %mul3A_363 = arith.muli %mul3A_362, %while3A_357 : i32
          %add3A_364 = arith.addi %add3A_361, %mul3A_363 : i32
          %get3A_365 = arith.index_cast %add3A_364 : i32 to index
          %get3A_366 = tpu.vector_load %arg5[%get3A_365] {strides = array<i32>} : memref<1040xi32, #tpu.memory_space<vmem>>, vector<16xi32>,
          %get3A_367 = vector.shape_cast %get3A_366 : vector<16xi32> to vector<16xi32>
          %sub3A_368 = arith.constant 1 : i32
          %sub3A_369 = arith.subi %add3A_364, %sub3A_368 : i32
          %get3A_370 = arith.index_cast %sub3A_369 : i32 to index
          %get3A_371 = tpu.vector_load %arg5[%get3A_370] {strides = array<i32>} : memref<1040xi32, #tpu.memory_space<vmem>>, vector<16xi32>,
          %get3A_372 = vector.shape_cast %get3A_371 : vector<16xi32> to vector<16xi32>
          %convert_element_type3A_373 = arith.sitofp %get3A_367 : vector<16xi32> to vector<16xf32>
          %add3A_374 = arith.addf %convert_element_type3A_373, %broadcast_in_dim3A_49 : vector<16xf32>
          %mul3A_375 = arith.mulf %add3A_374, %broadcast_in_dim3A_45 : vector<16xf32>
          %convert_element_type3A_376 = arith.fptosi %mul3A_375 : vector<16xf32> to vector<16xi32>
          %mul3A_377 = arith.muli %convert_element_type3A_376, %broadcast_in_dim3A_23 : vector<16xi32>
          %sub3A_378 = arith.subi %get3A_367, %mul3A_377 : vector<16xi32>
          %mul3A_379 = arith.muli %convert_element_type3A_376, %broadcast_in_dim3A_27 : vector<16xi32>
          %mul3A_380 = arith.muli %sub3A_378, %broadcast_in_dim3A_33 : vector<16xi32>
          %add3A_381 = arith.addi %mul3A_379, %mul3A_380 : vector<16xi32>
          %add3A_382 = arith.addi %add3A_381, %get3A_372 : vector<16xi32>
          %add3A_383 = arith.addi %add3A_382, %broadcast_in_dim3A_39 : vector<16xi32>
          %convert_element_type3A_384 = arith.sitofp %add3A_383 : vector<16xi32> to vector<16xf32>
          %mul3A_385 = arith.mulf %convert_element_type3A_384, %broadcast_in_dim3A_47 : vector<16xf32>
          %sub3A_386 = arith.subf %mul3A_385, %broadcast_in_dim3A_49 : vector<16xf32>
          %convert_element_type3A_387 = arith.fptosi %sub3A_386 : vector<16xf32> to vector<16xi32>
          %mul3A_388 = arith.muli %convert_element_type3A_387, %broadcast_in_dim3A_25 : vector<16xi32>
          %sub3A_389 = arith.subi %add3A_383, %mul3A_388 : vector<16xi32>
          %sub3A_390 = arith.subi %sub3A_389, %broadcast_in_dim3A_25 : vector<16xi32>
          %shift_right_logical3A_391 = arith.shrui %sub3A_390, %broadcast_in_dim3A_51 : vector<16xi32>
          %mul3A_392 = arith.muli %shift_right_logical3A_391, %broadcast_in_dim3A_25 : vector<16xi32>
          %add3A_393 = arith.addi %sub3A_390, %mul3A_392 : vector<16xi32>
          %sub3A_394 = arith.constant 2 : i32
          %sub3A_395 = arith.subi %add3A_364, %sub3A_394 : i32
          %get3A_396 = arith.index_cast %sub3A_395 : i32 to index
          %get3A_397 = tpu.vector_load %arg5[%get3A_396] {strides = array<i32>} : memref<1040xi32, #tpu.memory_space<vmem>>, vector<16xi32>,
          %get3A_398 = vector.shape_cast %get3A_397 : vector<16xi32> to vector<16xi32>
          %convert_element_type3A_399 = arith.sitofp %add3A_393 : vector<16xi32> to vector<16xf32>
          %add3A_400 = arith.addf %convert_element_type3A_399, %broadcast_in_dim3A_49 : vector<16xf32>
          %mul3A_401 = arith.mulf %add3A_400, %broadcast_in_dim3A_45 : vector<16xf32>
          %convert_element_type3A_402 = arith.fptosi %mul3A_401 : vector<16xf32> to vector<16xi32>
          %mul3A_403 = arith.muli %convert_element_type3A_402, %broadcast_in_dim3A_23 : vector<16xi32>
          %sub3A_404 = arith.subi %add3A_393, %mul3A_403 : vector<16xi32>
          %mul3A_405 = arith.muli %convert_element_type3A_402, %broadcast_in_dim3A_29 : vector<16xi32>
          %mul3A_406 = arith.muli %sub3A_404, %broadcast_in_dim3A_35 : vector<16xi32>
          %add3A_407 = arith.addi %mul3A_405, %mul3A_406 : vector<16xi32>
          %add3A_408 = arith.addi %add3A_407, %get3A_398 : vector<16xi32>
          %add3A_409 = arith.addi %add3A_408, %broadcast_in_dim3A_41 : vector<16xi32>
          %convert_element_type3A_410 = arith.sitofp %add3A_409 : vector<16xi32> to vector<16xf32>
          %mul3A_411 = arith.mulf %convert_element_type3A_410, %broadcast_in_dim3A_47 : vector<16xf32>
          %sub3A_412 = arith.subf %mul3A_411, %broadcast_in_dim3A_49 : vector<16xf32>
          %convert_element_type3A_413 = arith.fptosi %sub3A_412 : vector<16xf32> to vector<16xi32>
          %mul3A_414 = arith.muli %convert_element_type3A_413, %broadcast_in_dim3A_25 : vector<16xi32>
          %sub3A_415 = arith.subi %add3A_409, %mul3A_414 : vector<16xi32>
          %sub3A_416 = arith.subi %sub3A_415, %broadcast_in_dim3A_25 : vector<16xi32>
          %shift_right_logical3A_417 = arith.shrui %sub3A_416, %broadcast_in_dim3A_51 : vector<16xi32>
          %mul3A_418 = arith.muli %shift_right_logical3A_417, %broadcast_in_dim3A_25 : vector<16xi32>
          %add3A_419 = arith.addi %sub3A_416, %mul3A_418 : vector<16xi32>
          %sub3A_420 = arith.constant 3 : i32
          %sub3A_421 = arith.subi %add3A_364, %sub3A_420 : i32
          %get3A_422 = arith.index_cast %sub3A_421 : i32 to index
          %get3A_423 = tpu.vector_load %arg5[%get3A_422] {strides = array<i32>} : memref<1040xi32, #tpu.memory_space<vmem>>, vector<16xi32>,
          %get3A_424 = vector.shape_cast %get3A_423 : vector<16xi32> to vector<16xi32>
          %convert_element_type3A_425 = arith.sitofp %add3A_419 : vector<16xi32> to vector<16xf32>
          %add3A_426 = arith.addf %convert_element_type3A_425, %broadcast_in_dim3A_49 : vector<16xf32>
          %mul3A_427 = arith.mulf %add3A_426, %broadcast_in_dim3A_45 : vector<16xf32>
          %convert_element_type3A_428 = arith.fptosi %mul3A_427 : vector<16xf32> to vector<16xi32>
          %mul3A_429 = arith.muli %convert_element_type3A_428, %broadcast_in_dim3A_23 : vector<16xi32>
          %sub3A_430 = arith.subi %add3A_419, %mul3A_429 : vector<16xi32>
          %mul3A_431 = arith.muli %convert_element_type3A_428, %broadcast_in_dim3A_31 : vector<16xi32>
          %mul3A_432 = arith.muli %sub3A_430, %broadcast_in_dim3A_37 : vector<16xi32>
          %add3A_433 = arith.addi %mul3A_431, %mul3A_432 : vector<16xi32>
          %add3A_434 = arith.addi %add3A_433, %get3A_424 : vector<16xi32>
          %add3A_435 = arith.addi %add3A_434, %broadcast_in_dim3A_43 : vector<16xi32>
          %convert_element_type3A_436 = arith.sitofp %add3A_435 : vector<16xi32> to vector<16xf32>
          %mul3A_437 = arith.mulf %convert_element_type3A_436, %broadcast_in_dim3A_47 : vector<16xf32>
          %sub3A_438 = arith.subf %mul3A_437, %broadcast_in_dim3A_49 : vector<16xf32>
          %convert_element_type3A_439 = arith.fptosi %sub3A_438 : vector<16xf32> to vector<16xi32>
          %mul3A_440 = arith.muli %convert_element_type3A_439, %broadcast_in_dim3A_25 : vector<16xi32>
          %sub3A_441 = arith.subi %add3A_435, %mul3A_440 : vector<16xi32>
          %sub3A_442 = arith.subi %sub3A_441, %broadcast_in_dim3A_25 : vector<16xi32>
          %shift_right_logical3A_443 = arith.shrui %sub3A_442, %broadcast_in_dim3A_51 : vector<16xi32>
          %mul3A_444 = arith.muli %shift_right_logical3A_443, %broadcast_in_dim3A_25 : vector<16xi32>
          %add3A_445 = arith.addi %sub3A_442, %mul3A_444 : vector<16xi32>
          %mul3A_446 = arith.constant 16 : i32
          %mul3A_447 = arith.muli %while3A_357, %mul3A_446 : i32
          %swap3A_448 = arith.index_cast %add3A_331 : i32 to index
          %swap3A_449 = arith.index_cast %mul3A_447 : i32 to index
          %swap3A_450 = tpu.vector_load %arg6[%swap3A_448, %swap3A_449] {strides = array<i32>} : memref<8x128xi32, #tpu.memory_space<vmem>>, vector<1x16xi32>,
          %swap3A_451 = vector.shape_cast %swap3A_450 : vector<1x16xi32> to vector<16xi32>
          %swap3A_452 = vector.shape_cast %add3A_445 : vector<16xi32> to vector<1x16xi32>
          tpu.vector_store %arg6[%swap3A_448, %swap3A_449], %swap3A_452 {strides = array<i32>} : memref<8x128xi32, #tpu.memory_space<vmem>>, vector<1x16xi32>,
        }
        %while3A_342 = arith.constant 1 : i32
        scf.for %while3A_357 = %while3A_340 to %while3A_336 step %while3A_342  : i32 {
          %mul3A_358 = arith.constant 128 : i32
          %mul3A_359 = arith.muli %mul3A_358, %add3A_331 : i32
          %add3A_360 = arith.constant 16 : i32
          %add3A_361 = arith.addi %add3A_360, %mul3A_359 : i32
          %mul3A_362 = arith.constant 16 : i32
          %mul3A_363 = arith.muli %mul3A_362, %while3A_357 : i32
          %add3A_364 = arith.addi %add3A_361, %mul3A_363 : i32
          %get3A_365 = arith.index_cast %add3A_364 : i32 to index
          %get3A_366 = tpu.vector_load %arg5[%get3A_365] {strides = array<i32>} : memref<1040xi32, #tpu.memory_space<vmem>>, vector<16xi32>,
          %get3A_367 = vector.shape_cast %get3A_366 : vector<16xi32> to vector<16xi32>
          %sub3A_368 = arith.constant 1 : i32
          %sub3A_369 = arith.subi %add3A_364, %sub3A_368 : i32
          %get3A_370 = arith.index_cast %sub3A_369 : i32 to index
          %get3A_371 = tpu.vector_load %arg5[%get3A_370] {strides = array<i32>} : memref<1040xi32, #tpu.memory_space<vmem>>, vector<16xi32>,
          %get3A_372 = vector.shape_cast %get3A_371 : vector<16xi32> to vector<16xi32>
          %convert_element_type3A_373 = arith.sitofp %get3A_367 : vector<16xi32> to vector<16xf32>
          %add3A_374 = arith.addf %convert_element_type3A_373, %broadcast_in_dim3A_49 : vector<16xf32>
          %mul3A_375 = arith.mulf %add3A_374, %broadcast_in_dim3A_45 : vector<16xf32>
          %convert_element_type3A_376 = arith.fptosi %mul3A_375 : vector<16xf32> to vector<16xi32>
          %mul3A_377 = arith.muli %convert_element_type3A_376, %broadcast_in_dim3A_23 : vector<16xi32>
          %sub3A_378 = arith.subi %get3A_367, %mul3A_377 : vector<16xi32>
          %mul3A_379 = arith.muli %convert_element_type3A_376, %broadcast_in_dim3A_27 : vector<16xi32>
          %mul3A_380 = arith.muli %sub3A_378, %broadcast_in_dim3A_33 : vector<16xi32>
          %add3A_381 = arith.addi %mul3A_379, %mul3A_380 : vector<16xi32>
          %add3A_382 = arith.addi %add3A_381, %get3A_372 : vector<16xi32>
          %add3A_383 = arith.addi %add3A_382, %broadcast_in_dim3A_39 : vector<16xi32>
          %convert_element_type3A_384 = arith.sitofp %add3A_383 : vector<16xi32> to vector<16xf32>
          %mul3A_385 = arith.mulf %convert_element_type3A_384, %broadcast_in_dim3A_47 : vector<16xf32>
          %sub3A_386 = arith.subf %mul3A_385, %broadcast_in_dim3A_49 : vector<16xf32>
          %convert_element_type3A_387 = arith.fptosi %sub3A_386 : vector<16xf32> to vector<16xi32>
          %mul3A_388 = arith.muli %convert_element_type3A_387, %broadcast_in_dim3A_25 : vector<16xi32>
          %sub3A_389 = arith.subi %add3A_383, %mul3A_388 : vector<16xi32>
          %sub3A_390 = arith.subi %sub3A_389, %broadcast_in_dim3A_25 : vector<16xi32>
          %shift_right_logical3A_391 = arith.shrui %sub3A_390, %broadcast_in_dim3A_51 : vector<16xi32>
          %mul3A_392 = arith.muli %shift_right_logical3A_391, %broadcast_in_dim3A_25 : vector<16xi32>
          %add3A_393 = arith.addi %sub3A_390, %mul3A_392 : vector<16xi32>
          %sub3A_394 = arith.constant 2 : i32
          %sub3A_395 = arith.subi %add3A_364, %sub3A_394 : i32
          %get3A_396 = arith.index_cast %sub3A_395 : i32 to index
          %get3A_397 = tpu.vector_load %arg5[%get3A_396] {strides = array<i32>} : memref<1040xi32, #tpu.memory_space<vmem>>, vector<16xi32>,
          %get3A_398 = vector.shape_cast %get3A_397 : vector<16xi32> to vector<16xi32>
          %convert_element_type3A_399 = arith.sitofp %add3A_393 : vector<16xi32> to vector<16xf32>
          %add3A_400 = arith.addf %convert_element_type3A_399, %broadcast_in_dim3A_49 : vector<16xf32>
          %mul3A_401 = arith.mulf %add3A_400, %broadcast_in_dim3A_45 : vector<16xf32>
          %convert_element_type3A_402 = arith.fptosi %mul3A_401 : vector<16xf32> to vector<16xi32>
          %mul3A_403 = arith.muli %convert_element_type3A_402, %broadcast_in_dim3A_23 : vector<16xi32>
          %sub3A_404 = arith.subi %add3A_393, %mul3A_403 : vector<16xi32>
          %mul3A_405 = arith.muli %convert_element_type3A_402, %broadcast_in_dim3A_29 : vector<16xi32>
          %mul3A_406 = arith.muli %sub3A_404, %broadcast_in_dim3A_35 : vector<16xi32>
          %add3A_407 = arith.addi %mul3A_405, %mul3A_406 : vector<16xi32>
          %add3A_408 = arith.addi %add3A_407, %get3A_398 : vector<16xi32>
          %add3A_409 = arith.addi %add3A_408, %broadcast_in_dim3A_41 : vector<16xi32>
          %convert_element_type3A_410 = arith.sitofp %add3A_409 : vector<16xi32> to vector<16xf32>
          %mul3A_411 = arith.mulf %convert_element_type3A_410, %broadcast_in_dim3A_47 : vector<16xf32>
          %sub3A_412 = arith.subf %mul3A_411, %broadcast_in_dim3A_49 : vector<16xf32>
          %convert_element_type3A_413 = arith.fptosi %sub3A_412 : vector<16xf32> to vector<16xi32>
          %mul3A_414 = arith.muli %convert_element_type3A_413, %broadcast_in_dim3A_25 : vector<16xi32>
          %sub3A_415 = arith.subi %add3A_409, %mul3A_414 : vector<16xi32>
          %sub3A_416 = arith.subi %sub3A_415, %broadcast_in_dim3A_25 : vector<16xi32>
          %shift_right_logical3A_417 = arith.shrui %sub3A_416, %broadcast_in_dim3A_51 : vector<16xi32>
          %mul3A_418 = arith.muli %shift_right_logical3A_417, %broadcast_in_dim3A_25 : vector<16xi32>
          %add3A_419 = arith.addi %sub3A_416, %mul3A_418 : vector<16xi32>
          %sub3A_420 = arith.constant 3 : i32
          %sub3A_421 = arith.subi %add3A_364, %sub3A_420 : i32
          %get3A_422 = arith.index_cast %sub3A_421 : i32 to index
          %get3A_423 = tpu.vector_load %arg5[%get3A_422] {strides = array<i32>} : memref<1040xi32, #tpu.memory_space<vmem>>, vector<16xi32>,
          %get3A_424 = vector.shape_cast %get3A_423 : vector<16xi32> to vector<16xi32>
          %convert_element_type3A_425 = arith.sitofp %add3A_419 : vector<16xi32> to vector<16xf32>
          %add3A_426 = arith.addf %convert_element_type3A_425, %broadcast_in_dim3A_49 : vector<16xf32>
          %mul3A_427 = arith.mulf %add3A_426, %broadcast_in_dim3A_45 : vector<16xf32>
          %convert_element_type3A_428 = arith.fptosi %mul3A_427 : vector<16xf32> to vector<16xi32>
          %mul3A_429 = arith.muli %convert_element_type3A_428, %broadcast_in_dim3A_23 : vector<16xi32>
          %sub3A_430 = arith.subi %add3A_419, %mul3A_429 : vector<16xi32>
          %mul3A_431 = arith.muli %convert_element_type3A_428, %broadcast_in_dim3A_31 : vector<16xi32>
          %mul3A_432 = arith.muli %sub3A_430, %broadcast_in_dim3A_37 : vector<16xi32>
          %add3A_433 = arith.addi %mul3A_431, %mul3A_432 : vector<16xi32>
          %add3A_434 = arith.addi %add3A_433, %get3A_424 : vector<16xi32>
          %add3A_435 = arith.addi %add3A_434, %broadcast_in_dim3A_43 : vector<16xi32>
          %convert_element_type3A_436 = arith.sitofp %add3A_435 : vector<16xi32> to vector<16xf32>
          %mul3A_437 = arith.mulf %convert_element_type3A_436, %broadcast_in_dim3A_47 : vector<16xf32>
          %sub3A_438 = arith.subf %mul3A_437, %broadcast_in_dim3A_49 : vector<16xf32>
          %convert_element_type3A_439 = arith.fptosi %sub3A_438 : vector<16xf32> to vector<16xi32>
          %mul3A_440 = arith.muli %convert_element_type3A_439, %broadcast_in_dim3A_25 : vector<16xi32>
          %sub3A_441 = arith.subi %add3A_435, %mul3A_440 : vector<16xi32>
          %sub3A_442 = arith.subi %sub3A_441, %broadcast_in_dim3A_25 : vector<16xi32>
          %shift_right_logical3A_443 = arith.shrui %sub3A_442, %broadcast_in_dim3A_51 : vector<16xi32>
          %mul3A_444 = arith.muli %shift_right_logical3A_443, %broadcast_in_dim3A_25 : vector<16xi32>
          %add3A_445 = arith.addi %sub3A_442, %mul3A_444 : vector<16xi32>
          %mul3A_446 = arith.constant 16 : i32
          %mul3A_447 = arith.muli %while3A_357, %mul3A_446 : i32
          %swap3A_448 = arith.index_cast %add3A_331 : i32 to index
          %swap3A_449 = arith.index_cast %mul3A_447 : i32 to index
          %swap3A_450 = tpu.vector_load %arg6[%swap3A_448, %swap3A_449] {strides = array<i32>} : memref<8x128xi32, #tpu.memory_space<vmem>>, vector<1x16xi32>,
          %swap3A_451 = vector.shape_cast %swap3A_450 : vector<1x16xi32> to vector<16xi32>
          %swap3A_452 = vector.shape_cast %add3A_445 : vector<16xi32> to vector<1x16xi32>
          tpu.vector_store %arg6[%swap3A_448, %swap3A_449], %swap3A_452 {strides = array<i32>} : memref<8x128xi32, #tpu.memory_space<vmem>>, vector<1x16xi32>,
        }
        %add3A_343 = arith.constant 3 : i32
        %add3A_344 = arith.addi %while3A_283, %add3A_343 : i32
        %dma_start3A_345 = arith.constant 0 : i32
        %dma_start3A_346 = arith.constant 0 : i32
        %dma_start3A_347 = tpu.memref_slice %arg8[%rem3A_325, %dma_start3A_345, %dma_start3A_346] : memref<6x128x128xf32, #tpu.memory_space<vmem>> -> memref<1x128x128xf32, #tpu.memory_space<vmem>>
        %dma_start3A_348 = tpu.memref_squeeze %dma_start3A_347 : memref<1x128x128xf32, #tpu.memory_space<vmem>> -> memref<128x128xf32, #tpu.memory_space<vmem>>
        %dma_start3A_349 = arith.constant 0 : i32
        %dma_start3A_350 = tpu.memref_slice %arg6[%add3A_344, %dma_start3A_349] : memref<8x128xi32, #tpu.memory_space<vmem>> -> memref<1x128xi32, #tpu.memory_space<vmem>>
        %dma_start3A_351 = tpu.memref_squeeze %dma_start3A_350 : memref<1x128xi32, #tpu.memory_space<vmem>> -> memref<128xi32, #tpu.memory_space<vmem>>
        %dma_start3A_352 = arith.constant 0 : i32
        %dma_start3A_353 = arith.constant 0 : i32
        %dma_start3A_354 = tpu.memref_slice %arg3[%dma_start3A_352, %dma_start3A_353] : memref<1000000x128xf32, #tpu.memory_space<hbm>> -> memref<1000000x128xf32, #tpu.memory_space<hbm>>
        %dma_start3A_355 = tpu.memref_slice %arg9[%rem3A_325] : memref<6x!tpu.dma_semaphore, #tpu.memory_space<semaphore_mem>> -> memref<1x!tpu.dma_semaphore, #tpu.memory_space<semaphore_mem>>
        %dma_start3A_356 = tpu.memref_squeeze %dma_start3A_355 : memref<1x!tpu.dma_semaphore, #tpu.memory_space<semaphore_mem>> -> memref<!tpu.dma_semaphore, #tpu.memory_space<semaphore_mem>>
        tpu.enqueue_indirect_dma source(%dma_start3A_354 : memref<1000000x128xf32, #tpu.memory_space<hbm>>) target(%dma_start3A_348 : memref<128x128xf32, #tpu.memory_space<vmem>>) offsets(%dma_start3A_351 : memref<128xi32, #tpu.memory_space<vmem>>) semaphore(%dma_start3A_356 : memref<!tpu.dma_semaphore, #tpu.memory_space<semaphore_mem>>)
      } else {
      }
      %dma_wait3A_290 = arith.constant 0 : i32
      %dma_wait3A_291 = arith.constant 0 : i32
      %dma_wait3A_292 = tpu.memref_slice %arg8[%rem3A_285, %dma_wait3A_290, %dma_wait3A_291] : memref<6x128x128xf32, #tpu.memory_space<vmem>> -> memref<1x128x128xf32, #tpu.memory_space<vmem>>
      %dma_wait3A_293 = tpu.memref_squeeze %dma_wait3A_292 : memref<1x128x128xf32, #tpu.memory_space<vmem>> -> memref<128x128xf32, #tpu.memory_space<vmem>>
      %dma_wait3A_294 = arith.constant 0 : i32
      %dma_wait3A_295 = tpu.memref_slice %arg6[%while3A_283, %dma_wait3A_294] : memref<8x128xi32, #tpu.memory_space<vmem>> -> memref<1x128xi32, #tpu.memory_space<vmem>>
      %dma_wait3A_296 = tpu.memref_squeeze %dma_wait3A_295 : memref<1x128xi32, #tpu.memory_space<vmem>> -> memref<128xi32, #tpu.memory_space<vmem>>
      %dma_wait3A_297 = arith.constant 0 : i32
      %dma_wait3A_298 = arith.constant 0 : i32
      %dma_wait3A_299 = tpu.memref_slice %arg3[%dma_wait3A_297, %dma_wait3A_298] : memref<1000000x128xf32, #tpu.memory_space<hbm>> -> memref<1000000x128xf32, #tpu.memory_space<hbm>>
      %dma_wait3A_300 = tpu.memref_slice %arg9[%rem3A_285] : memref<6x!tpu.dma_semaphore, #tpu.memory_space<semaphore_mem>> -> memref<1x!tpu.dma_semaphore, #tpu.memory_space<semaphore_mem>>
      %dma_wait3A_301 = tpu.memref_squeeze %dma_wait3A_300 : memref<1x!tpu.dma_semaphore, #tpu.memory_space<semaphore_mem>> -> memref<!tpu.dma_semaphore, #tpu.memory_space<semaphore_mem>>
      tpu.wait_indirect_dma semaphore(%dma_wait3A_301 : memref<!tpu.dma_semaphore, #tpu.memory_space<semaphore_mem>>) src(%dma_wait3A_299 : memref<1000000x128xf32, #tpu.memory_space<hbm>>) dst(%dma_wait3A_293 : memref<128x128xf32, #tpu.memory_space<vmem>>)
      %convert_element_type3A_302 = arith.extui %ne3A_8 : i1 to i32
      %cond3A_303 = arith.constant 0 : i32
      %cond3A_304 = arith.cmpi ne, %convert_element_type3A_302, %cond3A_303 : i32
      scf.if %cond3A_304 {
        %while3A_322 = arith.constant 0 : i32
        %while3A_323 = arith.constant 0 : i32
        %while3A_324 = arith.constant 128 : i32
        %while3A_325 = arith.subi %while3A_324, %while3A_323 : i32
        %while3A_326 = arith.addi %while3A_323, %while3A_325 : i32
        %while3A_327 = arith.constant 1 : i32
        %while3A_328 = arith.divsi %while3A_325, %while3A_327 : i32
        %while3A_329 = arith.muli %while3A_328, %while3A_327 : i32
        %while3A_330 = arith.addi %while3A_323, %while3A_329 : i32
        %while3A_331 = arith.constant 1 : i32
        scf.for %while3A_333 = %while3A_323 to %while3A_330 step %while3A_331  : i32 {
          %while3A_334 = arith.constant 0 : i32
          %while3A_335 = arith.constant 0 : i32
          %while3A_336 = arith.constant 8 : i32
          %while3A_337 = arith.subi %while3A_336, %while3A_335 : i32
          %while3A_338 = arith.addi %while3A_335, %while3A_337 : i32
          %while3A_339 = arith.constant 1 : i32
          %while3A_340 = arith.divsi %while3A_337, %while3A_339 : i32
          %while3A_341 = arith.muli %while3A_340, %while3A_339 : i32
          %while3A_342 = arith.addi %while3A_335, %while3A_341 : i32
          %while3A_343 = arith.constant 1 : i32
          scf.for %while3A_345 = %while3A_335 to %while3A_342 step %while3A_343  : i32 {
            %mul3A_346 = arith.constant 16 : i32
            %mul3A_347 = arith.muli %while3A_345, %mul3A_346 : i32
            %get3A_348 = arith.index_cast %rem3A_285 : i32 to index
            %get3A_349 = arith.index_cast %while3A_333 : i32 to index
            %get3A_350 = arith.index_cast %mul3A_347 : i32 to index
            %get3A_351 = tpu.vector_load %arg8[%get3A_348, %get3A_349, %get3A_350] {strides = array<i32>} : memref<6x128x128xf32, #tpu.memory_space<vmem>>, vector<1x1x16xf32>,
            %get3A_352 = vector.shape_cast %get3A_351 : vector<1x1x16xf32> to vector<16xf32>
            %mul3A_353 = arith.mulf %get3A_352, %bitcast_convert_type3A : vector<16xf32>
            %swap3A_354 = arith.index_cast %rem3A_285 : i32 to index
            %swap3A_355 = arith.index_cast %while3A_333 : i32 to index
            %swap3A_356 = arith.index_cast %mul3A_347 : i32 to index
            %swap3A_357 = tpu.vector_load %arg8[%swap3A_354, %swap3A_355, %swap3A_356] {strides = array<i32>} : memref<6x128x128xf32, #tpu.memory_space<vmem>>, vector<1x1x16xf32>,
            %swap3A_358 = vector.shape_cast %swap3A_357 : vector<1x1x16xf32> to vector<16xf32>
            %swap3A_359 = vector.shape_cast %mul3A_353 : vector<16xf32> to vector<1x1x16xf32>
            tpu.vector_store %arg8[%swap3A_354, %swap3A_355, %swap3A_356], %swap3A_359 {strides = array<i32>} : memref<6x128x128xf32, #tpu.memory_space<vmem>>, vector<1x1x16xf32>,
          }
          %while3A_344 = arith.constant 1 : i32
          scf.for %while3A_345 = %while3A_342 to %while3A_338 step %while3A_344  : i32 {
            %mul3A_346 = arith.constant 16 : i32
            %mul3A_347 = arith.muli %while3A_345, %mul3A_346 : i32
            %get3A_348 = arith.index_cast %rem3A_285 : i32 to index
            %get3A_349 = arith.index_cast %while3A_333 : i32 to index
            %get3A_350 = arith.index_cast %mul3A_347 : i32 to index
            %get3A_351 = tpu.vector_load %arg8[%get3A_348, %get3A_349, %get3A_350] {strides = array<i32>} : memref<6x128x128xf32, #tpu.memory_space<vmem>>, vector<1x1x16xf32>,
            %get3A_352 = vector.shape_cast %get3A_351 : vector<1x1x16xf32> to vector<16xf32>
            %mul3A_353 = arith.mulf %get3A_352, %bitcast_convert_type3A : vector<16xf32>
            %swap3A_354 = arith.index_cast %rem3A_285 : i32 to index
            %swap3A_355 = arith.index_cast %while3A_333 : i32 to index
            %swap3A_356 = arith.index_cast %mul3A_347 : i32 to index
            %swap3A_357 = tpu.vector_load %arg8[%swap3A_354, %swap3A_355, %swap3A_356] {strides = array<i32>} : memref<6x128x128xf32, #tpu.memory_space<vmem>>, vector<1x1x16xf32>,
            %swap3A_358 = vector.shape_cast %swap3A_357 : vector<1x1x16xf32> to vector<16xf32>
            %swap3A_359 = vector.shape_cast %mul3A_353 : vector<16xf32> to vector<1x1x16xf32>
            tpu.vector_store %arg8[%swap3A_354, %swap3A_355, %swap3A_356], %swap3A_359 {strides = array<i32>} : memref<6x128x128xf32, #tpu.memory_space<vmem>>, vector<1x1x16xf32>,
          }
        }
        %while3A_332 = arith.constant 1 : i32
        scf.for %while3A_333 = %while3A_330 to %while3A_326 step %while3A_332  : i32 {
          %while3A_334 = arith.constant 0 : i32
          %while3A_335 = arith.constant 0 : i32
          %while3A_336 = arith.constant 8 : i32
          %while3A_337 = arith.subi %while3A_336, %while3A_335 : i32
          %while3A_338 = arith.addi %while3A_335, %while3A_337 : i32
          %while3A_339 = arith.constant 1 : i32
          %while3A_340 = arith.divsi %while3A_337, %while3A_339 : i32
          %while3A_341 = arith.muli %while3A_340, %while3A_339 : i32
          %while3A_342 = arith.addi %while3A_335, %while3A_341 : i32
          %while3A_343 = arith.constant 1 : i32
          scf.for %while3A_345 = %while3A_335 to %while3A_342 step %while3A_343  : i32 {
            %mul3A_346 = arith.constant 16 : i32
            %mul3A_347 = arith.muli %while3A_345, %mul3A_346 : i32
            %get3A_348 = arith.index_cast %rem3A_285 : i32 to index
            %get3A_349 = arith.index_cast %while3A_333 : i32 to index
            %get3A_350 = arith.index_cast %mul3A_347 : i32 to index
            %get3A_351 = tpu.vector_load %arg8[%get3A_348, %get3A_349, %get3A_350] {strides = array<i32>} : memref<6x128x128xf32, #tpu.memory_space<vmem>>, vector<1x1x16xf32>,
            %get3A_352 = vector.shape_cast %get3A_351 : vector<1x1x16xf32> to vector<16xf32>
            %mul3A_353 = arith.mulf %get3A_352, %bitcast_convert_type3A : vector<16xf32>
            %swap3A_354 = arith.index_cast %rem3A_285 : i32 to index
            %swap3A_355 = arith.index_cast %while3A_333 : i32 to index
            %swap3A_356 = arith.index_cast %mul3A_347 : i32 to index
            %swap3A_357 = tpu.vector_load %arg8[%swap3A_354, %swap3A_355, %swap3A_356] {strides = array<i32>} : memref<6x128x128xf32, #tpu.memory_space<vmem>>, vector<1x1x16xf32>,
            %swap3A_358 = vector.shape_cast %swap3A_357 : vector<1x1x16xf32> to vector<16xf32>
            %swap3A_359 = vector.shape_cast %mul3A_353 : vector<16xf32> to vector<1x1x16xf32>
            tpu.vector_store %arg8[%swap3A_354, %swap3A_355, %swap3A_356], %swap3A_359 {strides = array<i32>} : memref<6x128x128xf32, #tpu.memory_space<vmem>>, vector<1x1x16xf32>,
          }
          %while3A_344 = arith.constant 1 : i32
          scf.for %while3A_345 = %while3A_342 to %while3A_338 step %while3A_344  : i32 {
            %mul3A_346 = arith.constant 16 : i32
            %mul3A_347 = arith.muli %while3A_345, %mul3A_346 : i32
            %get3A_348 = arith.index_cast %rem3A_285 : i32 to index
            %get3A_349 = arith.index_cast %while3A_333 : i32 to index
            %get3A_350 = arith.index_cast %mul3A_347 : i32 to index
            %get3A_351 = tpu.vector_load %arg8[%get3A_348, %get3A_349, %get3A_350] {strides = array<i32>} : memref<6x128x128xf32, #tpu.memory_space<vmem>>, vector<1x1x16xf32>,
            %get3A_352 = vector.shape_cast %get3A_351 : vector<1x1x16xf32> to vector<16xf32>
            %mul3A_353 = arith.mulf %get3A_352, %bitcast_convert_type3A : vector<16xf32>
            %swap3A_354 = arith.index_cast %rem3A_285 : i32 to index
            %swap3A_355 = arith.index_cast %while3A_333 : i32 to index
            %swap3A_356 = arith.index_cast %mul3A_347 : i32 to index
            %swap3A_357 = tpu.vector_load %arg8[%swap3A_354, %swap3A_355, %swap3A_356] {strides = array<i32>} : memref<6x128x128xf32, #tpu.memory_space<vmem>>, vector<1x1x16xf32>,
            %swap3A_358 = vector.shape_cast %swap3A_357 : vector<1x1x16xf32> to vector<16xf32>
            %swap3A_359 = vector.shape_cast %mul3A_353 : vector<16xf32> to vector<1x1x16xf32>
            tpu.vector_store %arg8[%swap3A_354, %swap3A_355, %swap3A_356], %swap3A_359 {strides = array<i32>} : memref<6x128x128xf32, #tpu.memory_space<vmem>>, vector<1x1x16xf32>,
          }
        }
      } else {
      }
      %mul3A_305 = arith.constant 128 : i32
      %mul3A_306 = arith.muli %while3A_283, %mul3A_305 : i32
      %add3A_307 = arith.addi %mul3A_2, %mul3A_306 : i32
      %dma_start3A_308 = arith.constant 0 : i32
      %dma_start3A_309 = arith.constant 0 : i32
      %dma_start3A_310 = tpu.memref_slice %arg8[%rem3A_285, %dma_start3A_308, %dma_start3A_309] : memref<6x128x128xf32, #tpu.memory_space<vmem>> -> memref<1x128x128xf32, #tpu.memory_space<vmem>>
      %dma_start3A_311 = tpu.memref_squeeze %dma_start3A_310 : memref<1x128x128xf32, #tpu.memory_space<vmem>> -> memref<128x128xf32, #tpu.memory_space<vmem>>
      %dma_start3A_312 = arith.constant 0 : i32
      %dma_start3A_313 = tpu.memref_slice %arg4[%add3A_307, %dma_start3A_312] : memref<32768x128xf32, #tpu.memory_space<hbm>> -> memref<128x128xf32, #tpu.memory_space<hbm>>
      %dma_start3A_314 = tpu.memref_slice %arg10[%rem3A_285] : memref<6x!tpu.dma_semaphore, #tpu.memory_space<semaphore_mem>> -> memref<1x!tpu.dma_semaphore, #tpu.memory_space<semaphore_mem>>
      %dma_start3A_315 = tpu.memref_squeeze %dma_start3A_314 : memref<1x!tpu.dma_semaphore, #tpu.memory_space<semaphore_mem>> -> memref<!tpu.dma_semaphore, #tpu.memory_space<semaphore_mem>>
      %dma_start3A_316 = arith.constant 0 : i32
      %dma_start3A_317 = tpu.memref_slice %arg4[%add3A_307, %dma_start3A_316] : memref<32768x128xf32, #tpu.memory_space<hbm>> -> memref<128x128xf32, #tpu.memory_space<hbm>>
      %dma_start3A_318 = arith.constant 0 : i32
      %dma_start3A_319 = arith.constant 0 : i32
      %dma_start3A_320 = tpu.memref_slice %arg8[%rem3A_285, %dma_start3A_318, %dma_start3A_319] : memref<6x128x128xf32, #tpu.memory_space<vmem>> -> memref<1x128x128xf32, #tpu.memory_space<vmem>>
      %dma_start3A_321 = tpu.memref_squeeze %dma_start3A_320 : memref<1x128x128xf32, #tpu.memory_space<vmem>> -> memref<128x128xf32, #tpu.memory_space<vmem>>
      tpu.enqueue_dma source(%dma_start3A_321 : memref<128x128xf32, #tpu.memory_space<vmem>>) target(%dma_start3A_317 : memref<128x128xf32, #tpu.memory_space<hbm>>) target_semaphore(%dma_start3A_315 : memref<!tpu.dma_semaphore, #tpu.memory_space<semaphore_mem>>)
    }
    %mul3A_164 = arith.constant 2 : i32
    %mul3A_165 = arith.constant 128 : i32
    %mul3A_166 = arith.muli %mul3A_164, %mul3A_165 : i32
    %add3A_167 = arith.addi %mul3A_2, %mul3A_166 : i32
    %dma_wait3A = arith.constant 2 : i32
    %dma_wait3A_168 = arith.constant 2 : i32
    %dma_wait3A_169 = arith.constant 0 : i32
    %dma_wait3A_170 = arith.constant 0 : i32
    %dma_wait3A_171 = tpu.memref_slice %arg8[%dma_wait3A, %dma_wait3A_169, %dma_wait3A_170] : memref<6x128x128xf32, #tpu.memory_space<vmem>> -> memref<1x128x128xf32, #tpu.memory_space<vmem>>
    %dma_wait3A_172 = tpu.memref_squeeze %dma_wait3A_171 : memref<1x128x128xf32, #tpu.memory_space<vmem>> -> memref<128x128xf32, #tpu.memory_space<vmem>>
    %dma_wait3A_173 = arith.constant 0 : i32
    %dma_wait3A_174 = tpu.memref_slice %arg4[%add3A_167, %dma_wait3A_173] : memref<32768x128xf32, #tpu.memory_space<hbm>> -> memref<128x128xf32, #tpu.memory_space<hbm>>
    %dma_wait3A_175 = tpu.memref_slice %arg10[%dma_wait3A_168] : memref<6x!tpu.dma_semaphore, #tpu.memory_space<semaphore_mem>> -> memref<1x!tpu.dma_semaphore, #tpu.memory_space<semaphore_mem>>
    %dma_wait3A_176 = tpu.memref_squeeze %dma_wait3A_175 : memref<1x!tpu.dma_semaphore, #tpu.memory_space<semaphore_mem>> -> memref<!tpu.dma_semaphore, #tpu.memory_space<semaphore_mem>>
    %dma_wait3A_177 = arith.constant 0 : i32
    %dma_wait3A_178 = tpu.memref_slice %arg4[%add3A_167, %dma_wait3A_177] : memref<32768x128xf32, #tpu.memory_space<hbm>> -> memref<128x128xf32, #tpu.memory_space<hbm>>
    %dma_wait3A_179 = arith.constant 0 : i32
    %dma_wait3A_180 = arith.constant 0 : i32
    %dma_wait3A_181 = tpu.memref_slice %arg8[%dma_wait3A, %dma_wait3A_179, %dma_wait3A_180] : memref<6x128x128xf32, #tpu.memory_space<vmem>> -> memref<1x128x128xf32, #tpu.memory_space<vmem>>
    %dma_wait3A_182 = tpu.memref_squeeze %dma_wait3A_181 : memref<1x128x128xf32, #tpu.memory_space<vmem>> -> memref<128x128xf32, #tpu.memory_space<vmem>>
    tpu.wait_dma2 semaphore(%dma_wait3A_176 : memref<!tpu.dma_semaphore, #tpu.memory_space<semaphore_mem>>) src(%dma_wait3A_182 : memref<128x128xf32, #tpu.memory_space<vmem>>) dst(%dma_wait3A_178 : memref<128x128xf32, #tpu.memory_space<hbm>>)
    %mul3A_183 = arith.constant 3 : i32
    %mul3A_184 = arith.constant 128 : i32
    %mul3A_185 = arith.muli %mul3A_183, %mul3A_184 : i32
    %add3A_186 = arith.addi %mul3A_2, %mul3A_185 : i32
    %dma_wait3A_187 = arith.constant 3 : i32
    %dma_wait3A_188 = arith.constant 3 : i32
    %dma_wait3A_189 = arith.constant 0 : i32
    %dma_wait3A_190 = arith.constant 0 : i32
    %dma_wait3A_191 = tpu.memref_slice %arg8[%dma_wait3A_187, %dma_wait3A_189, %dma_wait3A_190] : memref<6x128x128xf32, #tpu.memory_space<vmem>> -> memref<1x128x128xf32, #tpu.memory_space<vmem>>
    %dma_wait3A_192 = tpu.memref_squeeze %dma_wait3A_191 : memref<1x128x128xf32, #tpu.memory_space<vmem>> -> memref<128x128xf32, #tpu.memory_space<vmem>>
    %dma_wait3A_193 = arith.constant 0 : i32
    %dma_wait3A_194 = tpu.memref_slice %arg4[%add3A_186, %dma_wait3A_193] : memref<32768x128xf32, #tpu.memory_space<hbm>> -> memref<128x128xf32, #tpu.memory_space<hbm>>
    %dma_wait3A_195 = tpu.memref_slice %arg10[%dma_wait3A_188] : memref<6x!tpu.dma_semaphore, #tpu.memory_space<semaphore_mem>> -> memref<1x!tpu.dma_semaphore, #tpu.memory_space<semaphore_mem>>
    %dma_wait3A_196 = tpu.memref_squeeze %dma_wait3A_195 : memref<1x!tpu.dma_semaphore, #tpu.memory_space<semaphore_mem>> -> memref<!tpu.dma_semaphore, #tpu.memory_space<semaphore_mem>>
    %dma_wait3A_197 = arith.constant 0 : i32
    %dma_wait3A_198 = tpu.memref_slice %arg4[%add3A_186, %dma_wait3A_197] : memref<32768x128xf32, #tpu.memory_space<hbm>> -> memref<128x128xf32, #tpu.memory_space<hbm>>
    %dma_wait3A_199 = arith.constant 0 : i32
    %dma_wait3A_200 = arith.constant 0 : i32
    %dma_wait3A_201 = tpu.memref_slice %arg8[%dma_wait3A_187, %dma_wait3A_199, %dma_wait3A_200] : memref<6x128x128xf32, #tpu.memory_space<vmem>> -> memref<1x128x128xf32, #tpu.memory_space<vmem>>
    %dma_wait3A_202 = tpu.memref_squeeze %dma_wait3A_201 : memref<1x128x128xf32, #tpu.memory_space<vmem>> -> memref<128x128xf32, #tpu.memory_space<vmem>>
    tpu.wait_dma2 semaphore(%dma_wait3A_196 : memref<!tpu.dma_semaphore, #tpu.memory_space<semaphore_mem>>) src(%dma_wait3A_202 : memref<128x128xf32, #tpu.memory_space<vmem>>) dst(%dma_wait3A_198 : memref<128x128xf32, #tpu.memory_space<hbm>>)
    %mul3A_203 = arith.constant 4 : i32
    %mul3A_204 = arith.constant 128 : i32
    %mul3A_205 = arith.muli %mul3A_203, %mul3A_204 : i32
    %add3A_206 = arith.addi %mul3A_2, %mul3A_205 : i32
    %dma_wait3A_207 = arith.constant 4 : i32
    %dma_wait3A_208 = arith.constant 4 : i32
    %dma_wait3A_209 = arith.constant 0 : i32
    %dma_wait3A_210 = arith.constant 0 : i32
    %dma_wait3A_211 = tpu.memref_slice %arg8[%dma_wait3A_207, %dma_wait3A_209, %dma_wait3A_210] : memref<6x128x128xf32, #tpu.memory_space<vmem>> -> memref<1x128x128xf32, #tpu.memory_space<vmem>>
    %dma_wait3A_212 = tpu.memref_squeeze %dma_wait3A_211 : memref<1x128x128xf32, #tpu.memory_space<vmem>> -> memref<128x128xf32, #tpu.memory_space<vmem>>
    %dma_wait3A_213 = arith.constant 0 : i32
    %dma_wait3A_214 = tpu.memref_slice %arg4[%add3A_206, %dma_wait3A_213] : memref<32768x128xf32, #tpu.memory_space<hbm>> -> memref<128x128xf32, #tpu.memory_space<hbm>>
    %dma_wait3A_215 = tpu.memref_slice %arg10[%dma_wait3A_208] : memref<6x!tpu.dma_semaphore, #tpu.memory_space<semaphore_mem>> -> memref<1x!tpu.dma_semaphore, #tpu.memory_space<semaphore_mem>>
    %dma_wait3A_216 = tpu.memref_squeeze %dma_wait3A_215 : memref<1x!tpu.dma_semaphore, #tpu.memory_space<semaphore_mem>> -> memref<!tpu.dma_semaphore, #tpu.memory_space<semaphore_mem>>
    %dma_wait3A_217 = arith.constant 0 : i32
    %dma_wait3A_218 = tpu.memref_slice %arg4[%add3A_206, %dma_wait3A_217] : memref<32768x128xf32, #tpu.memory_space<hbm>> -> memref<128x128xf32, #tpu.memory_space<hbm>>
    %dma_wait3A_219 = arith.constant 0 : i32
    %dma_wait3A_220 = arith.constant 0 : i32
    %dma_wait3A_221 = tpu.memref_slice %arg8[%dma_wait3A_207, %dma_wait3A_219, %dma_wait3A_220] : memref<6x128x128xf32, #tpu.memory_space<vmem>> -> memref<1x128x128xf32, #tpu.memory_space<vmem>>
    %dma_wait3A_222 = tpu.memref_squeeze %dma_wait3A_221 : memref<1x128x128xf32, #tpu.memory_space<vmem>> -> memref<128x128xf32, #tpu.memory_space<vmem>>
    tpu.wait_dma2 semaphore(%dma_wait3A_216 : memref<!tpu.dma_semaphore, #tpu.memory_space<semaphore_mem>>) src(%dma_wait3A_222 : memref<128x128xf32, #tpu.memory_space<vmem>>) dst(%dma_wait3A_218 : memref<128x128xf32, #tpu.memory_space<hbm>>)
    %mul3A_223 = arith.constant 5 : i32
    %mul3A_224 = arith.constant 128 : i32
    %mul3A_225 = arith.muli %mul3A_223, %mul3A_224 : i32
    %add3A_226 = arith.addi %mul3A_2, %mul3A_225 : i32
    %dma_wait3A_227 = arith.constant 5 : i32
    %dma_wait3A_228 = arith.constant 5 : i32
    %dma_wait3A_229 = arith.constant 0 : i32
    %dma_wait3A_230 = arith.constant 0 : i32
    %dma_wait3A_231 = tpu.memref_slice %arg8[%dma_wait3A_227, %dma_wait3A_229, %dma_wait3A_230] : memref<6x128x128xf32, #tpu.memory_space<vmem>> -> memref<1x128x128xf32, #tpu.memory_space<vmem>>
    %dma_wait3A_232 = tpu.memref_squeeze %dma_wait3A_231 : memref<1x128x128xf32, #tpu.memory_space<vmem>> -> memref<128x128xf32, #tpu.memory_space<vmem>>
    %dma_wait3A_233 = arith.constant 0 : i32
    %dma_wait3A_234 = tpu.memref_slice %arg4[%add3A_226, %dma_wait3A_233] : memref<32768x128xf32, #tpu.memory_space<hbm>> -> memref<128x128xf32, #tpu.memory_space<hbm>>
    %dma_wait3A_235 = tpu.memref_slice %arg10[%dma_wait3A_228] : memref<6x!tpu.dma_semaphore, #tpu.memory_space<semaphore_mem>> -> memref<1x!tpu.dma_semaphore, #tpu.memory_space<semaphore_mem>>
    %dma_wait3A_236 = tpu.memref_squeeze %dma_wait3A_235 : memref<1x!tpu.dma_semaphore, #tpu.memory_space<semaphore_mem>> -> memref<!tpu.dma_semaphore, #tpu.memory_space<semaphore_mem>>
    %dma_wait3A_237 = arith.constant 0 : i32
    %dma_wait3A_238 = tpu.memref_slice %arg4[%add3A_226, %dma_wait3A_237] : memref<32768x128xf32, #tpu.memory_space<hbm>> -> memref<128x128xf32, #tpu.memory_space<hbm>>
    %dma_wait3A_239 = arith.constant 0 : i32
    %dma_wait3A_240 = arith.constant 0 : i32
    %dma_wait3A_241 = tpu.memref_slice %arg8[%dma_wait3A_227, %dma_wait3A_239, %dma_wait3A_240] : memref<6x128x128xf32, #tpu.memory_space<vmem>> -> memref<1x128x128xf32, #tpu.memory_space<vmem>>
    %dma_wait3A_242 = tpu.memref_squeeze %dma_wait3A_241 : memref<1x128x128xf32, #tpu.memory_space<vmem>> -> memref<128x128xf32, #tpu.memory_space<vmem>>
    tpu.wait_dma2 semaphore(%dma_wait3A_236 : memref<!tpu.dma_semaphore, #tpu.memory_space<semaphore_mem>>) src(%dma_wait3A_242 : memref<128x128xf32, #tpu.memory_space<vmem>>) dst(%dma_wait3A_238 : memref<128x128xf32, #tpu.memory_space<hbm>>)
    %mul3A_243 = arith.constant 6 : i32
    %mul3A_244 = arith.constant 128 : i32
    %mul3A_245 = arith.muli %mul3A_243, %mul3A_244 : i32
    %add3A_246 = arith.addi %mul3A_2, %mul3A_245 : i32
    %dma_wait3A_247 = arith.constant 0 : i32
    %dma_wait3A_248 = arith.constant 0 : i32
    %dma_wait3A_249 = arith.constant 0 : i32
    %dma_wait3A_250 = arith.constant 0 : i32
    %dma_wait3A_251 = tpu.memref_slice %arg8[%dma_wait3A_247, %dma_wait3A_249, %dma_wait3A_250] : memref<6x128x128xf32, #tpu.memory_space<vmem>> -> memref<1x128x128xf32, #tpu.memory_space<vmem>>
    %dma_wait3A_252 = tpu.memref_squeeze %dma_wait3A_251 : memref<1x128x128xf32, #tpu.memory_space<vmem>> -> memref<128x128xf32, #tpu.memory_space<vmem>>
    %dma_wait3A_253 = arith.constant 0 : i32
    %dma_wait3A_254 = tpu.memref_slice %arg4[%add3A_246, %dma_wait3A_253] : memref<32768x128xf32, #tpu.memory_space<hbm>> -> memref<128x128xf32, #tpu.memory_space<hbm>>
    %dma_wait3A_255 = tpu.memref_slice %arg10[%dma_wait3A_248] : memref<6x!tpu.dma_semaphore, #tpu.memory_space<semaphore_mem>> -> memref<1x!tpu.dma_semaphore, #tpu.memory_space<semaphore_mem>>
    %dma_wait3A_256 = tpu.memref_squeeze %dma_wait3A_255 : memref<1x!tpu.dma_semaphore, #tpu.memory_space<semaphore_mem>> -> memref<!tpu.dma_semaphore, #tpu.memory_space<semaphore_mem>>
    %dma_wait3A_257 = arith.constant 0 : i32
    %dma_wait3A_258 = tpu.memref_slice %arg4[%add3A_246, %dma_wait3A_257] : memref<32768x128xf32, #tpu.memory_space<hbm>> -> memref<128x128xf32, #tpu.memory_space<hbm>>
    %dma_wait3A_259 = arith.constant 0 : i32
    %dma_wait3A_260 = arith.constant 0 : i32
    %dma_wait3A_261 = tpu.memref_slice %arg8[%dma_wait3A_247, %dma_wait3A_259, %dma_wait3A_260] : memref<6x128x128xf32, #tpu.memory_space<vmem>> -> memref<1x128x128xf32, #tpu.memory_space<vmem>>
    %dma_wait3A_262 = tpu.memref_squeeze %dma_wait3A_261 : memref<1x128x128xf32, #tpu.memory_space<vmem>> -> memref<128x128xf32, #tpu.memory_space<vmem>>
    tpu.wait_dma2 semaphore(%dma_wait3A_256 : memref<!tpu.dma_semaphore, #tpu.memory_space<semaphore_mem>>) src(%dma_wait3A_262 : memref<128x128xf32, #tpu.memory_space<vmem>>) dst(%dma_wait3A_258 : memref<128x128xf32, #tpu.memory_space<hbm>>)
    %mul3A_263 = arith.constant 7 : i32
    %mul3A_264 = arith.constant 128 : i32
    %mul3A_265 = arith.muli %mul3A_263, %mul3A_264 : i32
    %add3A_266 = arith.addi %mul3A_2, %mul3A_265 : i32
    %dma_wait3A_267 = arith.constant 1 : i32
    %dma_wait3A_268 = arith.constant 1 : i32
    %dma_wait3A_269 = arith.constant 0 : i32
    %dma_wait3A_270 = arith.constant 0 : i32
    %dma_wait3A_271 = tpu.memref_slice %arg8[%dma_wait3A_267, %dma_wait3A_269, %dma_wait3A_270] : memref<6x128x128xf32, #tpu.memory_space<vmem>> -> memref<1x128x128xf32, #tpu.memory_space<vmem>>
    %dma_wait3A_272 = tpu.memref_squeeze %dma_wait3A_271 : memref<1x128x128xf32, #tpu.memory_space<vmem>> -> memref<128x128xf32, #tpu.memory_space<vmem>>
    %dma_wait3A_273 = arith.constant 0 : i32
    %dma_wait3A_274 = tpu.memref_slice %arg4[%add3A_266, %dma_wait3A_273] : memref<32768x128xf32, #tpu.memory_space<hbm>> -> memref<128x128xf32, #tpu.memory_space<hbm>>
    %dma_wait3A_275 = tpu.memref_slice %arg10[%dma_wait3A_268] : memref<6x!tpu.dma_semaphore, #tpu.memory_space<semaphore_mem>> -> memref<1x!tpu.dma_semaphore, #tpu.memory_space<semaphore_mem>>
    %dma_wait3A_276 = tpu.memref_squeeze %dma_wait3A_275 : memref<1x!tpu.dma_semaphore, #tpu.memory_space<semaphore_mem>> -> memref<!tpu.dma_semaphore, #tpu.memory_space<semaphore_mem>>
    %dma_wait3A_277 = arith.constant 0 : i32
    %dma_wait3A_278 = tpu.memref_slice %arg4[%add3A_266, %dma_wait3A_277] : memref<32768x128xf32, #tpu.memory_space<hbm>> -> memref<128x128xf32, #tpu.memory_space<hbm>>
    %dma_wait3A_279 = arith.constant 0 : i32
    %dma_wait3A_280 = arith.constant 0 : i32
    %dma_wait3A_281 = tpu.memref_slice %arg8[%dma_wait3A_267, %dma_wait3A_279, %dma_wait3A_280] : memref<6x128x128xf32, #tpu.memory_space<vmem>> -> memref<1x128x128xf32, #tpu.memory_space<vmem>>
    %dma_wait3A_282 = tpu.memref_squeeze %dma_wait3A_281 : memref<1x128x128xf32, #tpu.memory_space<vmem>> -> memref<128x128xf32, #tpu.memory_space<vmem>>
    tpu.wait_dma2 semaphore(%dma_wait3A_276 : memref<!tpu.dma_semaphore, #tpu.memory_space<semaphore_mem>>) src(%dma_wait3A_282 : memref<128x128xf32, #tpu.memory_space<vmem>>) dst(%dma_wait3A_278 : memref<128x128xf32, #tpu.memory_space<hbm>>)
    return
  }
}

</mosaic_0001>

<sc_bundles>
// kernel: kernel.3.cloned.1.call-start
scs
__scs_entry_jumppad:
0x0: {  	(pc) =	sbr.rel $0x88, $3  }
0x1: {  	(tag) =	ssettag $0x0;
	lr =	simm.s32 $0x1  }
0x2: {  	[smem:$0x3F9E] =	sst lr;
	_ =	strace $0xD0000000  }
0x3: {  	_ = 	snop  }
0x4: {  	_ = 	snop  }
0x5: {  	_ = 	snop  }
0x6: {  	_ = 	snop  }
0x7: {  	_ = 	snop  }
__scs_overlays_trampoline_lowered:
0x8: {  	[smem:$0x3FAD] =	sst s0  }
0x9: {  	[smem:$0x3FAE] =	sst s1  }
0xa: {  	[smem:$0x3FAF] =	sst s2  }
0xb: {  	[smem:$0x3FB0] =	sst s3  }
0xc: {  	[smem:$0x3FB1] =	sst s4  }
0xd: {  	[smem:$0x3FB2] =	sst s5  }
0xe: {  	[smem:$0x3FB3] =	sst s6  }
0xf: {  	[smem:$0x3FB4] =	sst s7  }
0x10: {  	[smem:$0x3FB5] =	sst s8  }
0x11: {  	[smem:$0x3FB6] =	sst s9;
	s0 =	simm.s32 @!p0 $0x0  }
0x12: {  	s1 =	sld [smem:$0x3F9C];
	s0 =	simm.s32 @p0 $0x1  }
0x13: {  	[smem:$0x3FB7] =	sst s0;
	s0 =	simm.s32 @!p1 $0x0  }
0x14: {  	s2 =	sld [smem:$0x3F9B];
	s0 =	simm.s32 @p1 $0x1  }
0x15: {  	[smem:$0x3FB8] =	sst s0;
	s0 =	simm.s32 @!p2 $0x0  }
0x16: {  	s3 =	sld [smem:$0x3FDB];
	s0 =	simm.s32 @p2 $0x1  }
0x17: {  	s4 =	simm.s32 $0x1BF5;
	[smem:$0x3FBA] =	sst s0  }
0x18: {  	s0 =	sld [smem:$0x3F9D];
	_ =	swait.ge [sflag:s4], $0x0  }
0x19: {  	s7 =	sld [smem:$0x3F9E]  }
0x1a: {  	s8 =	sadd.s32 $0xFFFFE003, lr  }
0x1b: {  	s9 =	sadd.s32 $0xFFFFFEF7, lr;
	s5 =	simm.s32 $0xFFFFFFFF;
	p2 =	slt.u32 s8, $0xFFFFF086  }
0x1c: {  	p1 =	slt.u32 s9, $0xF7A;
	s5 =	simm.s32 @!p2 $0x0  }
0x1d: {  	s5 =	simm.s32 @p1 $0x1;
	p0 =	seq.s32 s7, s2  }
0x1e: {  	s7 =	smul.u32 @!p0 $0xF7A, s2;
	p2 =	seq.s32 @!p0 s5, $0x0  }
0x1f: {  	s9 =	smul.u32 $0xF7A, s1;
	s8 =	simm.s32 @!p0 $0x1BF5;
	p2 =	por !p2, p0  }
0x20: {  	[sflag:s8] =	ssyncset.s32 @!p0 $0xFFFFF086;
	s6 =	sadd.s32 @!p0 s3, s7;
	s7 =	simm.s32 @!p0 $0x108  }
0x21: {  	s3 =	sadd.s32 s3, s9;
	s6 =	sadd.s32 @!p0 $0x88, s6;
	s7 =	simm.s32 @p2 $0x1082  }
0x22: {  	[simem:s7], [sflag:s8] =	dma.local @!p0 [hbm:s6], $0xF7A  }
0x23: {  	s9 =	sor.u32 $0xD0000000, s2;
	s6 =	simm.s32 $0x108;
	_ =	swait.ge @!p0 [sflag:s8], $0x0  }
0x24: {  	s3 =	sadd.s32 $0x88, s3;
	s6 =	simm.s32 @!p1 $0x1082;
	[sflag:s4] =	ssyncset.s32 $0xFFFFF086  }
0x25: {  	[simem:s6], [sflag:s4] =	dma.local [hbm:s3], $0xF7A  }
0x26: {  	[smem:$0x3F9E] =	sst s1;
	(tag) =	ssettag s2;
	_ =	strace s9  }
0x27: {  	s1 =	sld [smem:$0x3FAE]  }
0x28: {  	s2 =	sld [smem:$0x3FAF]  }
0x29: {  	s4 =	sld [smem:$0x3FB1]  }
0x2a: {  	p0 =	seq.s32 s5, $0x0;
	s5 =	sld [smem:$0x3FB2]  }
0x2b: {  	s6 =	sld [smem:$0x3FB3]  }
0x2c: {  	s7 =	sld [smem:$0x3FB4]  }
0x2d: {  	s3 =	simm.s32 $0x108;
	s8 =	sld [smem:$0x3FB5]  }
0x2e: {  	s3 =	simm.s32 @!p0 $0x1082;
	s9 =	sld [smem:$0x3FB6]  }
0x2f: {  	lr =	sadd.s32 s0, s3;
	s0 =	sld [smem:$0x3FAD]  }
0x30: {  	s3 =	sld [smem:$0x3FB0]  }
0x31: {  	[smem:$0x3FB9] =	sst s10  }
0x32: {  	s10 =	sld [smem:$0x3FB7];
	_ =	sdelay $0x3  }
0x33: {  	p0 =	seq.s32 s10, $0x1;
	s10 =	sld [smem:$0x3FB9];
	_ =	sdelay $0x3  }
0x34: {  	[smem:$0x3FB9] =	sst s10  }
0x35: {  	s10 =	sld [smem:$0x3FB8];
	_ =	sdelay $0x3  }
0x36: {  	p1 =	seq.s32 s10, $0x1;
	s10 =	sld [smem:$0x3FB9];
	_ =	sdelay $0x3  }
0x37: {  	[smem:$0x3FB9] =	sst s10  }
0x38: {  	s10 =	sld [smem:$0x3FBA]  }
0x39: {  	_ = 	snop;
	(pc) =	sbr.ind lr, $3  }
0x3a: {  	_ = 	snop  }
0x3b: {  	_ = 	snop  }
0x3c: {  	p2 =	seq.s32 s10, $0x1;
	s10 =	sld [smem:$0x3FB9]  }
0x3d: {  	_ =	shalt  }
0x3e: {  	_ =	shalt  }
0x3f: {  	_ =	shalt  }
0x40: {  	_ =	shalt  }
0x41: {  	_ =	shalt  }
0x42: {  	_ =	shalt  }
0x43: {  	_ =	shalt  }
0x44: {  	_ =	shalt  }
0x45: {  	_ =	shalt  }
0x46: {  	_ =	shalt  }
0x47: {  	_ =	shalt  }
0x48: {  	_ =	shalt  }
0x49: {  	_ =	shalt  }
0x4a: {  	_ =	shalt  }
0x4b: {  	_ =	shalt  }
0x4c: {  	_ =	shalt  }
0x4d: {  	_ =	shalt  }
0x4e: {  	_ =	shalt  }
0x4f: {  	_ =	shalt  }
0x50: {  	_ =	shalt  }
0x51: {  	_ =	shalt  }
0x52: {  	_ =	shalt  }
0x53: {  	_ =	shalt  }
0x54: {  	_ =	shalt  }
0x55: {  	_ =	shalt  }
0x56: {  	_ =	shalt  }
0x57: {  	_ =	shalt  }
0x58: {  	_ =	shalt  }
0x59: {  	_ =	shalt  }
0x5a: {  	_ =	shalt  }
0x5b: {  	_ =	shalt  }
0x5c: {  	_ =	shalt  }
0x5d: {  	_ =	shalt  }
0x5e: {  	_ =	shalt  }
0x5f: {  	_ =	shalt  }
0x60: {  	_ =	shalt  }
0x61: {  	_ =	shalt  }
0x62: {  	_ =	shalt  }
0x63: {  	_ =	shalt  }
0x64: {  	_ =	shalt  }
0x65: {  	_ =	shalt  }
0x66: {  	_ =	shalt  }
0x67: {  	_ =	shalt  }
0x68: {  	_ =	shalt  }
0x69: {  	_ =	shalt  }
0x6a: {  	_ =	shalt  }
0x6b: {  	_ =	shalt  }
0x6c: {  	_ =	shalt  }
0x6d: {  	_ =	shalt  }
0x6e: {  	_ =	shalt  }
0x6f: {  	_ =	shalt  }
0x70: {  	_ =	shalt  }
0x71: {  	_ =	shalt  }
0x72: {  	_ =	shalt  }
0x73: {  	_ =	shalt  }
0x74: {  	_ =	shalt  }
0x75: {  	_ =	shalt  }
0x76: {  	_ =	shalt  }
0x77: {  	_ =	shalt  }
0x78: {  	_ =	shalt  }
0x79: {  	_ =	shalt  }
0x7a: {  	_ =	shalt  }
0x7b: {  	_ =	shalt  }
0x7c: {  	_ =	shalt  }
0x7d: {  	_ =	shalt  }
0x7e: {  	_ =	shalt  }
0x7f: {  	_ =	shalt  }
0x80: {  	_ =	shalt  }
0x81: {  	_ =	shalt  }
0x82: {  	_ =	shalt  }
0x83: {  	_ =	shalt  }
0x84: {  	_ =	shalt  }
0x85: {  	_ =	shalt  }
0x86: {  	_ =	shalt  }
0x87: {  	_ =	shalt  }
.Lfunc_end0:
.L_simem_size_0:
called_computation_lowered:
.L_overlay_start_0:
0x88: {  	s2 =	sld [smem:$0x3FD9]  }
0x89: {  	s3 =	sld [smem:$0x3FFE];
	_ =	sdelay $0x1  }
0x8a: {  	s1 =	srdreg.scid  }
0x8b: {  	s0 =	sand.u32 $0x1, s1  }
0x8c: {  	s17 =	sshll.u32 s0, $0xA;
	s2 =	sadd.s32 s3, s2  }
0x8d: {  	s2 =	sadd.s32 s2, s17  }
0x8e: {  	[smem:$0x3FC5] =	sst s2  }
0x8f: {  	_ = 	snop  }
0x90: {  	s2 =	sld [smem:$0x3FC8]  }
0x91: {  	s18 =	sld [smem:$0x3FD0];
	(tm) =	ssettm $0x1  }
0x92: {  	s4 =	sld [smem:$0x3FFB];
	_ =	sdelay $0x3  }
0x93: {  	_ =	strace s4  }
0x94: {  	s4 =	sld [smem:$0x3FFC];
	_ =	sdelay $0x3  }
0x95: {  	_ =	strace s4  }
0x96: {  	s4 =	sld [smem:$0x3FFD];
	_ =	sdelay $0x3  }
0x97: {  	_ =	strace s4  }
0x98: {  	_ =	strace $0x8FFFFFFF  }
0x99: {  	s19 =	sld [smem:$0x3FDB];
	_ =	sdelay $0x1  }
0x9a: {  	s5 =	simm.s32 $_scs_section_size  }
0x9b: {  	s6 =	simm.s32 $_size__tile_overlayer_lowered;
	s7 =	simm.s32 $_tile_overlayer_lowered  }
0x9c: {  	s22 =	simm.s32 $0x1BFF;
	s21 =	sshll.u32 s7, $0x1;
	s4 =	sadd.s32 s5, s19  }
0x9d: {  	s8 =	simm.s32 $0x0;
	s20 =	sshll.u32 s6, $0x1;
	s6 =	sadd.s32 s21, s4  }
0x9e: {  	[timem:s8], [sflag:s22] =	dma.local [hbm:s6], s20  }
0x9f: {  	_ =	swait.ge [sflag:s22], s20  }
0xa0: {  	s5 =	ssub.s32 $0x0, s20;
	[sflag:s22] =	ssyncset.done $0x0  }
0xa1: {  	[sflag:s22] =	ssyncadd.s32 s5;
	_ =	sdelay $0x1  }
0xa2: {  	s23 =	simm.s32 $0x1B8B  }
0xa3: {  	_ =	swait.ge [sflag:s23], $0x1  }
0xa4: {  	[sflag:s23] =	ssyncset.done $0x0  }
0xa5: {  	s25 =	simm.s32 $0x1B8E;
	s24 =	sld [smem:$0x3FFE];
	[sflag:s23] =	ssyncadd.s32 $0xFFFFFFFF  }
0xa6: {  	s26 =	simm.s32 $execute0_lowered;
	[smem:$0x3FD2] =	sst s25  }
0xa7: {  	s6 =	sshll.u32 s26, $0x1;
	_ =	strace $0x80000046;
	[dreg:$0x1] =	wrdreg $0xFFFFFFFF  }
0xa8: {  	s28 =	simm.s32 $_size_execute0_lowered;
	s4 =	sadd.s32 s4, s6;
	[dreg:$0x0] =	wrdreg $0x0  }
0xa9: {  	s6 =	sshll.u32 s28, $0x1;
	[dreg:$0x2] =	wrdreg s4  }
0xaa: {  	[dreg:$0x3] =	wrdreg s6  }
0xab: {  	[dreg:$0x4] =	wrdreg $0xC0  }
0xac: {  	_ =	task [dreg:s8], $0x5FFFF  }
0xad: {  	[dreg:$0x1] =	wrdreg $0xFFFFFFFF  }
0xae: {  	[dreg:$0x0] =	wrdreg $0x60  }
0xaf: {  	[dreg:$0x2] =	wrdreg s24  }
0xb0: {  	[dreg:$0x3] =	wrdreg s2  }
0xb1: {  	[dreg:$0x4] =	wrdreg s18  }
0xb2: {  	[dreg:$0x5] =	wrdreg $0x9  }
0xb3: {  	_ =	task.clear_ibuf [dreg:s8], $0x6FFFF;
	_ =	strace $0x90000046  }
0xb4: {  	s29 =	simm.s32 $0x9;
	_ =	strace $0x80000048  }
0xb5: {  	_ =	swait.ge [sflag:s29], $0x1  }
0xb6: {  	[sflag:s29] =	ssyncadd.s32 $0xFFFFFFFF  }
0xb7: {  	_ =	strace $0x90000048  }
0xb8: {  	_ =	sfence  }
0xb9: {  	s30 =	sld [smem:$0x0];
	_ =	sdelay $0x2  }
0xba: {  	s31 =	sshll.u32 s1, $0xD;
	s1 =	sshrl.u32 s1, $0x2  }
0xbb: {  	s3 =	sand.u32 $0x4000, s31;
	s1 =	sadd.s32 s1, s30  }
0xbc: {  	s0 =	sor.u32 s3, s0;
	s1 =	sshll.u32 s1, $0x11  }
0xbd: {  	s0 =	sor.u32 s1, s0  }
0xbe: {  	s0 =	sadd.s32 $0x8F2B, s0  }
0xbf: {  	[sflag:s0] =	ssyncadd.remote.s32 $0x1  }
0xc0: {  	_ =	sfence.sel $0xFFFF  }
0xc1: {  	[dreg:$0x0] =	wrdreg $0xFFFFFFFF;
	(pc) =	sbr.abs _section_cstart, $3  }
0xc2: {  	[dreg:$0x1] =	wrdreg $0xFFFFFFFF  }
0xc3: {  	_ =	task.clear_ibuf [dreg:s8], $0x2FFFF;
	_ =	strace $0x9FFFFFFF  }
0xc4: {  	(tm) =	ssettm $0x7FFFFFFF  }
0xc5: {  	_ =	shalt  }
tec
execute0_lowered:
.L_overlay_start_1:
0x0: {  	(tag) =	ssettag $0x1  }
0x1: {  	s0 =	rddreg [dreg:$0x0]  }
0x2: {  	s2 =	rddreg [dreg:$0x1];
	s1 =	srdreg.scid  }
0x3: {  	s3 =	stileid.u32;
	s7 =	rddreg [dreg:$0x2]  }
0x4: {  	s10 =	simm.s32 $0x1;
	s9 =	simm.s32 $0xD;
	s11 =	simm.s32 $0x880  }
0x5: {  	s12 =	simm.s32 $0x80;
	s13 =	simm.s32 $0x480;
	s14 =	simm.s32 $0x900  }
0x6: {  	s15 =	simm.s32 $0x500;
	s16 =	simm.s32 $0x4900;
	s17 =	simm.s32 $0x580  }
0x7: {  	s18 =	simm.s32 $0x8900;
	s19 =	simm.s32 $0x9;
	s20 =	simm.s32 $0xA  }
0x8: {  	s21 =	simm.s32 $0xB;
	s22 =	simm.s32 $0xC;
	s23 =	simm.s32 $0x7  }
0x9: {  	s24 =	simm.s32 $0x8;
	s25 =	simm.s32 $0x0;
	s1 =	sand.u32 $0x1, s1  }
0xa: {  	s4 =	sshll.u32 s3, $0x1;
	s3 =	simm.s32 $0x0;
	s5 =	sadd.s32 $0x400, s0  }
0xb: {  	s6 =	sor.u32 s1, s4;
	[smem:$0x7FF] =	sst s3;
	s1 =	ssub.s32 $0x2, s1  }
0xc: {  	s4 =	sshll.u32 s6, $0xA;
	_ =	strace $0x80000047;
	s8 =	sshrl.u32 s1, $0x1  }
.Ltmp0:
0xd: {  	s29 =	sshll.u32 s6, $0x7;
	s30 =	sand.u32 $0x7, s6;
	(pc) =	sbr.rel .LBB2_1-.Ltmp0, $4  }
0xe: {  	s31 =	sshll.u32 s6, $0xE;
	s6 =	sadd.s32 $0x1400, s0;
	s4 =	smax.u32 s4, $0x10  }
0xf: {  	v0 =	vimm.s32 $0xFFFFFFFF;
	vm0 =	vcmask $0x3300;
	s1 =	ssub.s32 s1, s8;
	p0 =	seq.s32 s30, $0x0;
	s4 =	sadd.s32 $0xFFFFFFF0, s4  }
0x10: {  	v0 =	vsel vm0, $0x0, v0;
	s7 =	sadd.s32 s7, s31;
	s10 =	simm.s32 @!p0 $0x0;
	s4 =	sshrl.u32 s4, $0x3  }
0x11: {  	v1 =	vimm.s32 $0x0;
	s8 =	smax.u32 s1, $0x1;
	v0 =	vand.u32 s10, v0;
	s4 =	sadd.s32 s5, s4;
	s5 =	sadd.s32 s5, s29  }
.LBB2_17:
0x12: {  	_ =	swait.ge [sflag:s19], $0x4000  }
0x13: {  	[sflag:s19] =	ssyncset.done $0x0  }
0x14: {  	[sflag:s19] =	ssyncadd.s32 $0xFFFFC000  }
0x15: {  	_ =	swait.ge [sflag:s20], $0x4000  }
0x16: {  	[sflag:s20] =	ssyncset.done $0x0  }
0x17: {  	[sflag:s20] =	ssyncadd.s32 $0xFFFFC000  }
0x18: {  	_ =	swait.ge [sflag:s21], $0x4000  }
0x19: {  	[sflag:s21] =	ssyncset.done $0x0  }
0x1a: {  	[sflag:s21] =	ssyncadd.s32 $0xFFFFC000  }
0x1b: {  	_ =	swait.ge [sflag:s22], $0x4000  }
0x1c: {  	[sflag:s22] =	ssyncset.done $0x0  }
0x1d: {  	s25 =	sadd.s32 $0x1, s25;
	[sflag:s22] =	ssyncadd.s32 $0xFFFFC000  }
0x1e: {  	p0 =	sne.s32 s25, s8;
	_ =	swait.ge [sflag:s23], $0x4000  }
.Ltmp1:
0x1f: {  	[sflag:s23] =	ssyncset.done $0x0;
	(pc) =	sbr.rel @!p0 .LBB2_18-.Ltmp1, $4  }
0x20: {  	[sflag:s23] =	ssyncadd.s32 $0xFFFFC000  }
0x21: {  	_ =	swait.ge [sflag:s24], $0x4000  }
0x22: {  	[sflag:s24] =	ssyncset.done $0x0  }
0x23: {  	[sflag:s24] =	ssyncadd.s32 $0xFFFFC000  }
.LBB2_1:
0x24: {  	[tilespmem:s3], [sflag:$0xD] =	stream.linear.gather [hbm4b:s4+s3], $0x10, $0x38;
	[tilespmem:$0x18900] =	vst v63  }
0x25: {  	_ =	swait.ge [sflag:s9], $0x10  }
0x26: {  	[sflag:s9] =	ssyncset.done $0x0  }
0x27: {  	s0 =	simm.s32 $0x10;
	[sflag:s9] =	ssyncadd.s32 $0xFFFFFFF0  }
0x28: {  	[tilespmem:s0], [sflag:$0xD] =	stream.linear.gather [hbm4b:s5+s3], $0x400, $0x38;
	[tilespmem:$0x18900] =	vst v63  }
0x29: {  	_ =	swait.ge [sflag:s9], $0x400  }
0x2a: {  	[sflag:s9] =	ssyncset.done $0x0  }
0x2b: {  	[sflag:s9] =	ssyncadd.s32 $0xFFFFFC00  }
0x2c: {  	[tilespmem:s11], [sflag:$0xD] =	stream.linear.gather [hbm4b:s6+s3], $0x10, $0x38;
	[tilespmem:$0x18900] =	vst v63  }
0x2d: {  	_ =	swait.ge [sflag:s9], $0x10  }
0x2e: {  	[sflag:s9] =	ssyncset.done $0x0  }
0x2f: {  	[sflag:s9] =	ssyncadd.s32 $0xFFFFFFF0  }
0x30: {  	v2 =	vld [tilespmem:$0x10];
	_ =	sdelay $0x1  }
0x31: {  	v3 =	vld [tilespmem:$0x0];
	_ =	sdelay $0x2  }
0x32: {  	v2 =	vperm.xlane v2, v1;
	_ =	sdelay $0x1  }
0x33: {  	v2 =	vsub.s32 v2, v3  }
0x34: {  	v2 =	vmul.u32 v2, v0;
	_ =	sdelay $0x1  }
0x35: {  	v2 =	vadd.s32 v3, v2  }
0x36: {  	s30 =	simm.s32 $0x0;
	[tilespmem:$0x0] =	vst v2  }
0x37: {  	v2 =	vld [tilespmem:s30+$0x10];
	_ =	sdelay $0x4  }
0x38: {  	v3 =	vcvt.s32.f32 v2;
	_ =	sdelay $0x1  }
0x39: {  	v3 =	vadd.f32 $5.000000000e-01, v3;
	_ =	sdelay $0x1  }
0x3a: {  	v3 =	vmul.f32 $1.000000050e-03, v3;
	_ =	sdelay $0x1  }
0x3b: {  	v3 =	vtrunc.f32 v3  }
0x3c: {  	v3 =	vcvt.f32.s32 v3  }
0x3d: {  	v4 =	vld [tilespmem:s30+$0xF]  }
0x3e: {  	v5 =	vmul.u32 $0xFFFFFC18, v3;
	_ =	sdelay $0x1  }
0x3f: {  	v3 =	vmul.u32 $0x4EDB8, v3;
	v2 =	vadd.s32 v2, v5  }
0x40: {  	v2 =	vmul.u32 $0x5D573, v2  }
0x41: {  	s31 =	simm.s32 $0x10;
	v3 =	vadd.s32 v3, v4  }
0x42: {  	v2 =	vadd.s32 v2, v3;
	v3 =	vld [tilespmem:s31+$0x10]  }
0x43: {  	v2 =	vadd.s32 $0x1, v2  }
0x44: {  	v4 =	vcvt.s32.f32 v2;
	_ =	sdelay $0x1  }
0x45: {  	v4 =	vmul.f32 $9.999999970e-07, v4  }
0x46: {  	v5 =	vcvt.s32.f32 v3  }
0x47: {  	v4 =	vadd.f32 $-5.000000000e-01, v4  }
0x48: {  	v5 =	vadd.f32 $5.000000000e-01, v5  }
0x49: {  	v4 =	vtrunc.f32 v4  }
0x4a: {  	v4 =	vcvt.f32.s32 v4;
	v5 =	vmul.f32 $1.000000050e-03, v5;
	_ =	sdelay $0x1  }
0x4b: {  	v4 =	vmul.u32 $0xFFF0BDC0, v4;
	v5 =	vtrunc.f32 v5  }
0x4c: {  	v5 =	vcvt.f32.s32 v5  }
0x4d: {  	v2 =	vadd.s32 v2, v4;
	v4 =	vld [tilespmem:s31+$0xF]  }
0x4e: {  	s26 =	simm.s32 $0x20;
	v6 =	vadd.s32 $0xFFF0BDC0, v2;
	v7 =	vmul.u32 $0xFFFFFC18, v5  }
0x4f: {  	v8 =	vld [tilespmem:s26+$0x10];
	vm0 =	vlt.s32 v6, $0x0  }
0x50: {  	v5 =	vmul.u32 $0x4EDB8, v5;
	v2 =	vsel vm0, v2, v6;
	v3 =	vadd.s32 v3, v7  }
0x51: {  	v6 =	vcvt.s32.f32 v2;
	v3 =	vmul.u32 $0x5D573, v3  }
0x52: {  	v4 =	vadd.s32 v5, v4  }
0x53: {  	v5 =	vadd.f32 $5.000000000e-01, v6;
	v3 =	vadd.s32 v3, v4  }
0x54: {  	v4 =	vcvt.s32.f32 v8;
	v3 =	vadd.s32 $0x1, v3  }
0x55: {  	v5 =	vmul.f32 $1.000000050e-03, v5;
	v6 =	vcvt.s32.f32 v3;
	_ =	sdelay $0x1  }
0x56: {  	v4 =	vadd.f32 $5.000000000e-01, v4;
	v5 =	vtrunc.f32 v5;
	v6 =	vmul.f32 $9.999999970e-07, v6  }
0x57: {  	v5 =	vcvt.f32.s32 v5  }
0x58: {  	v7 =	vld [tilespmem:s30+$0xE];
	v4 =	vmul.f32 $1.000000050e-03, v4;
	v6 =	vadd.f32 $-5.000000000e-01, v6  }
0x59: {  	v9 =	vmul.u32 $0xFFFFFC18, v5  }
0x5a: {  	v4 =	vtrunc.f32 v4;
	v5 =	vmul.u32 $0xB6DC8, v5;
	v6 =	vtrunc.f32 v6  }
0x5b: {  	v4 =	vcvt.f32.s32 v4;
	v2 =	vadd.s32 v2, v9;
	v6 =	vcvt.f32.s32 v6  }
0x5c: {  	v9 =	vld [tilespmem:s26+$0xF];
	v2 =	vmul.u32 $0xA20C5, v2  }
0x5d: {  	v5 =	vadd.s32 v5, v7;
	v7 =	vmul.u32 $0xFFFFFC18, v4;
	v6 =	vmul.u32 $0xFFF0BDC0, v6  }
0x5e: {  	v4 =	vmul.u32 $0x4EDB8, v4;
	v2 =	vadd.s32 v2, v5  }
0x5f: {  	s28 =	simm.s32 $0x30;
	v5 =	vadd.s32 v8, v7;
	v2 =	vadd.s32 $0x2, v2;
	v3 =	vadd.s32 v3, v6  }
0x60: {  	v7 =	vld [tilespmem:s28+$0x10];
	v5 =	vmul.u32 $0x5D573, v5;
	v6 =	vcvt.s32.f32 v2;
	v8 =	vadd.s32 $0xFFF0BDC0, v3  }
0x61: {  	v4 =	vadd.s32 v4, v9;
	vm10 =	vlt.s32 v8, $0x0  }
0x62: {  	v4 =	vadd.s32 v5, v4;
	v6 =	vmul.f32 $9.999999970e-07, v6;
	v3 =	vsel vm10, v3, v8  }
0x63: {  	v4 =	vadd.s32 $0x1, v4;
	v5 =	vcvt.s32.f32 v3  }
0x64: {  	v8 =	vcvt.s32.f32 v4;
	v6 =	vadd.f32 $-5.000000000e-01, v6  }
0x65: {  	v9 =	vcvt.s32.f32 v7;
	v5 =	vadd.f32 $5.000000000e-01, v5  }
0x66: {  	v8 =	vmul.f32 $9.999999970e-07, v8;
	v6 =	vtrunc.f32 v6  }
0x67: {  	v9 =	vadd.f32 $5.000000000e-01, v9;
	v6 =	vcvt.f32.s32 v6;
	v5 =	vmul.f32 $1.000000050e-03, v5  }
0x68: {  	v8 =	vadd.f32 $-5.000000000e-01, v8  }
0x69: {  	v9 =	vmul.f32 $1.000000050e-03, v9;
	v6 =	vmul.u32 $0xFFF0BDC0, v6;
	v5 =	vtrunc.f32 v5  }
0x6a: {  	v5 =	vcvt.f32.s32 v5  }
0x6b: {  	v9 =	vtrunc.f32 v9;
	v2 =	vadd.s32 v2, v6;
	v6 =	vtrunc.f32 v8;
	v8 =	vld [tilespmem:s31+$0xE]  }
0x6c: {  	v10 =	vadd.s32 $0xFFF0BDC0, v2;
	v6 =	vcvt.f32.s32 v6;
	v11 =	vmul.u32 $0xFFFFFC18, v5  }
0x6d: {  	v9 =	vcvt.f32.s32 v9;
	v5 =	vmul.u32 $0xB6DC8, v5;
	vm11 =	vlt.s32 v10, $0x0  }
0x6e: {  	s29 =	simm.s32 $0x40;
	v2 =	vsel vm11, v2, v10;
	v6 =	vmul.u32 $0xFFF0BDC0, v6;
	v3 =	vadd.s32 v3, v11  }
0x6f: {  	v12 =	vld [tilespmem:s29+$0x10];
	v11 =	vmul.u32 $0xFFFFFC18, v9;
	v10 =	vcvt.s32.f32 v2;
	v3 =	vmul.u32 $0xA20C5, v3  }
0x70: {  	v9 =	vmul.u32 $0x4EDB8, v9;
	v4 =	vadd.s32 v4, v6;
	v6 =	vld [tilespmem:s28+$0xF];
	v5 =	vadd.s32 v5, v8  }
0x71: {  	v8 =	vadd.f32 $5.000000000e-01, v10;
	v10 =	vadd.s32 $0xFFF0BDC0, v4;
	v3 =	vadd.s32 v3, v5  }
0x72: {  	v7 =	vadd.s32 v7, v11;
	vm12 =	vlt.s32 v10, $0x0;
	v3 =	vadd.s32 $0x2, v3  }
0x73: {  	v5 =	vmul.f32 $1.000000050e-03, v8;
	v4 =	vsel vm12, v4, v10;
	v8 =	vcvt.s32.f32 v3  }
0x74: {  	v11 =	vcvt.s32.f32 v12;
	v7 =	vmul.u32 $0x5D573, v7;
	v10 =	vcvt.s32.f32 v4  }
0x75: {  	v5 =	vtrunc.f32 v5;
	v6 =	vadd.s32 v9, v6;
	v8 =	vmul.f32 $9.999999970e-07, v8  }
0x76: {  	v9 =	vadd.f32 $5.000000000e-01, v11;
	v5 =	vcvt.f32.s32 v5;
	v6 =	vadd.s32 v7, v6  }
0x77: {  	v7 =	vadd.f32 $5.000000000e-01, v10;
	v10 =	vld [tilespmem:s30+$0xD];
	v6 =	vadd.s32 $0x1, v6  }
0x78: {  	v8 =	vadd.f32 $-5.000000000e-01, v8;
	v9 =	vmul.f32 $1.000000050e-03, v9;
	v11 =	vmul.u32 $0xFFFFFC18, v5  }
0x79: {  	v7 =	vmul.f32 $1.000000050e-03, v7;
	v5 =	vmul.u32 $0x562E8, v5;
	v13 =	vcvt.s32.f32 v6  }
0x7a: {  	v8 =	vtrunc.f32 v8;
	v9 =	vtrunc.f32 v9;
	v2 =	vadd.s32 v2, v11  }
0x7b: {  	v8 =	vcvt.f32.s32 v8;
	v9 =	vcvt.f32.s32 v9;
	v2 =	vmul.u32 $0x41071, v2  }
0x7c: {  	v7 =	vtrunc.f32 v7;
	v11 =	vld [tilespmem:s29+$0xF];
	v5 =	vadd.s32 v5, v10;
	v10 =	vmul.f32 $9.999999970e-07, v13  }
0x7d: {  	v7 =	vcvt.f32.s32 v7;
	v8 =	vmul.u32 $0xFFF0BDC0, v8;
	v2 =	vadd.s32 v2, v5  }
0x7e: {  	v5 =	vmul.u32 $0xFFFFFC18, v9;
	v10 =	vadd.f32 $-5.000000000e-01, v10;
	v9 =	vmul.u32 $0x4EDB8, v9  }
0x7f: {  	v13 =	vmul.u32 $0xFFFFFC18, v7;
	v3 =	vadd.s32 v3, v8;
	v2 =	vadd.s32 $0x3, v2;
	v8 =	vld [tilespmem:s26+$0xE]  }
0x80: {  	v14 =	vadd.s32 $0xFFF0BDC0, v3;
	v10 =	vtrunc.f32 v10;
	v5 =	vadd.s32 v12, v5  }
0x81: {  	v9 =	vadd.s32 v9, v11;
	vm13 =	vlt.s32 v14, $0x0;
	v10 =	vcvt.f32.s32 v10  }
0x82: {  	v12 =	vsel vm13, v3, v14;
	v3 =	vadd.s32 v4, v13;
	v4 =	vmul.u32 $0xB6DC8, v7  }
0x83: {  	s1 =	simm.s32 $0x50;
	v5 =	vmul.u32 $0x5D573, v5;
	v7 =	vmul.u32 $0xFFF0BDC0, v10;
	v10 =	vcvt.s32.f32 v12  }
0x84: {  	v11 =	vcvt.s32.f32 v2;
	v3 =	vmul.u32 $0xA20C5, v3;
	v4 =	vadd.s32 v4, v8;
	v8 =	vld [tilespmem:s1+$0x10]  }
0x85: {  	v5 =	vadd.s32 v5, v9;
	v6 =	vadd.s32 v6, v7;
	v7 =	vadd.f32 $5.000000000e-01, v10  }
0x86: {  	v3 =	vadd.s32 v3, v4;
	v4 =	vmul.f32 $9.999999970e-07, v11;
	v10 =	vadd.s32 $0xFFF0BDC0, v6  }
0x87: {  	v11 =	vadd.s32 $0x2, v3;
	vm14 =	vlt.s32 v10, $0x0;
	v3 =	vmul.f32 $1.000000050e-03, v7  }
0x88: {  	v4 =	vadd.f32 $-5.000000000e-01, v4;
	v7 =	vsel vm14, v6, v10;
	v6 =	vcvt.s32.f32 v11  }
0x89: {  	v10 =	vtrunc.f32 v3;
	v3 =	vadd.s32 $0x1, v5;
	v5 =	vcvt.s32.f32 v8  }
0x8a: {  	v9 =	vcvt.s32.f32 v7;
	v4 =	vtrunc.f32 v4  }
0x8b: {  	v6 =	vmul.f32 $9.999999970e-07, v6;
	v10 =	vcvt.f32.s32 v10;
	v5 =	vadd.f32 $5.000000000e-01, v5  }
0x8c: {  	v13 =	vld [tilespmem:s31+$0xD];
	v4 =	vcvt.f32.s32 v4;
	v15 =	vcvt.s32.f32 v3  }
0x8d: {  	v9 =	vadd.f32 $5.000000000e-01, v9;
	v14 =	vmul.u32 $0xFFFFFC18, v10;
	v5 =	vmul.f32 $1.000000050e-03, v5  }
0x8e: {  	v6 =	vadd.f32 $-5.000000000e-01, v6;
	v10 =	vmul.u32 $0x562E8, v10;
	v4 =	vmul.u32 $0xFFF0BDC0, v4  }
0x8f: {  	v9 =	vmul.f32 $1.000000050e-03, v9;
	v12 =	vadd.s32 v12, v14;
	v5 =	vtrunc.f32 v5  }
0x90: {  	v6 =	vtrunc.f32 v6;
	v12 =	vmul.u32 $0x41071, v12;
	v5 =	vcvt.f32.s32 v5  }
0x91: {  	v10 =	vadd.s32 v10, v13;
	v14 =	vcvt.f32.s32 v6;
	v6 =	vadd.s32 v2, v4;
	v2 =	vld [tilespmem:s1+$0xF]  }
0x92: {  	v4 =	vmul.f32 $9.999999970e-07, v15;
	v10 =	vadd.s32 v12, v10;
	v12 =	vmul.u32 $0xFFFFFC18, v5  }
0x93: {  	v9 =	vtrunc.f32 v9;
	v13 =	vmul.u32 $0xFFF0BDC0, v14  }
0x94: {  	v14 =	vadd.f32 $-5.000000000e-01, v4;
	v5 =	vmul.u32 $0x4EDB8, v5;
	v8 =	vadd.s32 v8, v12  }
0x95: {  	v9 =	vcvt.f32.s32 v9;
	v8 =	vmul.u32 $0x5D573, v8  }
0x96: {  	v11 =	vadd.s32 v11, v13;
	v13 =	vtrunc.f32 v14;
	v14 =	vadd.s32 v5, v2  }
0x97: {  	v14 =	vadd.s32 v8, v14;
	v8 =	vld [tilespmem:s28+$0xE]  }
0x98: {  	v4 =	vadd.s32 $0x3, v10;
	v10 =	vmul.u32 $0xFFFFFC18, v9;
	v12 =	vadd.s32 $0xFFF0BDC0, v11  }
0x99: {  	v13 =	vcvt.f32.s32 v13;
	vm15 =	vlt.s32 v12, $0x0  }
0x9a: {  	v5 =	vsel vm15, v11, v12;
	v12 =	vadd.s32 v7, v10;
	v11 =	vmul.u32 $0xB6DC8, v9  }
0x9b: {  	s0 =	simm.s32 $0x180;
	v2 =	vld [tilespmem:$0x880];
	v10 =	vmul.u32 $0xFFF0BDC0, v13;
	v9 =	vcvt.s32.f32 v5;
	v7 =	vadd.s32 $0x1, v14  }
.LBB2_2:
0x9c: {  	s10 =	sshra.s32 s0, $0x2;
	p0 =	sne.s32 s0, $0x1C0;
	s0 =	sadd.s32 $0x40, s0;
	v12 =	vmul.u32 $0xA20C5, v12;
	v8 =	vadd.s32 v11, v8;
	v11 =	vcvt.s32.f32 v4  }
0x9d: {  	v14 =	vadd.s32 $0xFFF0BDC0, v6;
	v13 =	vld [tilespmem:s10+$0x10];
	v10 =	vadd.s32 v3, v10;
	v9 =	vadd.f32 $5.000000000e-01, v9;
	v3 =	vmovc v7  }
0x9e: {  	v7 =	vadd.s32 $0xFFF0BDC0, v10;
	v8 =	vadd.s32 v12, v8;
	v11 =	vmul.f32 $9.999999970e-07, v11  }
0x9f: {  	vm0 =	vlt.s32 v7, $0x0;
	v8 =	vadd.s32 $0x2, v8;
	v9 =	vmul.f32 $1.000000050e-03, v9  }
0xa0: {  	v7 =	vsel vm0, v10, v7;
	v10 =	vcvt.s32.f32 v8;
	v11 =	vadd.f32 $-5.000000000e-01, v11  }
0xa1: {  	vm0 =	vlt.s32 v14, $0x0;
	v12 =	vcvt.s32.f32 v7;
	v9 =	vtrunc.f32 v9  }
0xa2: {  	v6 =	vsel vm0, v6, v14;
	v15 =	vcvt.s32.f32 v13;
	v10 =	vmul.f32 $9.999999970e-07, v10  }
0xa3: {  	v9 =	vcvt.f32.s32 v9;
	v11 =	vtrunc.f32 v11;
	v12 =	vadd.f32 $5.000000000e-01, v12;
	[tilespmem:s30+$0x480] =	vst v6;
	s30 =	smov.u32 s31;
	s31 =	smov.u32 s26;
	s26 =	smov.u32 s28  }
0xa4: {  	v11 =	vcvt.f32.s32 v11;
	s28 =	smov.u32 s29;
	s29 =	smov.u32 s1;
	s1 =	smov.u32 s10;
	v6 =	vadd.f32 $5.000000000e-01, v15;
	v10 =	vadd.f32 $-5.000000000e-01, v10;
	v14 =	vld [tilespmem:s31+$0xD]  }
0xa5: {  	v15 =	vmul.u32 $0xFFFFFC18, v9;
	v9 =	vmul.u32 $0x562E8, v9;
	v12 =	vmul.f32 $1.000000050e-03, v12  }
0xa6: {  	v11 =	vmul.u32 $0xFFF0BDC0, v11;
	v6 =	vmul.f32 $1.000000050e-03, v6;
	v10 =	vtrunc.f32 v10  }
0xa7: {  	v16 =	vcvt.s32.f32 v3;
	v5 =	vadd.s32 v5, v15;
	v12 =	vtrunc.f32 v12  }
0xa8: {  	v10 =	vcvt.f32.s32 v10;
	v5 =	vmul.u32 $0x41071, v5;
	v6 =	vtrunc.f32 v6  }
0xa9: {  	v15 =	vcvt.f32.s32 v6;
	v9 =	vadd.s32 v9, v14;
	v6 =	vadd.s32 v4, v11  }
0xaa: {  	v4 =	vmul.f32 $9.999999970e-07, v16;
	v10 =	vmul.u32 $0xFFF0BDC0, v10;
	v11 =	vld [tilespmem:s1+$0xF];
	v5 =	vadd.s32 v5, v9  }
0xab: {  	v9 =	vmul.u32 $0xFFFFFC18, v15;
	v14 =	vmul.u32 $0x4EDB8, v15;
	v15 =	vcvt.f32.s32 v12  }
0xac: {  	v12 =	vadd.f32 $-5.000000000e-01, v4;
	v10 =	vadd.s32 v8, v10;
	v4 =	vadd.s32 $0x3, v5  }
.Ltmp2:
0xad: {  	v5 =	vadd.s32 v13, v9;
	v8 =	vld [tilespmem:s28+$0xE];
	v9 =	vmul.u32 $0xFFFFFC18, v15;
	v13 =	vadd.s32 $0xFFF0BDC0, v10;
	(pc) =	sbr.rel @p0 .LBB2_2-.Ltmp2, $4  }
0xae: {  	v16 =	vmul.u32 $0x5D573, v5;
	v5 =	vtrunc.f32 v12;
	vm0 =	vlt.s32 v13, $0x0  }
0xaf: {  	v11 =	vadd.s32 v14, v11;
	v14 =	vcvt.f32.s32 v5;
	v5 =	vsel vm0, v10, v13  }
0xb0: {  	v12 =	vadd.s32 v7, v9;
	v10 =	vadd.s32 v16, v11;
	v11 =	vmul.u32 $0xB6DC8, v15  }
0xb1: {  	v9 =	vcvt.s32.f32 v5;
	v7 =	vadd.s32 $0x1, v10;
	v10 =	vmul.u32 $0xFFF0BDC0, v14  }
0xb2: {  	v13 =	vcvt.s32.f32 v7  }
0xb3: {  	v12 =	vmul.u32 $0xA20C5, v12  }
0xb4: {  	v8 =	vadd.s32 v11, v8;
	v13 =	vmul.f32 $9.999999970e-07, v13  }
0xb5: {  	v8 =	vadd.s32 v12, v8  }
0xb6: {  	v8 =	vadd.s32 $0x2, v8;
	v11 =	vadd.f32 $-5.000000000e-01, v13  }
0xb7: {  	v12 =	vcvt.s32.f32 v8  }
0xb8: {  	v13 =	vcvt.s32.f32 v4;
	v11 =	vtrunc.f32 v11  }
0xb9: {  	v3 =	vadd.s32 v3, v10;
	v9 =	vadd.f32 $5.000000000e-01, v9;
	v10 =	vcvt.f32.s32 v11  }
0xba: {  	v14 =	vadd.s32 $0xFFF0BDC0, v3;
	v12 =	vmul.f32 $9.999999970e-07, v12;
	v13 =	vmul.f32 $9.999999970e-07, v13  }
0xbb: {  	vm0 =	vlt.s32 v14, $0x0;
	v10 =	vmul.u32 $0xFFF0BDC0, v10  }
0xbc: {  	v9 =	vmul.f32 $1.000000050e-03, v9;
	v12 =	vadd.f32 $-5.000000000e-01, v12;
	v13 =	vadd.f32 $-5.000000000e-01, v13  }
0xbd: {  	v3 =	vsel vm0, v3, v14;
	v11 =	vadd.s32 $0xFFF0BDC0, v6;
	v7 =	vadd.s32 v7, v10  }
0xbe: {  	v12 =	vtrunc.f32 v12;
	v13 =	vtrunc.f32 v13;
	v14 =	vadd.s32 $0xFFF0BDC0, v7  }
0xbf: {  	v10 =	vcvt.s32.f32 v3;
	v12 =	vcvt.f32.s32 v12;
	vm11 =	vlt.s32 v14, $0x0  }
0xc0: {  	vm12 =	vlt.s32 v11, $0x0;
	v13 =	vcvt.f32.s32 v13;
	v7 =	vsel vm11, v7, v14  }
0xc1: {  	v10 =	vadd.f32 $5.000000000e-01, v10;
	v12 =	vmul.u32 $0xFFF0BDC0, v12;
	v14 =	vcvt.s32.f32 v7  }
0xc2: {  	v9 =	vtrunc.f32 v9;
	v6 =	vsel vm12, v6, v11;
	v13 =	vmul.u32 $0xFFF0BDC0, v13  }
0xc3: {  	v10 =	vmul.f32 $1.000000050e-03, v10;
	v8 =	vadd.s32 v8, v12;
	v11 =	vadd.f32 $5.000000000e-01, v14  }
0xc4: {  	v9 =	vcvt.f32.s32 v9;
	v4 =	vadd.s32 v4, v13;
	v12 =	vadd.s32 $0xFFF0BDC0, v8  }
0xc5: {  	[tilespmem:s30+$0x480] =	vst v6;
	v6 =	vadd.s32 $0xFFF0BDC0, v4;
	v10 =	vtrunc.f32 v10;
	v11 =	vmul.f32 $1.000000050e-03, v11  }
0xc6: {  	vm13 =	vlt.s32 v12, $0x0;
	vm14 =	vlt.s32 v6, $0x0;
	v10 =	vcvt.f32.s32 v10  }
0xc7: {  	v13 =	vld [tilespmem:s26+$0xD];
	v8 =	vsel vm13, v8, v12;
	v4 =	vsel vm14, v4, v6;
	v6 =	vtrunc.f32 v11  }
0xc8: {  	v12 =	vld [tilespmem:s29+$0xE];
	v14 =	vcvt.s32.f32 v8;
	[tilespmem:s31+$0x480] =	vst v4;
	v11 =	vmul.u32 $0xFFFFFC18, v10;
	v4 =	vcvt.f32.s32 v6  }
0xc9: {  	v15 =	vld [tilespmem:s1+$0xE];
	v6 =	vmul.u32 $0xFFFFFC18, v9;
	v9 =	vmul.u32 $0x562E8, v9  }
0xca: {  	v3 =	vadd.s32 v3, v11;
	v11 =	vadd.f32 $5.000000000e-01, v14;
	v14 =	vmul.u32 $0xFFFFFC18, v4  }
0xcb: {  	v5 =	vadd.s32 v5, v6;
	v6 =	vmul.u32 $0xB6DC8, v10;
	v3 =	vmul.u32 $0xA20C5, v3  }
0xcc: {  	v4 =	vmul.u32 $0xB6DC8, v4;
	v10 =	vmul.f32 $1.000000050e-03, v11;
	v7 =	vadd.s32 v7, v14  }
0xcd: {  	v5 =	vmul.u32 $0x41071, v5;
	v6 =	vadd.s32 v6, v12;
	v7 =	vmul.u32 $0xA20C5, v7  }
0xce: {  	v4 =	vadd.s32 v4, v15;
	v3 =	vadd.s32 v3, v6;
	v6 =	vtrunc.f32 v10  }
0xcf: {  	v3 =	vadd.s32 $0x2, v3;
	v6 =	vcvt.f32.s32 v6;
	v4 =	vadd.s32 v7, v4  }
0xd0: {  	v10 =	vld [tilespmem:s28+$0xD];
	v7 =	vadd.s32 v9, v13;
	v9 =	vcvt.s32.f32 v3;
	v4 =	vadd.s32 $0x2, v4  }
0xd1: {  	v5 =	vadd.s32 v5, v7;
	v7 =	vmul.u32 $0xFFFFFC18, v6;
	v11 =	vcvt.s32.f32 v4  }
0xd2: {  	v6 =	vmul.u32 $0x562E8, v6;
	v9 =	vmul.f32 $9.999999970e-07, v9  }
0xd3: {  	v5 =	vadd.s32 $0x3, v5;
	v7 =	vadd.s32 v8, v7;
	v8 =	vmul.f32 $9.999999970e-07, v11  }
0xd4: {  	v11 =	vcvt.s32.f32 v5;
	v9 =	vadd.f32 $-5.000000000e-01, v9;
	v7 =	vmul.u32 $0x41071, v7  }
0xd5: {  	v6 =	vadd.s32 v6, v10;
	v8 =	vadd.f32 $-5.000000000e-01, v8  }
0xd6: {  	v10 =	vmul.f32 $9.999999970e-07, v11;
	v9 =	vtrunc.f32 v9;
	v6 =	vadd.s32 v7, v6  }
0xd7: {  	v7 =	vcvt.f32.s32 v9;
	v6 =	vadd.s32 $0x3, v6;
	v8 =	vtrunc.f32 v8  }
0xd8: {  	v9 =	vadd.f32 $-5.000000000e-01, v10;
	v10 =	vcvt.s32.f32 v6;
	v8 =	vcvt.f32.s32 v8  }
0xd9: {  	v7 =	vmul.u32 $0xFFF0BDC0, v7  }
0xda: {  	v9 =	vtrunc.f32 v9;
	v10 =	vmul.f32 $9.999999970e-07, v10;
	v8 =	vmul.u32 $0xFFF0BDC0, v8  }
0xdb: {  	v9 =	vcvt.f32.s32 v9;
	v3 =	vadd.s32 v3, v7  }
0xdc: {  	v7 =	vadd.s32 $0xFFF0BDC0, v3;
	v10 =	vadd.f32 $-5.000000000e-01, v10;
	v4 =	vadd.s32 v4, v8  }
0xdd: {  	v8 =	vmul.u32 $0xFFF0BDC0, v9;
	vm15 =	vlt.s32 v7, $0x0;
	v9 =	vadd.s32 $0xFFF0BDC0, v4  }
0xde: {  	v3 =	vsel vm15, v3, v7;
	v7 =	vtrunc.f32 v10;
	vm4 =	vlt.s32 v9, $0x0  }
0xdf: {  	v10 =	vcvt.s32.f32 v3;
	v7 =	vcvt.f32.s32 v7;
	v4 =	vsel vm4, v4, v9  }
0xe0: {  	v9 =	vcvt.s32.f32 v4  }
0xe1: {  	v5 =	vadd.s32 v5, v8;
	v8 =	vadd.f32 $5.000000000e-01, v10;
	v7 =	vmul.u32 $0xFFF0BDC0, v7  }
0xe2: {  	v9 =	vadd.f32 $5.000000000e-01, v9  }
0xe3: {  	v10 =	vadd.s32 $0xFFF0BDC0, v5;
	v8 =	vmul.f32 $1.000000050e-03, v8;
	v6 =	vadd.s32 v6, v7  }
0xe4: {  	vm5 =	vlt.s32 v10, $0x0;
	v7 =	vadd.s32 $0xFFF0BDC0, v6;
	v9 =	vmul.f32 $1.000000050e-03, v9  }
0xe5: {  	v5 =	vsel vm5, v5, v10;
	v8 =	vtrunc.f32 v8;
	vm6 =	vlt.s32 v7, $0x0  }
0xe6: {  	[tilespmem:s26+$0x480] =	vst v5;
	v5 =	vcvt.f32.s32 v8;
	v6 =	vsel vm6, v6, v7;
	v9 =	vtrunc.f32 v9  }
0xe7: {  	v8 =	vld [tilespmem:s29+$0xD];
	[tilespmem:s28+$0x480] =	vst v6;
	v7 =	vcvt.f32.s32 v9  }
0xe8: {  	v6 =	vmul.u32 $0xFFFFFC18, v5;
	v9 =	vld [tilespmem:s1+$0xD]  }
0xe9: {  	v10 =	vmul.u32 $0xFFFFFC18, v7  }
0xea: {  	v5 =	vmul.u32 $0x562E8, v5;
	v3 =	vadd.s32 v3, v6  }
0xeb: {  	v6 =	vmul.u32 $0x562E8, v7;
	v3 =	vmul.u32 $0x41071, v3;
	v4 =	vadd.s32 v4, v10  }
0xec: {  	v5 =	vadd.s32 v5, v8;
	v4 =	vmul.u32 $0x41071, v4  }
0xed: {  	v3 =	vadd.s32 v3, v5;
	v5 =	vadd.s32 v6, v9  }
0xee: {  	v3 =	vadd.s32 $0x3, v3;
	v4 =	vadd.s32 v4, v5  }
0xef: {  	v5 =	vcvt.s32.f32 v3;
	v4 =	vadd.s32 $0x3, v4  }
0xf0: {  	v6 =	vcvt.s32.f32 v4  }
0xf1: {  	v5 =	vmul.f32 $9.999999970e-07, v5  }
0xf2: {  	v6 =	vmul.f32 $9.999999970e-07, v6  }
0xf3: {  	v5 =	vadd.f32 $-5.000000000e-01, v5  }
0xf4: {  	v6 =	vadd.f32 $-5.000000000e-01, v6  }
0xf5: {  	v5 =	vtrunc.f32 v5  }
0xf6: {  	v5 =	vcvt.f32.s32 v5;
	v6 =	vtrunc.f32 v6  }
0xf7: {  	v6 =	vcvt.f32.s32 v6  }
0xf8: {  	v5 =	vmul.u32 $0xFFF0BDC0, v5  }
0xf9: {  	v6 =	vmul.u32 $0xFFF0BDC0, v6  }
0xfa: {  	v3 =	vadd.s32 v3, v5  }
0xfb: {  	v5 =	vadd.s32 $0xFFF0BDC0, v3;
	v4 =	vadd.s32 v4, v6  }
0xfc: {  	vm7 =	vlt.s32 v5, $0x0;
	v6 =	vadd.s32 $0xFFF0BDC0, v4  }
0xfd: {  	v3 =	vsel vm7, v3, v5;
	vm8 =	vlt.s32 v6, $0x0  }
0xfe: {  	[tilespmem:s29+$0x480] =	vst v3;
	v3 =	vsel vm8, v4, v6  }
0xff: {  	s30 =	simm.s32 $0x0;
	[tilespmem:s1+$0x480] =	vst v3  }
0x100: {  	[tilespmem:s14], [sflag:$0x1] =	stream.indirect.gather [hbm4b:s2+s12], $0x80, s13, s12, $0xb8;
	[tilespmem:$0x18900] =	vst v63  }
0x101: {  	v3 =	vld [tilespmem:s30+$0x90];
	_ =	sdelay $0x4  }
0x102: {  	v4 =	vcvt.s32.f32 v3;
	_ =	sdelay $0x1  }
0x103: {  	v4 =	vadd.f32 $5.000000000e-01, v4;
	_ =	sdelay $0x1  }
0x104: {  	v4 =	vmul.f32 $1.000000050e-03, v4;
	_ =	sdelay $0x1  }
0x105: {  	v4 =	vtrunc.f32 v4  }
0x106: {  	v4 =	vcvt.f32.s32 v4  }
0x107: {  	v5 =	vld [tilespmem:s30+$0x8F]  }
0x108: {  	v6 =	vmul.u32 $0xFFFFFC18, v4;
	_ =	sdelay $0x1  }
0x109: {  	v4 =	vmul.u32 $0x4EDB8, v4;
	v3 =	vadd.s32 v3, v6  }
0x10a: {  	v3 =	vmul.u32 $0x5D573, v3  }
0x10b: {  	s31 =	simm.s32 $0x10;
	v4 =	vadd.s32 v4, v5  }
0x10c: {  	v3 =	vadd.s32 v3, v4;
	v4 =	vld [tilespmem:s31+$0x90]  }
0x10d: {  	v3 =	vadd.s32 $0x1, v3  }
0x10e: {  	v5 =	vcvt.s32.f32 v3;
	_ =	sdelay $0x1  }
0x10f: {  	v5 =	vmul.f32 $9.999999970e-07, v5  }
0x110: {  	v6 =	vcvt.s32.f32 v4  }
0x111: {  	v5 =	vadd.f32 $-5.000000000e-01, v5  }
0x112: {  	v6 =	vadd.f32 $5.000000000e-01, v6  }
0x113: {  	v5 =	vtrunc.f32 v5  }
0x114: {  	v5 =	vcvt.f32.s32 v5;
	v6 =	vmul.f32 $1.000000050e-03, v6;
	_ =	sdelay $0x1  }
0x115: {  	v5 =	vmul.u32 $0xFFF0BDC0, v5;
	v6 =	vtrunc.f32 v6  }
0x116: {  	v6 =	vcvt.f32.s32 v6  }
0x117: {  	v3 =	vadd.s32 v3, v5;
	v5 =	vld [tilespmem:s31+$0x8F]  }
0x118: {  	s26 =	simm.s32 $0x20;
	v7 =	vadd.s32 $0xFFF0BDC0, v3;
	v8 =	vmul.u32 $0xFFFFFC18, v6  }
0x119: {  	v9 =	vld [tilespmem:s26+$0x90];
	vm9 =	vlt.s32 v7, $0x0  }
0x11a: {  	v6 =	vmul.u32 $0x4EDB8, v6;
	v3 =	vsel vm9, v3, v7;
	v4 =	vadd.s32 v4, v8  }
0x11b: {  	v7 =	vcvt.s32.f32 v3;
	v4 =	vmul.u32 $0x5D573, v4  }
0x11c: {  	v5 =	vadd.s32 v6, v5  }
0x11d: {  	v6 =	vadd.f32 $5.000000000e-01, v7;
	v4 =	vadd.s32 v4, v5  }
0x11e: {  	v5 =	vcvt.s32.f32 v9;
	v4 =	vadd.s32 $0x1, v4  }
0x11f: {  	v6 =	vmul.f32 $1.000000050e-03, v6;
	v7 =	vcvt.s32.f32 v4;
	_ =	sdelay $0x1  }
0x120: {  	v5 =	vadd.f32 $5.000000000e-01, v5;
	v6 =	vtrunc.f32 v6;
	v7 =	vmul.f32 $9.999999970e-07, v7  }
0x121: {  	v6 =	vcvt.f32.s32 v6  }
0x122: {  	v8 =	vld [tilespmem:s30+$0x8E];
	v5 =	vmul.f32 $1.000000050e-03, v5;
	v7 =	vadd.f32 $-5.000000000e-01, v7  }
0x123: {  	v10 =	vmul.u32 $0xFFFFFC18, v6  }
0x124: {  	v5 =	vtrunc.f32 v5;
	v6 =	vmul.u32 $0xB6DC8, v6;
	v7 =	vtrunc.f32 v7  }
0x125: {  	v5 =	vcvt.f32.s32 v5;
	v3 =	vadd.s32 v3, v10;
	v7 =	vcvt.f32.s32 v7  }
0x126: {  	v10 =	vld [tilespmem:s26+$0x8F];
	v3 =	vmul.u32 $0xA20C5, v3  }
0x127: {  	v6 =	vadd.s32 v6, v8;
	v8 =	vmul.u32 $0xFFFFFC18, v5;
	v7 =	vmul.u32 $0xFFF0BDC0, v7  }
0x128: {  	v5 =	vmul.u32 $0x4EDB8, v5;
	v3 =	vadd.s32 v3, v6  }
0x129: {  	s28 =	simm.s32 $0x30;
	v6 =	vadd.s32 v9, v8;
	v3 =	vadd.s32 $0x2, v3;
	v4 =	vadd.s32 v4, v7  }
0x12a: {  	v8 =	vld [tilespmem:s28+$0x90];
	v6 =	vmul.u32 $0x5D573, v6;
	v7 =	vcvt.s32.f32 v3;
	v9 =	vadd.s32 $0xFFF0BDC0, v4  }
0x12b: {  	v5 =	vadd.s32 v5, v10;
	vm10 =	vlt.s32 v9, $0x0  }
0x12c: {  	v5 =	vadd.s32 v6, v5;
	v7 =	vmul.f32 $9.999999970e-07, v7;
	v4 =	vsel vm10, v4, v9  }
0x12d: {  	v5 =	vadd.s32 $0x1, v5;
	v6 =	vcvt.s32.f32 v4  }
0x12e: {  	v9 =	vcvt.s32.f32 v5;
	v7 =	vadd.f32 $-5.000000000e-01, v7  }
0x12f: {  	v10 =	vcvt.s32.f32 v8;
	v6 =	vadd.f32 $5.000000000e-01, v6  }
0x130: {  	v9 =	vmul.f32 $9.999999970e-07, v9;
	v7 =	vtrunc.f32 v7  }
0x131: {  	v10 =	vadd.f32 $5.000000000e-01, v10;
	v7 =	vcvt.f32.s32 v7;
	v6 =	vmul.f32 $1.000000050e-03, v6  }
0x132: {  	v9 =	vadd.f32 $-5.000000000e-01, v9  }
0x133: {  	v10 =	vmul.f32 $1.000000050e-03, v10;
	v7 =	vmul.u32 $0xFFF0BDC0, v7;
	v6 =	vtrunc.f32 v6  }
0x134: {  	v6 =	vcvt.f32.s32 v6  }
0x135: {  	v10 =	vtrunc.f32 v10;
	v3 =	vadd.s32 v3, v7;
	v7 =	vtrunc.f32 v9;
	v9 =	vld [tilespmem:s31+$0x8E]  }
0x136: {  	v11 =	vadd.s32 $0xFFF0BDC0, v3;
	v7 =	vcvt.f32.s32 v7;
	v12 =	vmul.u32 $0xFFFFFC18, v6  }
0x137: {  	v10 =	vcvt.f32.s32 v10;
	v6 =	vmul.u32 $0xB6DC8, v6;
	vm11 =	vlt.s32 v11, $0x0  }
0x138: {  	s29 =	simm.s32 $0x40;
	v3 =	vsel vm11, v3, v11;
	v7 =	vmul.u32 $0xFFF0BDC0, v7;
	v4 =	vadd.s32 v4, v12  }
0x139: {  	v13 =	vld [tilespmem:s29+$0x90];
	v12 =	vmul.u32 $0xFFFFFC18, v10;
	v11 =	vcvt.s32.f32 v3;
	v4 =	vmul.u32 $0xA20C5, v4  }
0x13a: {  	v10 =	vmul.u32 $0x4EDB8, v10;
	v5 =	vadd.s32 v5, v7;
	v7 =	vld [tilespmem:s28+$0x8F];
	v6 =	vadd.s32 v6, v9  }
0x13b: {  	v9 =	vadd.f32 $5.000000000e-01, v11;
	v11 =	vadd.s32 $0xFFF0BDC0, v5;
	v4 =	vadd.s32 v4, v6  }
0x13c: {  	v8 =	vadd.s32 v8, v12;
	vm12 =	vlt.s32 v11, $0x0;
	v4 =	vadd.s32 $0x2, v4  }
0x13d: {  	v6 =	vmul.f32 $1.000000050e-03, v9;
	v5 =	vsel vm12, v5, v11;
	v9 =	vcvt.s32.f32 v4  }
0x13e: {  	v12 =	vcvt.s32.f32 v13;
	v8 =	vmul.u32 $0x5D573, v8;
	v11 =	vcvt.s32.f32 v5  }
0x13f: {  	v6 =	vtrunc.f32 v6;
	v7 =	vadd.s32 v10, v7;
	v9 =	vmul.f32 $9.999999970e-07, v9  }
0x140: {  	v10 =	vadd.f32 $5.000000000e-01, v12;
	v6 =	vcvt.f32.s32 v6;
	v7 =	vadd.s32 v8, v7  }
0x141: {  	v8 =	vadd.f32 $5.000000000e-01, v11;
	v11 =	vld [tilespmem:s30+$0x8D];
	v7 =	vadd.s32 $0x1, v7  }
0x142: {  	v9 =	vadd.f32 $-5.000000000e-01, v9;
	v10 =	vmul.f32 $1.000000050e-03, v10;
	v12 =	vmul.u32 $0xFFFFFC18, v6  }
0x143: {  	v8 =	vmul.f32 $1.000000050e-03, v8;
	v6 =	vmul.u32 $0x562E8, v6;
	v14 =	vcvt.s32.f32 v7  }
0x144: {  	v9 =	vtrunc.f32 v9;
	v10 =	vtrunc.f32 v10;
	v3 =	vadd.s32 v3, v12  }
0x145: {  	v9 =	vcvt.f32.s32 v9;
	v10 =	vcvt.f32.s32 v10;
	v3 =	vmul.u32 $0x41071, v3  }
0x146: {  	v8 =	vtrunc.f32 v8;
	v6 =	vadd.s32 v6, v11;
	v11 =	vmul.f32 $9.999999970e-07, v14  }
0x147: {  	v12 =	vld [tilespmem:s29+$0x8F];
	v8 =	vcvt.f32.s32 v8;
	v9 =	vmul.u32 $0xFFF0BDC0, v9;
	v3 =	vadd.s32 v3, v6  }
0x148: {  	v6 =	vmul.u32 $0xFFFFFC18, v10;
	v11 =	vadd.f32 $-5.000000000e-01, v11;
	v10 =	vmul.u32 $0x4EDB8, v10  }
0x149: {  	v14 =	vmul.u32 $0xFFFFFC18, v8;
	v4 =	vadd.s32 v4, v9;
	v9 =	vadd.s32 $0x3, v3;
	v3 =	vld [tilespmem:s26+$0x8E]  }
0x14a: {  	v8 =	vmul.u32 $0xB6DC8, v8;
	v15 =	vadd.s32 $0xFFF0BDC0, v4;
	v11 =	vtrunc.f32 v11  }
0x14b: {  	v6 =	vadd.s32 v13, v6;
	vm13 =	vlt.s32 v15, $0x0;
	v11 =	vcvt.f32.s32 v11  }
0x14c: {  	v5 =	vadd.s32 v5, v14;
	v10 =	vadd.s32 v10, v12;
	v4 =	vsel vm13, v4, v15  }
0x14d: {  	s1 =	simm.s32 $0x50;
	v6 =	vmul.u32 $0x5D573, v6;
	v11 =	vmul.u32 $0xFFF0BDC0, v11;
	v13 =	vcvt.s32.f32 v4  }
0x14e: {  	v12 =	vcvt.s32.f32 v9;
	v5 =	vmul.u32 $0xA20C5, v5;
	v3 =	vadd.s32 v8, v3;
	v8 =	vld [tilespmem:s1+$0x90]  }
0x14f: {  	v6 =	vadd.s32 v6, v10;
	v7 =	vadd.s32 v7, v11;
	v11 =	vadd.f32 $5.000000000e-01, v13  }
0x150: {  	v3 =	vadd.s32 v5, v3;
	v5 =	vmul.f32 $9.999999970e-07, v12;
	v13 =	vadd.s32 $0xFFF0BDC0, v7  }
0x151: {  	v12 =	vadd.s32 $0x2, v3;
	vm14 =	vlt.s32 v13, $0x0;
	v3 =	vmul.f32 $1.000000050e-03, v11  }
0x152: {  	v10 =	vcvt.s32.f32 v12;
	v5 =	vadd.f32 $-5.000000000e-01, v5;
	v7 =	vsel vm14, v7, v13  }
0x153: {  	v13 =	vtrunc.f32 v3;
	v3 =	vadd.s32 $0x1, v6;
	v6 =	vcvt.s32.f32 v8  }
0x154: {  	v11 =	vcvt.s32.f32 v7;
	v10 =	vmul.f32 $9.999999970e-07, v10  }
0x155: {  	v5 =	vtrunc.f32 v5;
	v13 =	vcvt.f32.s32 v13;
	v6 =	vadd.f32 $5.000000000e-01, v6  }
0x156: {  	v14 =	vld [tilespmem:s31+$0x8D];
	v5 =	vcvt.f32.s32 v5;
	v16 =	vcvt.s32.f32 v3  }
0x157: {  	v10 =	vadd.f32 $-5.000000000e-01, v10;
	v15 =	vmul.u32 $0xFFFFFC18, v13;
	v6 =	vmul.f32 $1.000000050e-03, v6  }
0x158: {  	v11 =	vadd.f32 $5.000000000e-01, v11;
	v13 =	vmul.u32 $0x562E8, v13;
	v5 =	vmul.u32 $0xFFF0BDC0, v5  }
0x159: {  	v10 =	vtrunc.f32 v10;
	v4 =	vadd.s32 v4, v15;
	v6 =	vtrunc.f32 v6  }
0x15a: {  	v10 =	vcvt.f32.s32 v10;
	v4 =	vmul.u32 $0x41071, v4;
	v15 =	vcvt.f32.s32 v6  }
0x15b: {  	v11 =	vmul.f32 $1.000000050e-03, v11;
	v13 =	vadd.s32 v13, v14;
	v6 =	vadd.s32 v9, v5;
	v5 =	vld [tilespmem:s1+$0x8F]  }
0x15c: {  	v10 =	vmul.u32 $0xFFF0BDC0, v10;
	v4 =	vadd.s32 v4, v13;
	v13 =	vmul.u32 $0xFFFFFC18, v15  }
0x15d: {  	v11 =	vtrunc.f32 v11;
	v9 =	vmul.f32 $9.999999970e-07, v16  }
0x15e: {  	v14 =	vmul.u32 $0x4EDB8, v15;
	v10 =	vadd.s32 v12, v10;
	v8 =	vadd.s32 v8, v13  }
0x15f: {  	v11 =	vcvt.f32.s32 v11;
	v13 =	vadd.s32 $0xFFF0BDC0, v10;
	v8 =	vmul.u32 $0x5D573, v8  }
0x160: {  	v9 =	vadd.f32 $-5.000000000e-01, v9;
	vm15 =	vlt.s32 v13, $0x0;
	v14 =	vadd.s32 v14, v5  }
0x161: {  	v5 =	vsel vm15, v10, v13;
	v10 =	vadd.s32 v8, v14;
	v8 =	vld [tilespmem:s28+$0x8E]  }
0x162: {  	v12 =	vmul.u32 $0xFFFFFC18, v11;
	v9 =	vtrunc.f32 v9  }
0x163: {  	v9 =	vcvt.f32.s32 v9  }
0x164: {  	v4 =	vadd.s32 $0x3, v4;
	v11 =	vmul.u32 $0xB6DC8, v11;
	v12 =	vadd.s32 v7, v12  }
0x165: {  	s0 =	simm.s32 $0x180;
	v7 =	vadd.s32 $0x1, v10;
	v10 =	vmul.u32 $0xFFF0BDC0, v9;
	v9 =	vcvt.s32.f32 v5  }
.LBB2_4:
0x166: {  	s10 =	sshra.s32 s0, $0x2;
	p0 =	sne.s32 s0, $0x1C0;
	s0 =	sadd.s32 $0x40, s0;
	v12 =	vmul.u32 $0xA20C5, v12;
	v8 =	vadd.s32 v11, v8;
	v11 =	vcvt.s32.f32 v4  }
0x167: {  	v14 =	vadd.s32 $0xFFF0BDC0, v6;
	v13 =	vld [tilespmem:s10+$0x90];
	v10 =	vadd.s32 v3, v10;
	v9 =	vadd.f32 $5.000000000e-01, v9;
	v3 =	vmovc v7  }
0x168: {  	v7 =	vadd.s32 $0xFFF0BDC0, v10;
	v8 =	vadd.s32 v12, v8;
	v11 =	vmul.f32 $9.999999970e-07, v11  }
0x169: {  	vm0 =	vlt.s32 v7, $0x0;
	v8 =	vadd.s32 $0x2, v8;
	v9 =	vmul.f32 $1.000000050e-03, v9  }
0x16a: {  	v7 =	vsel vm0, v10, v7;
	v10 =	vcvt.s32.f32 v8;
	v11 =	vadd.f32 $-5.000000000e-01, v11  }
0x16b: {  	vm0 =	vlt.s32 v14, $0x0;
	v12 =	vcvt.s32.f32 v7;
	v9 =	vtrunc.f32 v9  }
0x16c: {  	v6 =	vsel vm0, v6, v14;
	v15 =	vcvt.s32.f32 v13;
	v10 =	vmul.f32 $9.999999970e-07, v10  }
0x16d: {  	v9 =	vcvt.f32.s32 v9;
	v11 =	vtrunc.f32 v11;
	v12 =	vadd.f32 $5.000000000e-01, v12;
	[tilespmem:s30+$0x500] =	vst v6;
	s30 =	smov.u32 s31;
	s31 =	smov.u32 s26;
	s26 =	smov.u32 s28  }
0x16e: {  	v11 =	vcvt.f32.s32 v11;
	s28 =	smov.u32 s29;
	s29 =	smov.u32 s1;
	s1 =	smov.u32 s10;
	v6 =	vadd.f32 $5.000000000e-01, v15;
	v10 =	vadd.f32 $-5.000000000e-01, v10;
	v14 =	vld [tilespmem:s31+$0x8D]  }
0x16f: {  	v15 =	vmul.u32 $0xFFFFFC18, v9;
	v9 =	vmul.u32 $0x562E8, v9;
	v12 =	vmul.f32 $1.000000050e-03, v12  }
0x170: {  	v11 =	vmul.u32 $0xFFF0BDC0, v11;
	v6 =	vmul.f32 $1.000000050e-03, v6;
	v10 =	vtrunc.f32 v10  }
0x171: {  	v16 =	vcvt.s32.f32 v3;
	v5 =	vadd.s32 v5, v15;
	v12 =	vtrunc.f32 v12  }
0x172: {  	v10 =	vcvt.f32.s32 v10;
	v5 =	vmul.u32 $0x41071, v5;
	v6 =	vtrunc.f32 v6  }
0x173: {  	v15 =	vcvt.f32.s32 v6;
	v9 =	vadd.s32 v9, v14;
	v6 =	vadd.s32 v4, v11  }
0x174: {  	v4 =	vmul.f32 $9.999999970e-07, v16;
	v10 =	vmul.u32 $0xFFF0BDC0, v10;
	v11 =	vld [tilespmem:s1+$0x8F];
	v5 =	vadd.s32 v5, v9  }
0x175: {  	v9 =	vmul.u32 $0xFFFFFC18, v15;
	v14 =	vmul.u32 $0x4EDB8, v15;
	v15 =	vcvt.f32.s32 v12  }
0x176: {  	v12 =	vadd.f32 $-5.000000000e-01, v4;
	v10 =	vadd.s32 v8, v10;
	v4 =	vadd.s32 $0x3, v5  }
.Ltmp3:
0x177: {  	v5 =	vadd.s32 v13, v9;
	v8 =	vld [tilespmem:s28+$0x8E];
	v9 =	vmul.u32 $0xFFFFFC18, v15;
	v13 =	vadd.s32 $0xFFF0BDC0, v10;
	(pc) =	sbr.rel @p0 .LBB2_4-.Ltmp3, $4  }
0x178: {  	v16 =	vmul.u32 $0x5D573, v5;
	v5 =	vtrunc.f32 v12;
	vm0 =	vlt.s32 v13, $0x0  }
0x179: {  	v11 =	vadd.s32 v14, v11;
	v14 =	vcvt.f32.s32 v5;
	v5 =	vsel vm0, v10, v13  }
0x17a: {  	v12 =	vadd.s32 v7, v9;
	v10 =	vadd.s32 v16, v11;
	v11 =	vmul.u32 $0xB6DC8, v15  }
0x17b: {  	v9 =	vcvt.s32.f32 v5;
	v7 =	vadd.s32 $0x1, v10;
	v10 =	vmul.u32 $0xFFF0BDC0, v14  }
0x17c: {  	v13 =	vcvt.s32.f32 v7  }
0x17d: {  	v12 =	vmul.u32 $0xA20C5, v12  }
0x17e: {  	v8 =	vadd.s32 v11, v8;
	v13 =	vmul.f32 $9.999999970e-07, v13  }
0x17f: {  	v8 =	vadd.s32 v12, v8  }
0x180: {  	v8 =	vadd.s32 $0x2, v8;
	v11 =	vadd.f32 $-5.000000000e-01, v13  }
0x181: {  	v12 =	vcvt.s32.f32 v8  }
0x182: {  	v13 =	vcvt.s32.f32 v4;
	v11 =	vtrunc.f32 v11  }
0x183: {  	v3 =	vadd.s32 v3, v10;
	v9 =	vadd.f32 $5.000000000e-01, v9;
	v10 =	vcvt.f32.s32 v11  }
0x184: {  	v14 =	vadd.s32 $0xFFF0BDC0, v3;
	v12 =	vmul.f32 $9.999999970e-07, v12;
	v13 =	vmul.f32 $9.999999970e-07, v13  }
0x185: {  	vm0 =	vlt.s32 v14, $0x0;
	v10 =	vmul.u32 $0xFFF0BDC0, v10  }
0x186: {  	v9 =	vmul.f32 $1.000000050e-03, v9;
	v12 =	vadd.f32 $-5.000000000e-01, v12;
	v13 =	vadd.f32 $-5.000000000e-01, v13  }
0x187: {  	v3 =	vsel vm0, v3, v14;
	v11 =	vadd.s32 $0xFFF0BDC0, v6;
	v7 =	vadd.s32 v7, v10  }
0x188: {  	v12 =	vtrunc.f32 v12;
	v13 =	vtrunc.f32 v13;
	v14 =	vadd.s32 $0xFFF0BDC0, v7  }
0x189: {  	v10 =	vcvt.s32.f32 v3;
	v12 =	vcvt.f32.s32 v12;
	vm11 =	vlt.s32 v14, $0x0  }
0x18a: {  	vm12 =	vlt.s32 v11, $0x0;
	v13 =	vcvt.f32.s32 v13;
	v7 =	vsel vm11, v7, v14  }
0x18b: {  	v10 =	vadd.f32 $5.000000000e-01, v10;
	v12 =	vmul.u32 $0xFFF0BDC0, v12;
	v14 =	vcvt.s32.f32 v7  }
0x18c: {  	v9 =	vtrunc.f32 v9;
	v6 =	vsel vm12, v6, v11;
	v13 =	vmul.u32 $0xFFF0BDC0, v13  }
0x18d: {  	v10 =	vmul.f32 $1.000000050e-03, v10;
	v8 =	vadd.s32 v8, v12;
	v11 =	vadd.f32 $5.000000000e-01, v14  }
0x18e: {  	v9 =	vcvt.f32.s32 v9;
	v4 =	vadd.s32 v4, v13;
	v12 =	vadd.s32 $0xFFF0BDC0, v8  }
0x18f: {  	[tilespmem:s30+$0x500] =	vst v6;
	v6 =	vadd.s32 $0xFFF0BDC0, v4;
	v10 =	vtrunc.f32 v10;
	v11 =	vmul.f32 $1.000000050e-03, v11  }
0x190: {  	vm13 =	vlt.s32 v12, $0x0;
	vm14 =	vlt.s32 v6, $0x0;
	v10 =	vcvt.f32.s32 v10  }
0x191: {  	v13 =	vld [tilespmem:s26+$0x8D];
	v8 =	vsel vm13, v8, v12;
	v4 =	vsel vm14, v4, v6;
	v6 =	vtrunc.f32 v11  }
0x192: {  	v12 =	vld [tilespmem:s29+$0x8E];
	v14 =	vcvt.s32.f32 v8;
	[tilespmem:s31+$0x500] =	vst v4;
	v11 =	vmul.u32 $0xFFFFFC18, v10;
	v4 =	vcvt.f32.s32 v6  }
0x193: {  	v15 =	vld [tilespmem:s1+$0x8E];
	v6 =	vmul.u32 $0xFFFFFC18, v9;
	v9 =	vmul.u32 $0x562E8, v9  }
0x194: {  	v3 =	vadd.s32 v3, v11;
	v11 =	vadd.f32 $5.000000000e-01, v14;
	v14 =	vmul.u32 $0xFFFFFC18, v4  }
0x195: {  	v5 =	vadd.s32 v5, v6;
	v6 =	vmul.u32 $0xB6DC8, v10;
	v3 =	vmul.u32 $0xA20C5, v3  }
0x196: {  	v4 =	vmul.u32 $0xB6DC8, v4;
	v10 =	vmul.f32 $1.000000050e-03, v11;
	v7 =	vadd.s32 v7, v14  }
0x197: {  	v5 =	vmul.u32 $0x41071, v5;
	v6 =	vadd.s32 v6, v12;
	v7 =	vmul.u32 $0xA20C5, v7  }
0x198: {  	v4 =	vadd.s32 v4, v15;
	v3 =	vadd.s32 v3, v6;
	v6 =	vtrunc.f32 v10  }
0x199: {  	v3 =	vadd.s32 $0x2, v3;
	v6 =	vcvt.f32.s32 v6;
	v4 =	vadd.s32 v7, v4  }
0x19a: {  	v10 =	vld [tilespmem:s28+$0x8D];
	v7 =	vadd.s32 v9, v13;
	v9 =	vcvt.s32.f32 v3;
	v4 =	vadd.s32 $0x2, v4  }
0x19b: {  	v5 =	vadd.s32 v5, v7;
	v7 =	vmul.u32 $0xFFFFFC18, v6;
	v11 =	vcvt.s32.f32 v4  }
0x19c: {  	v6 =	vmul.u32 $0x562E8, v6;
	v9 =	vmul.f32 $9.999999970e-07, v9  }
0x19d: {  	v5 =	vadd.s32 $0x3, v5;
	v7 =	vadd.s32 v8, v7;
	v8 =	vmul.f32 $9.999999970e-07, v11  }
0x19e: {  	v11 =	vcvt.s32.f32 v5;
	v9 =	vadd.f32 $-5.000000000e-01, v9;
	v7 =	vmul.u32 $0x41071, v7  }
0x19f: {  	v6 =	vadd.s32 v6, v10;
	v8 =	vadd.f32 $-5.000000000e-01, v8  }
0x1a0: {  	v10 =	vmul.f32 $9.999999970e-07, v11;
	v9 =	vtrunc.f32 v9;
	v6 =	vadd.s32 v7, v6  }
0x1a1: {  	v7 =	vcvt.f32.s32 v9;
	v6 =	vadd.s32 $0x3, v6;
	v8 =	vtrunc.f32 v8  }
0x1a2: {  	v9 =	vadd.f32 $-5.000000000e-01, v10;
	v10 =	vcvt.s32.f32 v6;
	v8 =	vcvt.f32.s32 v8  }
0x1a3: {  	v7 =	vmul.u32 $0xFFF0BDC0, v7  }
0x1a4: {  	v9 =	vtrunc.f32 v9;
	v10 =	vmul.f32 $9.999999970e-07, v10;
	v8 =	vmul.u32 $0xFFF0BDC0, v8  }
0x1a5: {  	v9 =	vcvt.f32.s32 v9;
	v3 =	vadd.s32 v3, v7  }
0x1a6: {  	v7 =	vadd.s32 $0xFFF0BDC0, v3;
	v10 =	vadd.f32 $-5.000000000e-01, v10;
	v4 =	vadd.s32 v4, v8  }
0x1a7: {  	v8 =	vmul.u32 $0xFFF0BDC0, v9;
	vm15 =	vlt.s32 v7, $0x0;
	v9 =	vadd.s32 $0xFFF0BDC0, v4  }
0x1a8: {  	v3 =	vsel vm15, v3, v7;
	v7 =	vtrunc.f32 v10;
	vm4 =	vlt.s32 v9, $0x0  }
0x1a9: {  	v10 =	vcvt.s32.f32 v3;
	v7 =	vcvt.f32.s32 v7;
	v4 =	vsel vm4, v4, v9  }
0x1aa: {  	v9 =	vcvt.s32.f32 v4  }
0x1ab: {  	v5 =	vadd.s32 v5, v8;
	v8 =	vadd.f32 $5.000000000e-01, v10;
	v7 =	vmul.u32 $0xFFF0BDC0, v7  }
0x1ac: {  	v9 =	vadd.f32 $5.000000000e-01, v9  }
0x1ad: {  	v10 =	vadd.s32 $0xFFF0BDC0, v5;
	v8 =	vmul.f32 $1.000000050e-03, v8;
	v6 =	vadd.s32 v6, v7  }
0x1ae: {  	vm5 =	vlt.s32 v10, $0x0;
	v7 =	vadd.s32 $0xFFF0BDC0, v6;
	v9 =	vmul.f32 $1.000000050e-03, v9  }
0x1af: {  	v5 =	vsel vm5, v5, v10;
	v8 =	vtrunc.f32 v8;
	vm6 =	vlt.s32 v7, $0x0  }
0x1b0: {  	[tilespmem:s26+$0x500] =	vst v5;
	v5 =	vcvt.f32.s32 v8;
	v6 =	vsel vm6, v6, v7;
	v9 =	vtrunc.f32 v9  }
0x1b1: {  	v8 =	vld [tilespmem:s29+$0x8D];
	[tilespmem:s28+$0x500] =	vst v6;
	v7 =	vcvt.f32.s32 v9  }
0x1b2: {  	v6 =	vmul.u32 $0xFFFFFC18, v5;
	v9 =	vld [tilespmem:s1+$0x8D]  }
0x1b3: {  	v10 =	vmul.u32 $0xFFFFFC18, v7  }
0x1b4: {  	v5 =	vmul.u32 $0x562E8, v5;
	v3 =	vadd.s32 v3, v6  }
0x1b5: {  	v6 =	vmul.u32 $0x562E8, v7;
	v3 =	vmul.u32 $0x41071, v3;
	v4 =	vadd.s32 v4, v10  }
0x1b6: {  	v5 =	vadd.s32 v5, v8;
	v4 =	vmul.u32 $0x41071, v4  }
0x1b7: {  	v3 =	vadd.s32 v3, v5;
	v5 =	vadd.s32 v6, v9  }
0x1b8: {  	v3 =	vadd.s32 $0x3, v3;
	v4 =	vadd.s32 v4, v5  }
0x1b9: {  	v5 =	vcvt.s32.f32 v3;
	v4 =	vadd.s32 $0x3, v4  }
0x1ba: {  	v6 =	vcvt.s32.f32 v4  }
0x1bb: {  	v5 =	vmul.f32 $9.999999970e-07, v5  }
0x1bc: {  	v6 =	vmul.f32 $9.999999970e-07, v6  }
0x1bd: {  	v5 =	vadd.f32 $-5.000000000e-01, v5  }
0x1be: {  	v6 =	vadd.f32 $-5.000000000e-01, v6  }
0x1bf: {  	v5 =	vtrunc.f32 v5  }
0x1c0: {  	v5 =	vcvt.f32.s32 v5;
	v6 =	vtrunc.f32 v6  }
0x1c1: {  	v6 =	vcvt.f32.s32 v6  }
0x1c2: {  	v5 =	vmul.u32 $0xFFF0BDC0, v5  }
0x1c3: {  	v6 =	vmul.u32 $0xFFF0BDC0, v6  }
0x1c4: {  	v3 =	vadd.s32 v3, v5  }
0x1c5: {  	v5 =	vadd.s32 $0xFFF0BDC0, v3;
	v4 =	vadd.s32 v4, v6  }
0x1c6: {  	vm7 =	vlt.s32 v5, $0x0;
	v6 =	vadd.s32 $0xFFF0BDC0, v4  }
0x1c7: {  	v3 =	vsel vm7, v3, v5;
	vm8 =	vlt.s32 v6, $0x0  }
0x1c8: {  	[tilespmem:s29+$0x500] =	vst v3;
	v3 =	vsel vm8, v4, v6  }
0x1c9: {  	s30 =	simm.s32 $0x0;
	[tilespmem:s1+$0x500] =	vst v3  }
0x1ca: {  	[tilespmem:s16], [sflag:$0x2] =	stream.indirect.gather [hbm4b:s2+s12], $0x80, s15, s12, $0xb8;
	[tilespmem:$0x18900] =	vst v63  }
0x1cb: {  	v3 =	vld [tilespmem:s30+$0x110];
	_ =	sdelay $0x4  }
0x1cc: {  	v4 =	vcvt.s32.f32 v3;
	_ =	sdelay $0x1  }
0x1cd: {  	v4 =	vadd.f32 $5.000000000e-01, v4;
	_ =	sdelay $0x1  }
0x1ce: {  	v4 =	vmul.f32 $1.000000050e-03, v4;
	_ =	sdelay $0x1  }
0x1cf: {  	v4 =	vtrunc.f32 v4  }
0x1d0: {  	v4 =	vcvt.f32.s32 v4  }
0x1d1: {  	v5 =	vld [tilespmem:s30+$0x10F]  }
0x1d2: {  	v6 =	vmul.u32 $0xFFFFFC18, v4;
	_ =	sdelay $0x1  }
0x1d3: {  	v4 =	vmul.u32 $0x4EDB8, v4;
	v3 =	vadd.s32 v3, v6  }
0x1d4: {  	v3 =	vmul.u32 $0x5D573, v3  }
0x1d5: {  	s31 =	simm.s32 $0x10;
	v4 =	vadd.s32 v4, v5  }
0x1d6: {  	v3 =	vadd.s32 v3, v4;
	v4 =	vld [tilespmem:s31+$0x110]  }
0x1d7: {  	v3 =	vadd.s32 $0x1, v3  }
0x1d8: {  	v5 =	vcvt.s32.f32 v3;
	_ =	sdelay $0x1  }
0x1d9: {  	v5 =	vmul.f32 $9.999999970e-07, v5  }
0x1da: {  	v6 =	vcvt.s32.f32 v4  }
0x1db: {  	v5 =	vadd.f32 $-5.000000000e-01, v5  }
0x1dc: {  	v6 =	vadd.f32 $5.000000000e-01, v6  }
0x1dd: {  	v5 =	vtrunc.f32 v5  }
0x1de: {  	v5 =	vcvt.f32.s32 v5;
	v6 =	vmul.f32 $1.000000050e-03, v6;
	_ =	sdelay $0x1  }
0x1df: {  	v5 =	vmul.u32 $0xFFF0BDC0, v5;
	v6 =	vtrunc.f32 v6  }
0x1e0: {  	v6 =	vcvt.f32.s32 v6  }
0x1e1: {  	v3 =	vadd.s32 v3, v5;
	v5 =	vld [tilespmem:s31+$0x10F]  }
0x1e2: {  	s26 =	simm.s32 $0x20;
	v7 =	vadd.s32 $0xFFF0BDC0, v3;
	v8 =	vmul.u32 $0xFFFFFC18, v6  }
0x1e3: {  	v9 =	vld [tilespmem:s26+$0x110];
	vm9 =	vlt.s32 v7, $0x0  }
0x1e4: {  	v6 =	vmul.u32 $0x4EDB8, v6;
	v3 =	vsel vm9, v3, v7;
	v4 =	vadd.s32 v4, v8  }
0x1e5: {  	v7 =	vcvt.s32.f32 v3;
	v4 =	vmul.u32 $0x5D573, v4  }
0x1e6: {  	v5 =	vadd.s32 v6, v5  }
0x1e7: {  	v6 =	vadd.f32 $5.000000000e-01, v7;
	v4 =	vadd.s32 v4, v5  }
0x1e8: {  	v5 =	vcvt.s32.f32 v9;
	v4 =	vadd.s32 $0x1, v4  }
0x1e9: {  	v6 =	vmul.f32 $1.000000050e-03, v6;
	v7 =	vcvt.s32.f32 v4;
	_ =	sdelay $0x1  }
0x1ea: {  	v5 =	vadd.f32 $5.000000000e-01, v5;
	v6 =	vtrunc.f32 v6;
	v7 =	vmul.f32 $9.999999970e-07, v7  }
0x1eb: {  	v6 =	vcvt.f32.s32 v6  }
0x1ec: {  	v8 =	vld [tilespmem:s30+$0x10E];
	v5 =	vmul.f32 $1.000000050e-03, v5;
	v7 =	vadd.f32 $-5.000000000e-01, v7  }
0x1ed: {  	v10 =	vmul.u32 $0xFFFFFC18, v6  }
0x1ee: {  	v5 =	vtrunc.f32 v5;
	v6 =	vmul.u32 $0xB6DC8, v6;
	v7 =	vtrunc.f32 v7  }
0x1ef: {  	v5 =	vcvt.f32.s32 v5;
	v3 =	vadd.s32 v3, v10;
	v7 =	vcvt.f32.s32 v7  }
0x1f0: {  	v10 =	vld [tilespmem:s26+$0x10F];
	v3 =	vmul.u32 $0xA20C5, v3  }
0x1f1: {  	v6 =	vadd.s32 v6, v8;
	v8 =	vmul.u32 $0xFFFFFC18, v5;
	v7 =	vmul.u32 $0xFFF0BDC0, v7  }
0x1f2: {  	v5 =	vmul.u32 $0x4EDB8, v5;
	v3 =	vadd.s32 v3, v6  }
0x1f3: {  	s28 =	simm.s32 $0x30;
	v6 =	vadd.s32 v9, v8;
	v3 =	vadd.s32 $0x2, v3;
	v4 =	vadd.s32 v4, v7  }
0x1f4: {  	v8 =	vld [tilespmem:s28+$0x110];
	v6 =	vmul.u32 $0x5D573, v6;
	v7 =	vcvt.s32.f32 v3;
	v9 =	vadd.s32 $0xFFF0BDC0, v4  }
0x1f5: {  	v5 =	vadd.s32 v5, v10;
	vm10 =	vlt.s32 v9, $0x0  }
0x1f6: {  	v5 =	vadd.s32 v6, v5;
	v7 =	vmul.f32 $9.999999970e-07, v7;
	v4 =	vsel vm10, v4, v9  }
0x1f7: {  	v5 =	vadd.s32 $0x1, v5;
	v6 =	vcvt.s32.f32 v4  }
0x1f8: {  	v9 =	vcvt.s32.f32 v5;
	v7 =	vadd.f32 $-5.000000000e-01, v7  }
0x1f9: {  	v10 =	vcvt.s32.f32 v8;
	v6 =	vadd.f32 $5.000000000e-01, v6  }
0x1fa: {  	v9 =	vmul.f32 $9.999999970e-07, v9;
	v7 =	vtrunc.f32 v7  }
0x1fb: {  	v10 =	vadd.f32 $5.000000000e-01, v10;
	v7 =	vcvt.f32.s32 v7;
	v6 =	vmul.f32 $1.000000050e-03, v6  }
0x1fc: {  	v9 =	vadd.f32 $-5.000000000e-01, v9  }
0x1fd: {  	v10 =	vmul.f32 $1.000000050e-03, v10;
	v7 =	vmul.u32 $0xFFF0BDC0, v7;
	v6 =	vtrunc.f32 v6  }
0x1fe: {  	v6 =	vcvt.f32.s32 v6  }
0x1ff: {  	v10 =	vtrunc.f32 v10;
	v3 =	vadd.s32 v3, v7;
	v7 =	vtrunc.f32 v9;
	v9 =	vld [tilespmem:s31+$0x10E]  }
0x200: {  	v11 =	vadd.s32 $0xFFF0BDC0, v3;
	v7 =	vcvt.f32.s32 v7;
	v12 =	vmul.u32 $0xFFFFFC18, v6  }
0x201: {  	v10 =	vcvt.f32.s32 v10;
	v6 =	vmul.u32 $0xB6DC8, v6;
	vm11 =	vlt.s32 v11, $0x0  }
0x202: {  	s29 =	simm.s32 $0x40;
	v3 =	vsel vm11, v3, v11;
	v7 =	vmul.u32 $0xFFF0BDC0, v7;
	v4 =	vadd.s32 v4, v12  }
0x203: {  	v13 =	vld [tilespmem:s29+$0x110];
	v12 =	vmul.u32 $0xFFFFFC18, v10;
	v11 =	vcvt.s32.f32 v3;
	v4 =	vmul.u32 $0xA20C5, v4  }
0x204: {  	v10 =	vmul.u32 $0x4EDB8, v10;
	v5 =	vadd.s32 v5, v7;
	v7 =	vld [tilespmem:s28+$0x10F];
	v6 =	vadd.s32 v6, v9  }
0x205: {  	v9 =	vadd.f32 $5.000000000e-01, v11;
	v11 =	vadd.s32 $0xFFF0BDC0, v5;
	v4 =	vadd.s32 v4, v6  }
0x206: {  	v8 =	vadd.s32 v8, v12;
	vm12 =	vlt.s32 v11, $0x0;
	v4 =	vadd.s32 $0x2, v4  }
0x207: {  	v6 =	vmul.f32 $1.000000050e-03, v9;
	v5 =	vsel vm12, v5, v11;
	v9 =	vcvt.s32.f32 v4  }
0x208: {  	v12 =	vcvt.s32.f32 v13;
	v8 =	vmul.u32 $0x5D573, v8;
	v11 =	vcvt.s32.f32 v5  }
0x209: {  	v6 =	vtrunc.f32 v6;
	v7 =	vadd.s32 v10, v7;
	v9 =	vmul.f32 $9.999999970e-07, v9  }
0x20a: {  	v10 =	vadd.f32 $5.000000000e-01, v12;
	v6 =	vcvt.f32.s32 v6;
	v7 =	vadd.s32 v8, v7  }
0x20b: {  	v8 =	vadd.f32 $5.000000000e-01, v11;
	v11 =	vld [tilespmem:s30+$0x10D];
	v7 =	vadd.s32 $0x1, v7  }
0x20c: {  	v9 =	vadd.f32 $-5.000000000e-01, v9;
	v10 =	vmul.f32 $1.000000050e-03, v10;
	v12 =	vmul.u32 $0xFFFFFC18, v6  }
0x20d: {  	v8 =	vmul.f32 $1.000000050e-03, v8;
	v6 =	vmul.u32 $0x562E8, v6;
	v14 =	vcvt.s32.f32 v7  }
0x20e: {  	v9 =	vtrunc.f32 v9;
	v10 =	vtrunc.f32 v10;
	v3 =	vadd.s32 v3, v12  }
0x20f: {  	v9 =	vcvt.f32.s32 v9;
	v10 =	vcvt.f32.s32 v10;
	v3 =	vmul.u32 $0x41071, v3  }
0x210: {  	v8 =	vtrunc.f32 v8;
	v6 =	vadd.s32 v6, v11;
	v11 =	vmul.f32 $9.999999970e-07, v14  }
0x211: {  	v12 =	vld [tilespmem:s29+$0x10F];
	v8 =	vcvt.f32.s32 v8;
	v9 =	vmul.u32 $0xFFF0BDC0, v9;
	v3 =	vadd.s32 v3, v6  }
0x212: {  	v6 =	vmul.u32 $0xFFFFFC18, v10;
	v11 =	vadd.f32 $-5.000000000e-01, v11;
	v10 =	vmul.u32 $0x4EDB8, v10  }
0x213: {  	v14 =	vmul.u32 $0xFFFFFC18, v8;
	v4 =	vadd.s32 v4, v9;
	v9 =	vadd.s32 $0x3, v3;
	v3 =	vld [tilespmem:s26+$0x10E]  }
0x214: {  	v8 =	vmul.u32 $0xB6DC8, v8;
	v15 =	vadd.s32 $0xFFF0BDC0, v4;
	v11 =	vtrunc.f32 v11  }
0x215: {  	v6 =	vadd.s32 v13, v6;
	vm13 =	vlt.s32 v15, $0x0;
	v11 =	vcvt.f32.s32 v11  }
0x216: {  	v5 =	vadd.s32 v5, v14;
	v10 =	vadd.s32 v10, v12;
	v4 =	vsel vm13, v4, v15  }
0x217: {  	s1 =	simm.s32 $0x50;
	v6 =	vmul.u32 $0x5D573, v6;
	v11 =	vmul.u32 $0xFFF0BDC0, v11;
	v13 =	vcvt.s32.f32 v4  }
0x218: {  	v12 =	vcvt.s32.f32 v9;
	v5 =	vmul.u32 $0xA20C5, v5;
	v3 =	vadd.s32 v8, v3;
	v8 =	vld [tilespmem:s1+$0x110]  }
0x219: {  	v6 =	vadd.s32 v6, v10;
	v7 =	vadd.s32 v7, v11;
	v11 =	vadd.f32 $5.000000000e-01, v13  }
0x21a: {  	v3 =	vadd.s32 v5, v3;
	v5 =	vmul.f32 $9.999999970e-07, v12;
	v13 =	vadd.s32 $0xFFF0BDC0, v7  }
0x21b: {  	v12 =	vadd.s32 $0x2, v3;
	vm14 =	vlt.s32 v13, $0x0;
	v3 =	vmul.f32 $1.000000050e-03, v11  }
0x21c: {  	v10 =	vcvt.s32.f32 v12;
	v5 =	vadd.f32 $-5.000000000e-01, v5;
	v7 =	vsel vm14, v7, v13  }
0x21d: {  	v13 =	vtrunc.f32 v3;
	v3 =	vadd.s32 $0x1, v6;
	v6 =	vcvt.s32.f32 v8  }
0x21e: {  	v11 =	vcvt.s32.f32 v7;
	v10 =	vmul.f32 $9.999999970e-07, v10  }
0x21f: {  	v5 =	vtrunc.f32 v5;
	v13 =	vcvt.f32.s32 v13;
	v6 =	vadd.f32 $5.000000000e-01, v6  }
0x220: {  	v14 =	vld [tilespmem:s31+$0x10D];
	v5 =	vcvt.f32.s32 v5;
	v16 =	vcvt.s32.f32 v3  }
0x221: {  	v10 =	vadd.f32 $-5.000000000e-01, v10;
	v15 =	vmul.u32 $0xFFFFFC18, v13;
	v6 =	vmul.f32 $1.000000050e-03, v6  }
0x222: {  	v11 =	vadd.f32 $5.000000000e-01, v11;
	v13 =	vmul.u32 $0x562E8, v13;
	v5 =	vmul.u32 $0xFFF0BDC0, v5  }
0x223: {  	v10 =	vtrunc.f32 v10;
	v4 =	vadd.s32 v4, v15;
	v6 =	vtrunc.f32 v6  }
0x224: {  	v10 =	vcvt.f32.s32 v10;
	v4 =	vmul.u32 $0x41071, v4;
	v15 =	vcvt.f32.s32 v6  }
0x225: {  	v11 =	vmul.f32 $1.000000050e-03, v11;
	v13 =	vadd.s32 v13, v14;
	v6 =	vadd.s32 v9, v5;
	v5 =	vld [tilespmem:s1+$0x10F]  }
0x226: {  	v10 =	vmul.u32 $0xFFF0BDC0, v10;
	v4 =	vadd.s32 v4, v13;
	v13 =	vmul.u32 $0xFFFFFC18, v15  }
0x227: {  	v11 =	vtrunc.f32 v11;
	v9 =	vmul.f32 $9.999999970e-07, v16  }
0x228: {  	v14 =	vmul.u32 $0x4EDB8, v15;
	v10 =	vadd.s32 v12, v10;
	v8 =	vadd.s32 v8, v13  }
0x229: {  	v11 =	vcvt.f32.s32 v11;
	v13 =	vadd.s32 $0xFFF0BDC0, v10;
	v8 =	vmul.u32 $0x5D573, v8  }
0x22a: {  	v9 =	vadd.f32 $-5.000000000e-01, v9;
	vm15 =	vlt.s32 v13, $0x0;
	v14 =	vadd.s32 v14, v5  }
0x22b: {  	v5 =	vsel vm15, v10, v13;
	v10 =	vadd.s32 v8, v14;
	v8 =	vld [tilespmem:s28+$0x10E]  }
0x22c: {  	v12 =	vmul.u32 $0xFFFFFC18, v11;
	v9 =	vtrunc.f32 v9  }
0x22d: {  	v9 =	vcvt.f32.s32 v9  }
0x22e: {  	v4 =	vadd.s32 $0x3, v4;
	v11 =	vmul.u32 $0xB6DC8, v11;
	v12 =	vadd.s32 v7, v12  }
0x22f: {  	s0 =	simm.s32 $0x180;
	v7 =	vadd.s32 $0x1, v10;
	v10 =	vmul.u32 $0xFFF0BDC0, v9;
	v9 =	vcvt.s32.f32 v5  }
.LBB2_6:
0x230: {  	s10 =	sshra.s32 s0, $0x2;
	p0 =	sne.s32 s0, $0x1C0;
	s0 =	sadd.s32 $0x40, s0;
	v12 =	vmul.u32 $0xA20C5, v12;
	v8 =	vadd.s32 v11, v8;
	v11 =	vcvt.s32.f32 v4  }
0x231: {  	v14 =	vadd.s32 $0xFFF0BDC0, v6;
	v13 =	vld [tilespmem:s10+$0x110];
	v10 =	vadd.s32 v3, v10;
	v9 =	vadd.f32 $5.000000000e-01, v9;
	v3 =	vmovc v7  }
0x232: {  	v7 =	vadd.s32 $0xFFF0BDC0, v10;
	v8 =	vadd.s32 v12, v8;
	v11 =	vmul.f32 $9.999999970e-07, v11  }
0x233: {  	vm0 =	vlt.s32 v7, $0x0;
	v8 =	vadd.s32 $0x2, v8;
	v9 =	vmul.f32 $1.000000050e-03, v9  }
0x234: {  	v7 =	vsel vm0, v10, v7;
	v10 =	vcvt.s32.f32 v8;
	v11 =	vadd.f32 $-5.000000000e-01, v11  }
0x235: {  	vm0 =	vlt.s32 v14, $0x0;
	v12 =	vcvt.s32.f32 v7;
	v9 =	vtrunc.f32 v9  }
0x236: {  	v6 =	vsel vm0, v6, v14;
	v15 =	vcvt.s32.f32 v13;
	v10 =	vmul.f32 $9.999999970e-07, v10  }
0x237: {  	v9 =	vcvt.f32.s32 v9;
	v11 =	vtrunc.f32 v11;
	v12 =	vadd.f32 $5.000000000e-01, v12;
	[tilespmem:s30+$0x580] =	vst v6;
	s30 =	smov.u32 s31;
	s31 =	smov.u32 s26;
	s26 =	smov.u32 s28  }
0x238: {  	v11 =	vcvt.f32.s32 v11;
	s28 =	smov.u32 s29;
	s29 =	smov.u32 s1;
	s1 =	smov.u32 s10;
	v6 =	vadd.f32 $5.000000000e-01, v15;
	v10 =	vadd.f32 $-5.000000000e-01, v10;
	v14 =	vld [tilespmem:s31+$0x10D]  }
0x239: {  	v15 =	vmul.u32 $0xFFFFFC18, v9;
	v9 =	vmul.u32 $0x562E8, v9;
	v12 =	vmul.f32 $1.000000050e-03, v12  }
0x23a: {  	v11 =	vmul.u32 $0xFFF0BDC0, v11;
	v6 =	vmul.f32 $1.000000050e-03, v6;
	v10 =	vtrunc.f32 v10  }
0x23b: {  	v16 =	vcvt.s32.f32 v3;
	v5 =	vadd.s32 v5, v15;
	v12 =	vtrunc.f32 v12  }
0x23c: {  	v10 =	vcvt.f32.s32 v10;
	v5 =	vmul.u32 $0x41071, v5;
	v6 =	vtrunc.f32 v6  }
0x23d: {  	v15 =	vcvt.f32.s32 v6;
	v9 =	vadd.s32 v9, v14;
	v6 =	vadd.s32 v4, v11  }
0x23e: {  	v4 =	vmul.f32 $9.999999970e-07, v16;
	v10 =	vmul.u32 $0xFFF0BDC0, v10;
	v11 =	vld [tilespmem:s1+$0x10F];
	v5 =	vadd.s32 v5, v9  }
0x23f: {  	v9 =	vmul.u32 $0xFFFFFC18, v15;
	v14 =	vmul.u32 $0x4EDB8, v15;
	v15 =	vcvt.f32.s32 v12  }
0x240: {  	v12 =	vadd.f32 $-5.000000000e-01, v4;
	v10 =	vadd.s32 v8, v10;
	v4 =	vadd.s32 $0x3, v5  }
.Ltmp4:
0x241: {  	v5 =	vadd.s32 v13, v9;
	v8 =	vld [tilespmem:s28+$0x10E];
	v9 =	vmul.u32 $0xFFFFFC18, v15;
	v13 =	vadd.s32 $0xFFF0BDC0, v10;
	(pc) =	sbr.rel @p0 .LBB2_6-.Ltmp4, $4  }
0x242: {  	v16 =	vmul.u32 $0x5D573, v5;
	v5 =	vtrunc.f32 v12;
	vm0 =	vlt.s32 v13, $0x0  }
0x243: {  	v11 =	vadd.s32 v14, v11;
	v14 =	vcvt.f32.s32 v5;
	v5 =	vsel vm0, v10, v13  }
0x244: {  	v12 =	vadd.s32 v7, v9;
	v10 =	vadd.s32 v16, v11;
	v11 =	vmul.u32 $0xB6DC8, v15  }
0x245: {  	v9 =	vcvt.s32.f32 v5;
	v7 =	vadd.s32 $0x1, v10;
	v10 =	vmul.u32 $0xFFF0BDC0, v14  }
0x246: {  	v13 =	vcvt.s32.f32 v7;
	_ =	sdelay $0x1  }
0x247: {  	v13 =	vmul.f32 $9.999999970e-07, v13  }
0x248: {  	v12 =	vmul.u32 $0xA20C5, v12  }
0x249: {  	v8 =	vadd.s32 v11, v8;
	v13 =	vadd.f32 $-5.000000000e-01, v13  }
0x24a: {  	v16 =	vcvt.s32.f32 v4;
	v3 =	vadd.s32 v3, v10;
	v8 =	vadd.s32 v12, v8  }
0x24b: {  	v18 =	vadd.s32 $0xFFF0BDC0, v3;
	v8 =	vadd.s32 $0x2, v8;
	v62 =	vtrunc.f32 v13  }
0x24c: {  	vm0 =	vlt.s32 v18, $0x0;
	v63 =	vcvt.s32.f32 v8;
	v11 =	vcvt.f32.s32 v62  }
0x24d: {  	v3 =	vsel vm0, v3, v18  }
0x24e: {  	v12 =	vmul.f32 $9.999999970e-07, v63;
	v13 =	vmul.f32 $9.999999970e-07, v16;
	v17 =	vmul.u32 $0xFFF0BDC0, v11  }
0x24f: {  	v24 =	vadd.s32 $0xFFF0BDC0, v6;
	v9 =	vadd.f32 $5.000000000e-01, v9;
	v23 =	vcvt.s32.f32 v3  }
0x250: {  	v20 =	vadd.f32 $-5.000000000e-01, v12;
	v22 =	vadd.f32 $-5.000000000e-01, v13;
	v19 =	vadd.s32 v7, v17  }
0x251: {  	v9 =	vmul.f32 $1.000000050e-03, v9;
	v13 =	vadd.f32 $5.000000000e-01, v23;
	v21 =	vadd.s32 $0xFFF0BDC0, v19  }
0x252: {  	v10 =	vtrunc.f32 v20;
	v11 =	vtrunc.f32 v22;
	vm6 =	vlt.s32 v21, $0x0  }
0x253: {  	v10 =	vcvt.f32.s32 v10;
	v11 =	vcvt.f32.s32 v11;
	v7 =	vsel vm6, v19, v21  }
0x254: {  	vm7 =	vlt.s32 v24, $0x0;
	v9 =	vtrunc.f32 v9;
	v25 =	vcvt.s32.f32 v7  }
0x255: {  	v13 =	vmul.f32 $1.000000050e-03, v13;
	v10 =	vmul.u32 $0xFFF0BDC0, v10;
	v11 =	vmul.u32 $0xFFF0BDC0, v11  }
0x256: {  	v6 =	vsel vm7, v6, v24;
	v9 =	vcvt.f32.s32 v9;
	v26 =	vadd.f32 $5.000000000e-01, v25  }
0x257: {  	v27 =	vtrunc.f32 v13;
	v8 =	vadd.s32 v8, v10;
	v28 =	vadd.s32 v4, v11  }
0x258: {  	v29 =	vadd.s32 $0xFFF0BDC0, v8;
	v30 =	vadd.s32 $0xFFF0BDC0, v28;
	v10 =	vmul.f32 $1.000000050e-03, v26  }
0x259: {  	[tilespmem:s30+$0x580] =	vst v6;
	v12 =	vcvt.f32.s32 v27;
	vm8 =	vlt.s32 v29, $0x0;
	vm9 =	vlt.s32 v30, $0x0  }
0x25a: {  	v31 =	vld [tilespmem:s26+$0x10D];
	v8 =	vsel vm8, v8, v29;
	v4 =	vsel vm9, v28, v30;
	v10 =	vtrunc.f32 v10  }
0x25b: {  	v33 =	vld [tilespmem:s29+$0x10E];
	v14 =	vmul.u32 $0xFFFFFC18, v12;
	[tilespmem:s31+$0x580] =	vst v4;
	v34 =	vcvt.s32.f32 v8;
	v10 =	vcvt.f32.s32 v10  }
0x25c: {  	v32 =	vmul.u32 $0xFFFFFC18, v9;
	v9 =	vmul.u32 $0x562E8, v9;
	v35 =	vld [tilespmem:s1+$0x10E]  }
0x25d: {  	v3 =	vadd.s32 v3, v14;
	v4 =	vadd.f32 $5.000000000e-01, v34;
	v36 =	vmul.u32 $0xFFFFFC18, v10  }
0x25e: {  	v5 =	vadd.s32 v5, v32;
	v12 =	vmul.u32 $0xB6DC8, v12;
	v3 =	vmul.u32 $0xA20C5, v3  }
0x25f: {  	v4 =	vmul.f32 $1.000000050e-03, v4;
	v10 =	vmul.u32 $0xB6DC8, v10;
	v7 =	vadd.s32 v7, v36  }
0x260: {  	v5 =	vmul.u32 $0x41071, v5;
	v6 =	vadd.s32 v12, v33;
	v7 =	vmul.u32 $0xA20C5, v7  }
0x261: {  	v3 =	vadd.s32 v3, v6;
	v4 =	vtrunc.f32 v4;
	v37 =	vadd.s32 v10, v35  }
0x262: {  	v3 =	vadd.s32 $0x2, v3;
	v4 =	vcvt.f32.s32 v4;
	v6 =	vadd.s32 v7, v37  }
0x263: {  	v38 =	vadd.s32 v9, v31;
	v40 =	vld [tilespmem:s28+$0x10D];
	v39 =	vcvt.s32.f32 v3;
	v6 =	vadd.s32 $0x2, v6  }
0x264: {  	v5 =	vadd.s32 v5, v38;
	v41 =	vmul.u32 $0xFFFFFC18, v4;
	v42 =	vcvt.s32.f32 v6  }
0x265: {  	v5 =	vadd.s32 $0x3, v5;
	v9 =	vmul.f32 $9.999999970e-07, v39  }
0x266: {  	v4 =	vmul.u32 $0x562E8, v4;
	v7 =	vadd.s32 v8, v41;
	v43 =	vmul.f32 $9.999999970e-07, v42  }
0x267: {  	v44 =	vcvt.s32.f32 v5;
	v9 =	vadd.f32 $-5.000000000e-01, v9;
	v7 =	vmul.u32 $0x41071, v7  }
0x268: {  	v4 =	vadd.s32 v4, v40;
	v8 =	vadd.f32 $-5.000000000e-01, v43  }
0x269: {  	v45 =	vmul.f32 $9.999999970e-07, v44;
	v9 =	vtrunc.f32 v9;
	v4 =	vadd.s32 v7, v4  }
0x26a: {  	v46 =	vcvt.f32.s32 v9;
	v4 =	vadd.s32 $0x3, v4;
	v8 =	vtrunc.f32 v8  }
0x26b: {  	v48 =	vcvt.s32.f32 v4;
	v8 =	vcvt.f32.s32 v8  }
0x26c: {  	v47 =	vadd.f32 $-5.000000000e-01, v45;
	v7 =	vmul.u32 $0xFFF0BDC0, v46  }
0x26d: {  	v10 =	vmul.f32 $9.999999970e-07, v48;
	v8 =	vmul.u32 $0xFFF0BDC0, v8  }
0x26e: {  	v9 =	vtrunc.f32 v47;
	v3 =	vadd.s32 v3, v7  }
0x26f: {  	v7 =	vadd.s32 $0xFFF0BDC0, v3;
	v10 =	vadd.f32 $-5.000000000e-01, v10;
	v6 =	vadd.s32 v6, v8  }
0x270: {  	v9 =	vcvt.f32.s32 v9;
	vm10 =	vlt.s32 v7, $0x0;
	v50 =	vadd.s32 $0xFFF0BDC0, v6  }
0x271: {  	v3 =	vsel vm10, v3, v7;
	v51 =	vtrunc.f32 v10;
	vm11 =	vlt.s32 v50, $0x0  }
0x272: {  	v52 =	vcvt.s32.f32 v3;
	v7 =	vcvt.f32.s32 v51;
	v6 =	vsel vm11, v6, v50  }
0x273: {  	v49 =	vmul.u32 $0xFFF0BDC0, v9;
	v9 =	vcvt.s32.f32 v6  }
0x274: {  	v53 =	vadd.f32 $5.000000000e-01, v52;
	v7 =	vmul.u32 $0xFFF0BDC0, v7  }
0x275: {  	v5 =	vadd.s32 v5, v49;
	v9 =	vadd.f32 $5.000000000e-01, v9  }
0x276: {  	v54 =	vadd.s32 $0xFFF0BDC0, v5;
	v8 =	vmul.f32 $1.000000050e-03, v53;
	v4 =	vadd.s32 v4, v7  }
0x277: {  	vm12 =	vlt.s32 v54, $0x0;
	v7 =	vadd.s32 $0xFFF0BDC0, v4;
	v9 =	vmul.f32 $1.000000050e-03, v9  }
0x278: {  	v5 =	vsel vm12, v5, v54;
	v8 =	vtrunc.f32 v8;
	vm13 =	vlt.s32 v7, $0x0  }
0x279: {  	[tilespmem:s26+$0x580] =	vst v5;
	v55 =	vcvt.f32.s32 v8;
	v4 =	vsel vm13, v4, v7;
	v9 =	vtrunc.f32 v9  }
0x27a: {  	v56 =	vld [tilespmem:s29+$0x10D];
	[tilespmem:s28+$0x580] =	vst v4;
	v57 =	vcvt.f32.s32 v9  }
0x27b: {  	v58 =	vmul.u32 $0xFFFFFC18, v55;
	v59 =	vld [tilespmem:s1+$0x10D]  }
0x27c: {  	v60 =	vmul.u32 $0xFFFFFC18, v57  }
0x27d: {  	(v2sf) =	vpush v2, $0x0;
	v5 =	vmul.u32 $0x562E8, v55;
	v3 =	vadd.s32 v3, v58  }
0x27e: {  	v3 =	vmul.u32 $0x41071, v3;
	v61 =	vmul.u32 $0x562E8, v57;
	v6 =	vadd.s32 v6, v60  }
0x27f: {  	v5 =	vadd.s32 v5, v56;
	v6 =	vmul.u32 $0x41071, v6  }
0x280: {  	v3 =	vadd.s32 v3, v5;
	v4 =	vadd.s32 v61, v59  }
0x281: {  	v3 =	vadd.s32 $0x3, v3;
	v4 =	vadd.s32 v6, v4  }
0x282: {  	v62 =	vcvt.s32.f32 v3;
	v4 =	vadd.s32 $0x3, v4  }
0x283: {  	v63 =	vcvt.s32.f32 v4  }
0x284: {  	v5 =	vmul.f32 $9.999999970e-07, v62  }
0x285: {  	v6 =	vmul.f32 $9.999999970e-07, v63  }
0x286: {  	v5 =	vadd.f32 $-5.000000000e-01, v5  }
0x287: {  	v6 =	vadd.f32 $-5.000000000e-01, v6  }
0x288: {  	v5 =	vtrunc.f32 v5  }
0x289: {  	v5 =	vcvt.f32.s32 v5;
	v6 =	vtrunc.f32 v6  }
0x28a: {  	v6 =	vcvt.f32.s32 v6  }
0x28b: {  	v5 =	vmul.u32 $0xFFF0BDC0, v5  }
0x28c: {  	v6 =	vmul.u32 $0xFFF0BDC0, v6  }
0x28d: {  	s0 =	spop (v2sf);
	v3 =	vadd.s32 v3, v5  }
0x28e: {  	p0 =	slt.f32 s0, $1.000000000e+00;
	p1 =	sgt.f32 s0, $1.000000000e+00;
	v5 =	vadd.s32 $0xFFF0BDC0, v3;
	v4 =	vadd.s32 v4, v6  }
.Ltmp5:
0x28f: {  	vm14 =	vlt.s32 v5, $0x0;
	v6 =	vadd.s32 $0xFFF0BDC0, v4;
	(pc) =	sbr.rel .LBB2_8-.Ltmp5, $4  }
0x290: {  	p0 =	por p1, p0;
	v3 =	vsel vm14, v3, v5;
	vm15 =	vlt.s32 v6, $0x0  }
0x291: {  	p0 =	por !p0, !p0;
	[tilespmem:s29+$0x580] =	vst v3;
	v3 =	vsel vm15, v4, v6  }
0x292: {  	s26 =	simm.s32 $0x0;
	s28 =	simm.s32 $0x600;
	s29 =	simm.s32 $0x18D;
	[tilespmem:s1+$0x580] =	vst v3  }
0x293: {  	[tilespmem:s18], [sflag:$0x3] =	stream.indirect.gather [hbm4b:s2+s12], $0x80, s17, s12, $0xb8;
	[tilespmem:$0x18900] =	vst v63  }
.LBB2_16:
0x294: {  	s10 =	sshll.u32 s26, $0xB;
	s26 =	sadd.s32 $0x1, s26  }
0x295: {  	p1 =	sne.s32 s26, $0x8  }
.Ltmp6:
0x296: {  	_ = 	snop;
	(pc) =	sbr.rel @!p1 .LBB2_17-.Ltmp6, $4  }
0x297: {  	_ = 	snop  }
0x298: {  	s1 =	sor.u32 $0x900, s1;
	s0 =	sadd.s32 $0x7, s0  }
0x299: {  	s28 =	sadd.s32 $0x80, s28;
	s29 =	sadd.s32 $0x80, s29;
	s10 =	sadd.s32 s10, s7  }
0x29a: {  	[hbm4b:s10+s3] =	stream.linear.scatter [tilespmem:s1], [sflag:s0], $0x4000, $0x38;
	[tilespmem:$0x18900] =	vst v63  }
.LBB2_8:
0x29b: {  	p1 =	sgt.u32 s26, $0x4  }
.Ltmp7:
0x29c: {  	_ = 	snop;
	(pc) =	sbr.rel @p1 .LBB2_12-.Ltmp7, $1  }
0x29d: {  	_ =	sdelay $0x3  }
0x29e: {  	s1 =	sadd.s32 $0xFFFFFFFD, s26;
	p1 =	slt.u32 s26, $0x3;
	v4 =	vmov s29  }
0x29f: {  	s0 =	sadd.s32 @!p1 $0x7, s1  }
0x2a0: {  	_ =	swait.ge @!p1 [sflag:s0], $0x4000  }
0x2a1: {  	s30 =	sadd.s32 $0x3, s26;
	s31 =	simm.s32 $0x0;
	[sflag:s0] =	ssyncset.done @!p1 $0x0  }
0x2a2: {  	v3 =	vmov s28;
	s1 =	smov.u32 @p1 s30;
	[sflag:s0] =	ssyncadd.s32 @!p1 $0xFFFFC000;
	s0 =	simm.s32 $0x40  }
.LBB2_10:
0x2a3: {  	p1 =	sne.s32 s0, $0x1C0;
	v5 =	vld.idx.msk [tilespmem:v4+s31+$0x3 ss:$0x1], $0xffff;
	_ =	sdelay $0x5  }
0x2a4: {  	v6 =	vcvt.s32.f32 v5;
	_ =	sdelay $0x1  }
0x2a5: {  	v6 =	vadd.f32 $5.000000000e-01, v6;
	_ =	sdelay $0x1  }
0x2a6: {  	v6 =	vmul.f32 $1.000000050e-03, v6;
	_ =	sdelay $0x1  }
0x2a7: {  	v6 =	vtrunc.f32 v6  }
0x2a8: {  	v6 =	vcvt.f32.s32 v6;
	v7 =	vld.idx.msk [tilespmem:v4+s31+$0x2 ss:$0x1], $0xffff;
	_ =	sdelay $0x1  }
0x2a9: {  	v8 =	vmul.u32 $0xFFFFFC18, v6;
	_ =	sdelay $0x1  }
0x2aa: {  	v6 =	vmul.u32 $0x4EDB8, v6;
	v5 =	vadd.s32 v5, v8  }
0x2ab: {  	v5 =	vmul.u32 $0x5D573, v5  }
0x2ac: {  	v6 =	vadd.s32 v6, v7  }
0x2ad: {  	v5 =	vadd.s32 v5, v6  }
0x2ae: {  	v5 =	vadd.s32 $0x1, v5  }
0x2af: {  	v6 =	vcvt.s32.f32 v5;
	_ =	sdelay $0x1  }
0x2b0: {  	v6 =	vmul.f32 $9.999999970e-07, v6;
	_ =	sdelay $0x1  }
0x2b1: {  	v6 =	vadd.f32 $-5.000000000e-01, v6;
	_ =	sdelay $0x1  }
0x2b2: {  	v6 =	vtrunc.f32 v6  }
0x2b3: {  	v6 =	vcvt.f32.s32 v6;
	_ =	sdelay $0x1  }
0x2b4: {  	v6 =	vmul.u32 $0xFFF0BDC0, v6;
	_ =	sdelay $0x1  }
0x2b5: {  	v5 =	vadd.s32 v5, v6  }
0x2b6: {  	v6 =	vadd.s32 $0xFFF0BDC0, v5  }
0x2b7: {  	vm0 =	vlt.s32 v6, $0x0  }
0x2b8: {  	v5 =	vsel vm0, v5, v6  }
0x2b9: {  	v6 =	vcvt.s32.f32 v5;
	_ =	sdelay $0x1  }
0x2ba: {  	v6 =	vadd.f32 $5.000000000e-01, v6;
	_ =	sdelay $0x1  }
0x2bb: {  	v6 =	vmul.f32 $1.000000050e-03, v6;
	_ =	sdelay $0x1  }
0x2bc: {  	v6 =	vtrunc.f32 v6  }
0x2bd: {  	v6 =	vcvt.f32.s32 v6;
	v7 =	vld.idx.msk [tilespmem:v4+s31+$0x1 ss:$0x1], $0xffff;
	_ =	sdelay $0x1  }
0x2be: {  	v8 =	vmul.u32 $0xFFFFFC18, v6;
	_ =	sdelay $0x1  }
0x2bf: {  	v6 =	vmul.u32 $0xB6DC8, v6;
	v5 =	vadd.s32 v5, v8  }
0x2c0: {  	v5 =	vmul.u32 $0xA20C5, v5  }
0x2c1: {  	v6 =	vadd.s32 v6, v7  }
0x2c2: {  	v5 =	vadd.s32 v5, v6  }
0x2c3: {  	v5 =	vadd.s32 $0x2, v5  }
0x2c4: {  	v6 =	vcvt.s32.f32 v5;
	_ =	sdelay $0x1  }
0x2c5: {  	v6 =	vmul.f32 $9.999999970e-07, v6;
	_ =	sdelay $0x1  }
0x2c6: {  	v6 =	vadd.f32 $-5.000000000e-01, v6;
	_ =	sdelay $0x1  }
0x2c7: {  	v6 =	vtrunc.f32 v6  }
0x2c8: {  	v6 =	vcvt.f32.s32 v6;
	_ =	sdelay $0x1  }
0x2c9: {  	v6 =	vmul.u32 $0xFFF0BDC0, v6;
	_ =	sdelay $0x1  }
0x2ca: {  	v5 =	vadd.s32 v5, v6  }
0x2cb: {  	v6 =	vadd.s32 $0xFFF0BDC0, v5  }
0x2cc: {  	vm0 =	vlt.s32 v6, $0x0  }
0x2cd: {  	v5 =	vsel vm0, v5, v6  }
0x2ce: {  	v6 =	vcvt.s32.f32 v5;
	_ =	sdelay $0x1  }
0x2cf: {  	v6 =	vadd.f32 $5.000000000e-01, v6;
	_ =	sdelay $0x1  }
0x2d0: {  	v6 =	vmul.f32 $1.000000050e-03, v6;
	_ =	sdelay $0x1  }
0x2d1: {  	v6 =	vtrunc.f32 v6  }
0x2d2: {  	v6 =	vcvt.f32.s32 v6;
	v7 =	vld.idx.msk [tilespmem:v4+s31+$0x0 ss:$0x1], $0xffff;
	_ =	sdelay $0x1  }
0x2d3: {  	v8 =	vmul.u32 $0xFFFFFC18, v6;
	_ =	sdelay $0x1  }
0x2d4: {  	v6 =	vmul.u32 $0x562E8, v6;
	v5 =	vadd.s32 v5, v8  }
0x2d5: {  	v5 =	vmul.u32 $0x41071, v5  }
0x2d6: {  	v6 =	vadd.s32 v6, v7  }
0x2d7: {  	v5 =	vadd.s32 v5, v6  }
0x2d8: {  	v5 =	vadd.s32 $0x3, v5  }
0x2d9: {  	v6 =	vcvt.s32.f32 v5;
	_ =	sdelay $0x1  }
0x2da: {  	v6 =	vmul.f32 $9.999999970e-07, v6;
	_ =	sdelay $0x1  }
0x2db: {  	v6 =	vadd.f32 $-5.000000000e-01, v6;
	_ =	sdelay $0x1  }
0x2dc: {  	v6 =	vtrunc.f32 v6  }
0x2dd: {  	v6 =	vcvt.f32.s32 v6;
	_ =	sdelay $0x1  }
0x2de: {  	v6 =	vmul.u32 $0xFFF0BDC0, v6;
	_ =	sdelay $0x1  }
.Ltmp8:
0x2df: {  	v5 =	vadd.s32 v5, v6;
	(pc) =	sbr.rel @p1 .LBB2_10-.Ltmp8, $4  }
0x2e0: {  	v6 =	vadd.s32 $0xFFF0BDC0, v5  }
0x2e1: {  	vm0 =	vlt.s32 v6, $0x0  }
0x2e2: {  	v5 =	vsel vm0, v5, v6  }
0x2e3: {  	[tilespmem:v3+s31+$0x0 ss:$0x1] =	vst.idx.msk $0xffff, v5;
	s31 =	sshra.s32 s0, $0x2;
	s0 =	sadd.s32 $0x40, s0  }
0x2e4: {  	_ =	sdelay $0x3  }
0x2e5: {  	v5 =	vld.idx.msk [tilespmem:v4+s31+$0x3 ss:$0x1], $0xffff;
	_ =	sdelay $0x4  }
0x2e6: {  	v6 =	vcvt.s32.f32 v5;
	_ =	sdelay $0x1  }
0x2e7: {  	v6 =	vadd.f32 $5.000000000e-01, v6;
	_ =	sdelay $0x1  }
0x2e8: {  	v6 =	vmul.f32 $1.000000050e-03, v6;
	_ =	sdelay $0x1  }
0x2e9: {  	v6 =	vtrunc.f32 v6  }
0x2ea: {  	v6 =	vcvt.f32.s32 v6  }
0x2eb: {  	v7 =	vld.idx.msk [tilespmem:v4+s31+$0x2 ss:$0x1], $0xffff  }
0x2ec: {  	v8 =	vmul.u32 $0xFFFFFC18, v6;
	_ =	sdelay $0x1  }
0x2ed: {  	v6 =	vmul.u32 $0x4EDB8, v6;
	v5 =	vadd.s32 v5, v8  }
0x2ee: {  	v5 =	vmul.u32 $0x5D573, v5  }
0x2ef: {  	v6 =	vadd.s32 v6, v7  }
0x2f0: {  	v5 =	vadd.s32 v5, v6  }
0x2f1: {  	v5 =	vadd.s32 $0x1, v5  }
0x2f2: {  	v57 =	vcvt.s32.f32 v5;
	_ =	sdelay $0x1  }
0x2f3: {  	v6 =	vmul.f32 $9.999999970e-07, v57;
	_ =	sdelay $0x1  }
0x2f4: {  	v6 =	vadd.f32 $-5.000000000e-01, v6;
	_ =	sdelay $0x1  }
0x2f5: {  	v6 =	vtrunc.f32 v6  }
0x2f6: {  	v6 =	vcvt.f32.s32 v6;
	_ =	sdelay $0x1  }
0x2f7: {  	v6 =	vmul.u32 $0xFFF0BDC0, v6;
	_ =	sdelay $0x1  }
0x2f8: {  	v5 =	vadd.s32 v5, v6  }
0x2f9: {  	v6 =	vadd.s32 $0xFFF0BDC0, v5  }
0x2fa: {  	vm0 =	vlt.s32 v6, $0x0  }
0x2fb: {  	v5 =	vsel vm0, v5, v6  }
0x2fc: {  	v6 =	vcvt.s32.f32 v5;
	_ =	sdelay $0x1  }
0x2fd: {  	v6 =	vadd.f32 $5.000000000e-01, v6;
	_ =	sdelay $0x1  }
0x2fe: {  	v6 =	vmul.f32 $1.000000050e-03, v6;
	_ =	sdelay $0x1  }
0x2ff: {  	v6 =	vtrunc.f32 v6  }
0x300: {  	v6 =	vcvt.f32.s32 v6  }
0x301: {  	v58 =	vld.idx.msk [tilespmem:v4+s31+$0x1 ss:$0x1], $0xffff  }
0x302: {  	v59 =	vmul.u32 $0xFFFFFC18, v6;
	_ =	sdelay $0x1  }
0x303: {  	v6 =	vmul.u32 $0xB6DC8, v6;
	v5 =	vadd.s32 v5, v59  }
0x304: {  	v5 =	vmul.u32 $0xA20C5, v5  }
0x305: {  	v6 =	vadd.s32 v6, v58  }
0x306: {  	v5 =	vadd.s32 v5, v6  }
0x307: {  	v5 =	vadd.s32 $0x2, v5  }
0x308: {  	v60 =	vcvt.s32.f32 v5;
	_ =	sdelay $0x1  }
0x309: {  	v6 =	vmul.f32 $9.999999970e-07, v60;
	_ =	sdelay $0x1  }
0x30a: {  	v6 =	vadd.f32 $-5.000000000e-01, v6;
	_ =	sdelay $0x1  }
0x30b: {  	v6 =	vtrunc.f32 v6  }
0x30c: {  	v6 =	vcvt.f32.s32 v6;
	_ =	sdelay $0x1  }
0x30d: {  	v6 =	vmul.u32 $0xFFF0BDC0, v6;
	_ =	sdelay $0x1  }
0x30e: {  	v5 =	vadd.s32 v5, v6  }
0x30f: {  	v6 =	vadd.s32 $0xFFF0BDC0, v5  }
0x310: {  	vm14 =	vlt.s32 v6, $0x0  }
0x311: {  	v5 =	vsel vm14, v5, v6  }
0x312: {  	v6 =	vcvt.s32.f32 v5;
	_ =	sdelay $0x1  }
0x313: {  	v6 =	vadd.f32 $5.000000000e-01, v6;
	_ =	sdelay $0x1  }
0x314: {  	v6 =	vmul.f32 $1.000000050e-03, v6;
	_ =	sdelay $0x1  }
0x315: {  	v6 =	vtrunc.f32 v6  }
0x316: {  	v6 =	vcvt.f32.s32 v6  }
0x317: {  	v61 =	vld.idx.msk [tilespmem:v4+s31+$0x0 ss:$0x1], $0xffff  }
0x318: {  	v62 =	vmul.u32 $0xFFFFFC18, v6;
	_ =	sdelay $0x1  }
0x319: {  	v6 =	vmul.u32 $0x562E8, v6;
	v5 =	vadd.s32 v5, v62  }
0x31a: {  	v5 =	vmul.u32 $0x41071, v5  }
0x31b: {  	v4 =	vadd.s32 v6, v61  }
0x31c: {  	v4 =	vadd.s32 v5, v4  }
0x31d: {  	v4 =	vadd.s32 $0x3, v4  }
0x31e: {  	v63 =	vcvt.s32.f32 v4;
	_ =	sdelay $0x1  }
0x31f: {  	v5 =	vmul.f32 $9.999999970e-07, v63;
	_ =	sdelay $0x1  }
0x320: {  	v5 =	vadd.f32 $-5.000000000e-01, v5;
	_ =	sdelay $0x1  }
0x321: {  	v5 =	vtrunc.f32 v5  }
0x322: {  	v5 =	vcvt.f32.s32 v5;
	_ =	sdelay $0x1  }
0x323: {  	v5 =	vmul.u32 $0xFFF0BDC0, v5;
	_ =	sdelay $0x1  }
0x324: {  	v4 =	vadd.s32 v4, v5  }
0x325: {  	v5 =	vadd.s32 $0xFFF0BDC0, v4  }
0x326: {  	s0 =	sshll.u32 s1, $0xE;
	s10 =	sshll.u32 s30, $0x7;
	vm15 =	vlt.s32 v5, $0x0  }
0x327: {  	s0 =	sand.u32 $0x3FFFC000, s0;
	s10 =	sand.u32 $0x3FFFFF80, s10;
	v4 =	vsel vm15, v4, v5  }
0x328: {  	s0 =	sor.u32 $0x900, s0;
	s10 =	sadd.s32 $0x480, s10;
	[tilespmem:v3+s31+$0x0 ss:$0x1] =	vst.idx.msk $0xffff, v4;
	s31 =	sadd.s32 $0x1, s1  }
0x329: {  	[tilespmem:s0], [sflag:s31] =	stream.indirect.gather [hbm4b:s2+s12], $0x80, s10, s12, $0xb8;
	[tilespmem:$0x18900] =	vst v63  }
.LBB2_12:
0x32a: {  	s0 =	sadd.s32 $0xFFFFFFFA, s26  }
.Ltmp9:
0x32b: {  	s0 =	smin.u32 s26, s0;
	(pc) =	sbr.rel @p0 .LBB2_16-.Ltmp9, $4  }
0x32c: {  	s10 =	sadd.s32 $0x1, s0  }
0x32d: {  	_ =	swait.ge [sflag:s10], $0x4000  }
0x32e: {  	s1 =	sshll.u32 s0, $0x10;
	[sflag:s10] =	ssyncset.done $0x0  }
0x32f: {  	s1 =	sshra.s32 s1, $0x2;
	[sflag:s10] =	ssyncadd.s32 $0xFFFFC000  }
0x330: {  	s10 =	sadd.s32 $0x970, s1  }
0x331: {  	v3 =	vmov s10;
	_ =	sdelay $0x3  }
0x332: {  	s30 =	simm.s32 $0x0  }
0x333: {  	v4 =	vld.idx.msk [tilespmem:v3+s30+$0xFFFFFF90 ss:$0x1], $0xffff;
	_ =	sdelay $0x4  }
0x334: {  	v4 =	vmul.f32 v4, v2;
	_ =	sdelay $0x1  }
0x335: {  	[tilespmem:v3+s30+$0xFFFFFF90 ss:$0x1] =	vst.idx.msk $0xffff, v4  }
0x336: {  	v4 =	vld.idx.msk [tilespmem:v3+s30+$0xFFFFFFA0 ss:$0x1], $0xffff;
	_ =	sdelay $0x4  }
0x337: {  	v4 =	vmul.f32 v4, v2;
	_ =	sdelay $0x1  }
0x338: {  	[tilespmem:v3+s30+$0xFFFFFFA0 ss:$0x1] =	vst.idx.msk $0xffff, v4  }
0x339: {  	v4 =	vld.idx.msk [tilespmem:v3+s30+$0xFFFFFFB0 ss:$0x1], $0xffff;
	_ =	sdelay $0x4  }
0x33a: {  	v4 =	vmul.f32 v4, v2;
	_ =	sdelay $0x1  }
0x33b: {  	[tilespmem:v3+s30+$0xFFFFFFB0 ss:$0x1] =	vst.idx.msk $0xffff, v4  }
0x33c: {  	v4 =	vld.idx.msk [tilespmem:v3+s30+$0xFFFFFFC0 ss:$0x1], $0xffff;
	_ =	sdelay $0x4  }
0x33d: {  	v4 =	vmul.f32 v4, v2;
	_ =	sdelay $0x1  }
0x33e: {  	[tilespmem:v3+s30+$0xFFFFFFC0 ss:$0x1] =	vst.idx.msk $0xffff, v4  }
0x33f: {  	v4 =	vld.idx.msk [tilespmem:v3+s30+$0xFFFFFFD0 ss:$0x1], $0xffff;
	_ =	sdelay $0x4  }
0x340: {  	v4 =	vmul.f32 v4, v2;
	_ =	sdelay $0x1  }
0x341: {  	[tilespmem:v3+s30+$0xFFFFFFD0 ss:$0x1] =	vst.idx.msk $0xffff, v4  }
0x342: {  	v4 =	vld.idx.msk [tilespmem:v3+s30+$0xFFFFFFE0 ss:$0x1], $0xffff;
	_ =	sdelay $0x4  }
0x343: {  	v4 =	vmul.f32 v4, v2;
	_ =	sdelay $0x1  }
0x344: {  	[tilespmem:v3+s30+$0xFFFFFFE0 ss:$0x1] =	vst.idx.msk $0xffff, v4  }
0x345: {  	v4 =	vld.idx.msk [tilespmem:v3+s30+$0xFFFFFFF0 ss:$0x1], $0xffff;
	_ =	sdelay $0x4  }
0x346: {  	v4 =	vmul.f32 v4, v2;
	_ =	sdelay $0x1  }
0x347: {  	[tilespmem:v3+s30+$0xFFFFFFF0 ss:$0x1] =	vst.idx.msk $0xffff, v4  }
0x348: {  	v4 =	vld.idx.msk [tilespmem:v3+s30+$0x0 ss:$0x1], $0xffff;
	_ =	sdelay $0x4  }
0x349: {  	s31 =	simm.s32 $0x200;
	s10 =	simm.s32 $0x400;
	v4 =	vmul.f32 v4, v2  }
.LBB2_14:
0x34a: {  	p1 =	sne.s32 s10, $0xFE00  }
0x34b: {  	[tilespmem:v3+s30+$0x0 ss:$0x1] =	vst.idx.msk $0xffff, v4;
	s30 =	sshra.s32 s31, $0x2;
	s31 =	smov.u32 s10;
	s10 =	sadd.s32 $0x200, s10  }
0x34c: {  	v4 =	vld.idx.msk [tilespmem:v3+s30+$0xFFFFFF90 ss:$0x1], $0xffff;
	_ =	sdelay $0x5  }
0x34d: {  	v4 =	vmul.f32 v4, v2;
	_ =	sdelay $0x1  }
0x34e: {  	[tilespmem:v3+s30+$0xFFFFFF90 ss:$0x1] =	vst.idx.msk $0xffff, v4  }
0x34f: {  	v4 =	vld.idx.msk [tilespmem:v3+s30+$0xFFFFFFA0 ss:$0x1], $0xffff;
	_ =	sdelay $0x5  }
0x350: {  	v4 =	vmul.f32 v4, v2;
	_ =	sdelay $0x1  }
0x351: {  	[tilespmem:v3+s30+$0xFFFFFFA0 ss:$0x1] =	vst.idx.msk $0xffff, v4  }
0x352: {  	v4 =	vld.idx.msk [tilespmem:v3+s30+$0xFFFFFFB0 ss:$0x1], $0xffff;
	_ =	sdelay $0x5  }
0x353: {  	v4 =	vmul.f32 v4, v2;
	_ =	sdelay $0x1  }
0x354: {  	[tilespmem:v3+s30+$0xFFFFFFB0 ss:$0x1] =	vst.idx.msk $0xffff, v4  }
0x355: {  	v4 =	vld.idx.msk [tilespmem:v3+s30+$0xFFFFFFC0 ss:$0x1], $0xffff;
	_ =	sdelay $0x5  }
0x356: {  	v4 =	vmul.f32 v4, v2;
	_ =	sdelay $0x1  }
0x357: {  	[tilespmem:v3+s30+$0xFFFFFFC0 ss:$0x1] =	vst.idx.msk $0xffff, v4  }
0x358: {  	v4 =	vld.idx.msk [tilespmem:v3+s30+$0xFFFFFFD0 ss:$0x1], $0xffff;
	_ =	sdelay $0x5  }
0x359: {  	v4 =	vmul.f32 v4, v2;
	_ =	sdelay $0x1  }
0x35a: {  	[tilespmem:v3+s30+$0xFFFFFFD0 ss:$0x1] =	vst.idx.msk $0xffff, v4  }
0x35b: {  	v4 =	vld.idx.msk [tilespmem:v3+s30+$0xFFFFFFE0 ss:$0x1], $0xffff;
	_ =	sdelay $0x5  }
0x35c: {  	v4 =	vmul.f32 v4, v2;
	_ =	sdelay $0x1  }
0x35d: {  	[tilespmem:v3+s30+$0xFFFFFFE0 ss:$0x1] =	vst.idx.msk $0xffff, v4  }
0x35e: {  	v4 =	vld.idx.msk [tilespmem:v3+s30+$0xFFFFFFF0 ss:$0x1], $0xffff;
	_ =	sdelay $0x5  }
0x35f: {  	v4 =	vmul.f32 v4, v2;
	_ =	sdelay $0x1  }
0x360: {  	[tilespmem:v3+s30+$0xFFFFFFF0 ss:$0x1] =	vst.idx.msk $0xffff, v4  }
0x361: {  	v4 =	vld.idx.msk [tilespmem:v3+s30+$0x0 ss:$0x1], $0xffff;
	_ =	sdelay $0x1  }
.Ltmp10:
0x362: {  	(pc) =	sbr.rel @p1 .LBB2_14-.Ltmp10, $2  }
0x363: {  	_ =	sdelay $0x2  }
0x364: {  	v4 =	vmul.f32 v4, v2  }
0x365: {  	_ =	sdelay $0x3  }
0x366: {  	s10 =	sshra.s32 s31, $0x2;
	[tilespmem:v3+s30+$0x0 ss:$0x1] =	vst.idx.msk $0xffff, v4  }
0x367: {  	v4 =	vld.idx.msk [tilespmem:v3+s10+$0xFFFFFF90 ss:$0x1], $0xffff;
	_ =	sdelay $0x4  }
0x368: {  	v4 =	vmul.f32 v4, v2;
	_ =	sdelay $0x1  }
0x369: {  	[tilespmem:v3+s10+$0xFFFFFF90 ss:$0x1] =	vst.idx.msk $0xffff, v4  }
0x36a: {  	v4 =	vld.idx.msk [tilespmem:v3+s10+$0xFFFFFFA0 ss:$0x1], $0xffff;
	_ =	sdelay $0x4  }
0x36b: {  	v4 =	vmul.f32 v4, v2;
	_ =	sdelay $0x1  }
0x36c: {  	[tilespmem:v3+s10+$0xFFFFFFA0 ss:$0x1] =	vst.idx.msk $0xffff, v4  }
0x36d: {  	v4 =	vld.idx.msk [tilespmem:v3+s10+$0xFFFFFFB0 ss:$0x1], $0xffff;
	_ =	sdelay $0x4  }
0x36e: {  	v4 =	vmul.f32 v4, v2;
	_ =	sdelay $0x1  }
0x36f: {  	[tilespmem:v3+s10+$0xFFFFFFB0 ss:$0x1] =	vst.idx.msk $0xffff, v4  }
0x370: {  	v4 =	vld.idx.msk [tilespmem:v3+s10+$0xFFFFFFC0 ss:$0x1], $0xffff;
	_ =	sdelay $0x4  }
0x371: {  	v4 =	vmul.f32 v4, v2;
	_ =	sdelay $0x1  }
0x372: {  	[tilespmem:v3+s10+$0xFFFFFFC0 ss:$0x1] =	vst.idx.msk $0xffff, v4  }
0x373: {  	v4 =	vld.idx.msk [tilespmem:v3+s10+$0xFFFFFFD0 ss:$0x1], $0xffff;
	_ =	sdelay $0x4  }
0x374: {  	v4 =	vmul.f32 v4, v2;
	_ =	sdelay $0x1  }
0x375: {  	[tilespmem:v3+s10+$0xFFFFFFD0 ss:$0x1] =	vst.idx.msk $0xffff, v4  }
0x376: {  	v4 =	vld.idx.msk [tilespmem:v3+s10+$0xFFFFFFE0 ss:$0x1], $0xffff;
	_ =	sdelay $0x4  }
0x377: {  	v4 =	vmul.f32 v4, v2;
	_ =	sdelay $0x1  }
0x378: {  	[tilespmem:v3+s10+$0xFFFFFFE0 ss:$0x1] =	vst.idx.msk $0xffff, v4  }
0x379: {  	v4 =	vld.idx.msk [tilespmem:v3+s10+$0xFFFFFFF0 ss:$0x1], $0xffff;
	_ =	sdelay $0x4  }
0x37a: {  	v4 =	vmul.f32 v4, v2;
	_ =	sdelay $0x1  }
0x37b: {  	[tilespmem:v3+s10+$0xFFFFFFF0 ss:$0x1] =	vst.idx.msk $0xffff, v4  }
0x37c: {  	v4 =	vld.idx.msk [tilespmem:v3+s10+$0x0 ss:$0x1], $0xffff;
	_ =	sdelay $0x2  }
.Ltmp11:
0x37d: {  	_ = 	snop;
	(pc) =	sbr.rel .LBB2_16-.Ltmp11, $3  }
0x37e: {  	_ = 	snop  }
0x37f: {  	v4 =	vmul.f32 v4, v2;
	_ =	sdelay $0x1  }
0x380: {  	[tilespmem:v3+s10+$0x0 ss:$0x1] =	vst.idx.msk $0xffff, v4  }
.LBB2_18:
0x381: {  	_ =	sfence.sel $0x180000  }
0x382: {  	[bflag:$0x0] =	sbarrier.arrive $0xFFFF  }
0x383: {  	_ =	strace $0x90000047  }
0x384: {  	s0 =	stileid.u32;
	[bflag:$0x2] =	sbarrier.arrive $0xFFFF  }
0x385: {  	p0 =	sne.s32 s0, $0x0;
	s0 =	rddreg [dreg:$0x3]  }
0x386: {  	s0 =	sadd.s32 @!p0 $0x100000, s0  }
0x387: {  	[sflag:s0] =	ssyncadd.tile.s32 @!p0 $0x1;
	_ =	shalt  }
.Lfunc_end2:
_tile_overlayer_lowered:
.L_overlay_start_2:
0x388: {  	(tag) =	ssettag $0x2  }
0x389: {  	s0 =	rddreg [dreg:$0x0];
	s2 =	stileid.u32  }
0x38a: {  	s1 =	rddreg [dreg:$0x1];
	p0 =	sne.s32 s2, $0x0  }
0x38b: {  	s3 =	rddreg [dreg:$0x2];
	[bflag:$0x3] =	sbarrier.arrive $0xFFFF;
	s2 =	simm.s32 @!p0 $0x1C0D  }
0x38c: {  	[timem:s3], [sflag:s2] =	dma.local @!p0 [hbm:s0], s1  }
0x38d: {  	s0 =	simm.s32 @!p0 $0xD  }
0x38e: {  	_ =	swait.ge @!p0 [sflag:s0], s1  }
0x38f: {  	s1 =	ssub.s32 @!p0 $0x0, s1;
	[sflag:s0] =	ssyncset.done @!p0 $0x0  }
0x390: {  	[sflag:s0] =	ssyncadd.s32 @!p0 s1  }
0x391: {  	[bflag:$0x3] =	sbarrier.arrive $0xFFFF  }
0x392: {  	_ =	shalt  }

</sc_bundles>
